<compile_context>
chip_gen: v7x
topology: tpu7x:2x2x1
jax: 0.10.2.dev20260603
libtpu: 0.0.44.dev20260713+nightly
codegen_flags: <defaults>
</compile_context>

<pallas_src>
import functools

import jax
import jax.numpy as jnp
from jax import lax
from jax.experimental import pallas as pl
from jax.experimental.pallas import tpu as pltpu
from jax.experimental.pallas import tpu_sc as plsc

_B = 16384
_D = 64
_NC = 2
_NS = 16
_NW = _NC * _NS
_BPW = _B // _NW
_CH = 128
_NCH = _BPW // _CH
_NBUF = 4

_GRID = 16
_T = _B // _GRID
_EPS = 1e-5


def _gather_body(pu_hbm, pi_hbm, gu_t, gi_t, mu_t, mi_t,
                 gu_o, gi_o, mu_o, mi_o,
                 uidx, iidx, bufs, gsems, wsem):
    wid = lax.axis_index("s") * _NC + lax.axis_index("c")
    base = wid * _BPW
    for c in range(_NCH):
        pltpu.sync_copy(pu_hbm.at[pl.ds(base + c * _CH, _CH)], uidx.at[c])
        pltpu.sync_copy(pi_hbm.at[pl.ds(base + c * _CH, _CH)], iidx.at[c])

    plan = []
    for tab, out, idx in ((gu_t, gu_o, uidx), (gi_t, gi_o, iidx),
                          (mu_t, mu_o, uidx), (mi_t, mi_o, iidx)):
        for c in range(_NCH):
            plan.append((tab, out, idx, c))

    n = len(plan)
    gets = [None] * n
    puts = [None] * n

    def fire(k):
        tab, _, idx, c = plan[k]
        gets[k] = pltpu.async_copy(tab.at[idx.at[c]], bufs[k % _NBUF],
                                   gsems[k % _NBUF])

    for k in range(_NBUF):
        fire(k)
    for k in range(n):
        _, out, _, c = plan[k]
        gets[k].wait()
        puts[k] = pltpu.async_copy(
            bufs[k % _NBUF], out.at[pl.ds(base + c * _CH, _CH)], wsem)
        if k + _NBUF < n:
            puts[k].wait()
            fire(k + _NBUF)
    for k in range(n - _NBUF, n):
        puts[k].wait()


@functools.cache
def _gather4():
    body = lambda *refs: _gather_body(refs[0], refs[1], refs[2], refs[3],
                                      refs[4], refs[5], refs[6], refs[7],
                                      refs[8], refs[9], refs[10], refs[11],
                                      list(refs[12:12 + _NBUF]),
                                      list(refs[12 + _NBUF:12 + 2 * _NBUF]),
                                      refs[12 + 2 * _NBUF])
    return pl.kernel(
        body,
        out_type=[jax.ShapeDtypeStruct((_B, 2 * _D), jnp.float32)] * 4,
        mesh=plsc.VectorSubcoreMesh(core_axis_name="c", subcore_axis_name="s"),
        scratch_types=(
            [pltpu.VMEM((_NCH, _CH), jnp.int32)] * 2
            + [pltpu.VMEM((_CH, 2 * _D), jnp.float32)] * _NBUF
            + [pltpu.SemaphoreType.DMA] * _NBUF
            + [pltpu.SemaphoreType.DMA]
        ),
    )


def _half(x, par):
    return jnp.where(par, x[:, _D:], x[:, :_D])


def _accum_stats(stats_ref, p, width):
    s = jnp.sum(p, axis=0, keepdims=True)
    sq = jnp.sum(p * p, axis=0, keepdims=True)
    if width < 128:
        z = jnp.zeros((1, 128 - width), jnp.float32)
        s = jnp.concatenate([s, z], axis=1)
        sq = jnp.concatenate([sq, z], axis=1)
    contrib = jnp.concatenate([s, sq, jnp.zeros((6, 128), jnp.float32)], axis=0)
    i = pl.program_id(0)

    @pl.when(i == 0)
    def _():
        stats_ref[...] = contrib

    @pl.when(i > 0)
    def _():
        stats_ref[...] = stats_ref[...] + contrib


def _norm_from_stats(stats, width, gamma, beta):
    mean = stats[0:1, :width] * (1.0 / _B)
    var = stats[1:2, :width] * (1.0 / _B) - mean * mean
    a = gamma * lax.rsqrt(var + _EPS)
    return mean, a, beta


def _l1_body(mu2, mi2, gu2, gi2, paru, pari, w1, vecs, pre1, gmfd, stats):
    v = vecs[...]
    b1, wg = v[0:1], v[7:8, :64]
    pu = paru[...] != 0
    pi = pari[...] != 0
    mu = _half(mu2[...], pu)
    mi = _half(mi2[...], pi)
    h = (jnp.dot(mu, w1[0:_D], preferred_element_type=jnp.float32)
         + jnp.dot(mi, w1[_D:2 * _D], preferred_element_type=jnp.float32)
         + b1)
    p = jnp.maximum(h, 0.0)
    pre1[...] = p
    gmf = _half(gu2[...], pu) * _half(gi2[...], pi)
    gmfd[...] = jnp.sum(gmf * wg, axis=1, keepdims=True)
    _accum_stats(stats, p, 128)


def _l2_body(pre1, stats1, w2, vecs, pre2, stats):
    v = vecs[...]
    m1, a1, be1 = _norm_from_stats(stats1[...], 128, v[1:2], v[2:3])
    b2 = v[3:4, :64]
    norm = (pre1[...] - m1) * a1 + be1
    p = jnp.maximum(jnp.dot(norm, w2[...], preferred_element_type=jnp.float32)
                    + b2, 0.0)
    pre2[...] = p
    _accum_stats(stats, p, 64)


def _l3_body(pre2, stats2, w3, vecs, pre3, stats):
    v = vecs[...]
    m2, a2, be2 = _norm_from_stats(stats2[...], 64, v[4:5, :64], v[5:6, :64])
    b3 = v[6:7, :32]
    norm = (pre2[...] - m2) * a2 + be2
    p = jnp.maximum(jnp.dot(norm, w3[...], preferred_element_type=jnp.float32)
                    + b3, 0.0)
    pre3[...] = p
    _accum_stats(stats, p, 32)


def _l4_body(pre3, stats3, gmfd, vecs, out):
    v = vecs[...]
    m3, a3, be3 = _norm_from_stats(stats3[...], 32, v[6:7, 32:64],
                                   v[6:7, 64:96])
    wh, pb = v[7:8, 64:96], v[6:7, 96]
    norm = (pre3[...] - m3) * a3 + be3
    out[...] = gmfd[...] + jnp.sum(norm * wh, axis=1, keepdims=True) + pb


def _tile_spec(width):
    return pl.BlockSpec((_T, width), lambda i: (i, 0))


_CONST8 = pl.BlockSpec((8, 128), lambda i: (0, 0))
_STATS_TY = jax.ShapeDtypeStruct((8, 128), jnp.float32)


def kernel(user_ids, item_ids, params):
    pu = lax.shift_right_logical(user_ids, 1)
    pi = lax.shift_right_logical(item_ids, 1)

    gu2, gi2, mu2, mi2 = _gather4()(
        pu, pi,
        params['gmf_user'].reshape(-1, 2 * _D),
        params['gmf_item'].reshape(-1, 2 * _D),
        params['mlp_user'].reshape(-1, 2 * _D),
        params['mlp_item'].reshape(-1, 2 * _D))

    (w1, b1, g1, be1), (w2, b2, g2, be2), (w3, b3, g3, be3) = params['mlp']
    pw = params['pred_W'][:, 0]
    z64 = jnp.zeros((64,), jnp.float32)
    row6 = jnp.concatenate([b3, g3, be3, params['pred_b'],
                            jnp.zeros((31,), jnp.float32)])
    row7 = jnp.concatenate([pw, jnp.zeros((32,), jnp.float32)])
    vecs = jnp.stack([
        b1, g1, be1,
        jnp.concatenate([b2, z64]),
        jnp.concatenate([g2, z64]),
        jnp.concatenate([be2, z64]),
        row6, row7,
    ])
    paru = (user_ids & 1).reshape(_B, 1)
    pari = (item_ids & 1).reshape(_B, 1)

    wspec = pl.BlockSpec((128, 128), lambda i: (0, 0))
    pre1, gmfd, stats1 = pl.pallas_call(
        _l1_body,
        grid=(_GRID,),
        in_specs=[_tile_spec(128), _tile_spec(128), _tile_spec(128),
                  _tile_spec(128), _tile_spec(1), _tile_spec(1),
                  wspec, _CONST8],
        out_specs=[_tile_spec(128), _tile_spec(1), _CONST8],
        out_shape=[jax.ShapeDtypeStruct((_B, 128), jnp.float32),
                   jax.ShapeDtypeStruct((_B, 1), jnp.float32),
                   _STATS_TY],
        compiler_params=pltpu.CompilerParams(
            dimension_semantics=("arbitrary",)),
    )(mu2, mi2, gu2, gi2, paru, pari, w1, vecs)

    pre2, stats2 = pl.pallas_call(
        _l2_body,
        grid=(_GRID,),
        in_specs=[_tile_spec(128), _CONST8,
                  pl.BlockSpec((128, 64), lambda i: (0, 0)), _CONST8],
        out_specs=[_tile_spec(64), _CONST8],
        out_shape=[jax.ShapeDtypeStruct((_B, 64), jnp.float32), _STATS_TY],
        compiler_params=pltpu.CompilerParams(
            dimension_semantics=("arbitrary",)),
    )(pre1, stats1, w2, vecs)

    pre3, stats3 = pl.pallas_call(
        _l3_body,
        grid=(_GRID,),
        in_specs=[_tile_spec(64), _CONST8,
                  pl.BlockSpec((64, 32), lambda i: (0, 0)), _CONST8],
        out_specs=[_tile_spec(32), _CONST8],
        out_shape=[jax.ShapeDtypeStruct((_B, 32), jnp.float32), _STATS_TY],
        compiler_params=pltpu.CompilerParams(
            dimension_semantics=("arbitrary",)),
    )(pre2, stats2, w3, vecs)

    pred = pl.pallas_call(
        _l4_body,
        grid=(_GRID,),
        in_specs=[_tile_spec(32), _CONST8, _tile_spec(1), _CONST8],
        out_specs=_tile_spec(1),
        out_shape=jax.ShapeDtypeStruct((_B, 1), jnp.float32),
        compiler_params=pltpu.CompilerParams(
            dimension_semantics=("arbitrary",)),
    )(pre3, stats3, gmfd, vecs)
    return pred.reshape(_B)

# --- scband reference (transcript-rebuilt; emitter-appended) ---
"""Pipeline reference for scband-neural-cf-52149492908609 (READ-ONLY COPY).

The authoritative reference and input builder live on the scoring server;
editing this copy changes nothing except your own understanding.
"""

import jax, jax.numpy as jnp
import numpy as np

N_USERS = 1000000
N_ITEMS = 1000000
EMBED_DIM = 64
MLP_LAYERS = [128, 64, 32]
BATCH = 16384


def _batchnorm(x, gamma, beta, eps=1e-5):
    mean = jnp.mean(x, axis=0)
    var = jnp.var(x, axis=0)
    return (x - mean) / jnp.sqrt(var + eps) * gamma + beta


def setup_inputs(seed: int = 0) -> dict:
    key = jax.random.key(seed)
    ks = jax.random.split(key, 16)
    user_ids = jax.random.randint(ks[0], (BATCH,), 0, N_USERS, dtype=jnp.int64 if jax.config.jax_enable_x64 else jnp.int32).astype(jnp.int32)
    item_ids = jax.random.randint(ks[1], (BATCH,), 0, N_ITEMS, dtype=jnp.int32)
    params = {}
    params['gmf_user'] = 0.01 * jax.random.normal(ks[2], (N_USERS, EMBED_DIM), dtype=jnp.float32)
    params['gmf_item'] = 0.01 * jax.random.normal(ks[3], (N_ITEMS, EMBED_DIM), dtype=jnp.float32)
    params['mlp_user'] = 0.01 * jax.random.normal(ks[4], (N_USERS, EMBED_DIM), dtype=jnp.float32)
    params['mlp_item'] = 0.01 * jax.random.normal(ks[5], (N_ITEMS, EMBED_DIM), dtype=jnp.float32)
    mlp = []
    in_size = EMBED_DIM * 2
    kidx = 6
    for out_size in MLP_LAYERS:
        bound = float(np.sqrt(6.0 / (in_size + out_size)))
        W = jax.random.uniform(ks[kidx], (in_size, out_size), minval=-bound, maxval=bound, dtype=jnp.float32)
        b = jnp.zeros((out_size,), dtype=jnp.float32)
        gamma = jnp.ones((out_size,), dtype=jnp.float32)
        beta = jnp.zeros((out_size,), dtype=jnp.float32)
        mlp.append((W, b, gamma, beta))
        in_size = out_size
        kidx += 1
    params['mlp'] = mlp
    pred_in = EMBED_DIM + MLP_LAYERS[-1]
    bound = float(np.sqrt(6.0 / (pred_in + 1)))
    params['pred_W'] = jax.random.uniform(ks[kidx], (pred_in, 1), minval=-bound, maxval=bound, dtype=jnp.float32)
    params['pred_b'] = jnp.zeros((1,), dtype=jnp.float32)
    return {'user_ids': user_ids, 'item_ids': item_ids, 'params': params}


def reference(user_ids, item_ids, params):
    # GMF branch: two embedding gathers + elementwise product
    gmf_user = jnp.take(params['gmf_user'], user_ids, axis=0)
    gmf_item = jnp.take(params['gmf_item'], item_ids, axis=0)
    gmf_vector = gmf_user * gmf_item
    # MLP branch: two embedding gathers + concat + MLP with BN (batch stats, dropout as identity)
    mlp_user = jnp.take(params['mlp_user'], user_ids, axis=0)
    mlp_item = jnp.take(params['mlp_item'], item_ids, axis=0)
    h = jnp.concatenate([mlp_user, mlp_item], axis=-1)
    for (W, b, gamma, beta) in params['mlp']:
        h = h @ W + b
        h = jax.nn.relu(h)
        h = _batchnorm(h, gamma, beta)
    combined = jnp.concatenate([gmf_vector, h], axis=-1)
    prediction = combined @ params['pred_W'] + params['pred_b']
    return jnp.squeeze(prediction, axis=-1)

if __name__ == "__main__":
    import jax
    _d = setup_inputs()
    print(jax.jit(kernel)(*tuple(_d.values())))

</pallas_src>

<mosaic_0001>
#map = affine_map<(d0, d1) -> (0)>
#map1 = affine_map<(d0, d1) -> (0, 0)>
module attributes {stable_mosaic.version = 14 : i64} {
  func.func @_lambda_(%arg0: i32, %arg1: i32, %arg2: memref<16384xi32, #tpu.memory_space<hbm>>, %arg3: memref<16384xi32, #tpu.memory_space<hbm>>, %arg4: memref<500000x128xf32, #tpu.memory_space<hbm>>, %arg5: memref<500000x128xf32, #tpu.memory_space<hbm>>, %arg6: memref<500000x128xf32, #tpu.memory_space<hbm>>, %arg7: memref<500000x128xf32, #tpu.memory_space<hbm>>, %arg8: memref<16384x128xf32, #tpu.memory_space<hbm>>, %arg9: memref<16384x128xf32, #tpu.memory_space<hbm>>, %arg10: memref<16384x128xf32, #tpu.memory_space<hbm>>, %arg11: memref<16384x128xf32, #tpu.memory_space<hbm>>, %arg12: memref<4x128xi32, #tpu.memory_space<vmem>>, %arg13: memref<4x128xi32, #tpu.memory_space<vmem>>, %arg14: memref<128x128xf32, #tpu.memory_space<vmem>>, %arg15: memref<128x128xf32, #tpu.memory_space<vmem>>, %arg16: memref<128x128xf32, #tpu.memory_space<vmem>>, %arg17: memref<128x128xf32, #tpu.memory_space<vmem>>, %arg18: memref<!tpu.dma_semaphore, #tpu.memory_space<semaphore_mem>>, %arg19: memref<!tpu.dma_semaphore, #tpu.memory_space<semaphore_mem>>, %arg20: memref<!tpu.dma_semaphore, #tpu.memory_space<semaphore_mem>>, %arg21: memref<!tpu.dma_semaphore, #tpu.memory_space<semaphore_mem>>, %arg22: memref<!tpu.dma_semaphore, #tpu.memory_space<semaphore_mem>>) attributes {dimension_semantics = [#tpu.dimension_semantics<core_parallel>, #tpu.dimension_semantics<subcore_parallel>], iteration_bounds = array<i64: 2, 16>, scalar_prefetch = 0 : i64, scratch_operands = 11 : i64, tpu.core_type = #tpu.core_type<sc_vector_subcore>, window_params = [{transform_indices = #map}, {transform_indices = #map}, {transform_indices = #map1}, {transform_indices = #map1}, {transform_indices = #map1}, {transform_indices = #map1}, {transform_indices = #map1}, {transform_indices = #map1}, {transform_indices = #map1}, {transform_indices = #map1}]} {
    %mul3A = arith.constant 2 : i32
    %mul3A_0 = arith.muli %arg1, %mul3A : i32
    %add3A = arith.addi %mul3A_0, %arg0 : i32
    %mul3A_1 = arith.constant 512 : i32
    %mul3A_2 = arith.muli %add3A, %mul3A_1 : i32
    %add3A_3 = arith.constant 0 : i32
    %add3A_4 = arith.addi %mul3A_2, %add3A_3 : i32
    %run_scoped3A = arith.constant 0 : i32
    "tpu.region"() ({
      %run_scoped3A_408 = tpu.sem_alloc : memref<!tpu.dma_semaphore, #tpu.memory_space<semaphore_mem>>
      %dma_start3A_409 = arith.constant 0 : i32
      %dma_start3A_410 = tpu.memref_slice %arg12[%run_scoped3A, %dma_start3A_409] : memref<4x128xi32, #tpu.memory_space<vmem>> -> memref<1x128xi32, #tpu.memory_space<vmem>>
      %dma_start3A_411 = tpu.memref_squeeze %dma_start3A_410 : memref<1x128xi32, #tpu.memory_space<vmem>> -> memref<128xi32, #tpu.memory_space<vmem>>
      %dma_start3A_412 = tpu.memref_slice %arg2[%add3A_4] : memref<16384xi32, #tpu.memory_space<hbm>> -> memref<128xi32, #tpu.memory_space<hbm>>
      %dma_start3A_413 = arith.constant 0 : i32
      %dma_start3A_414 = tpu.memref_slice %arg12[%run_scoped3A, %dma_start3A_413] : memref<4x128xi32, #tpu.memory_space<vmem>> -> memref<1x128xi32, #tpu.memory_space<vmem>>
      %dma_start3A_415 = tpu.memref_squeeze %dma_start3A_414 : memref<1x128xi32, #tpu.memory_space<vmem>> -> memref<128xi32, #tpu.memory_space<vmem>>
      %dma_start3A_416 = tpu.memref_slice %arg2[%add3A_4] : memref<16384xi32, #tpu.memory_space<hbm>> -> memref<128xi32, #tpu.memory_space<hbm>>
      tpu.enqueue_dma source(%dma_start3A_416 : memref<128xi32, #tpu.memory_space<hbm>>) target(%dma_start3A_415 : memref<128xi32, #tpu.memory_space<vmem>>) target_semaphore(%run_scoped3A_408 : memref<!tpu.dma_semaphore, #tpu.memory_space<semaphore_mem>>)
      %dma_wait3A_417 = arith.constant 0 : i32
      %dma_wait3A_418 = tpu.memref_slice %arg12[%run_scoped3A, %dma_wait3A_417] : memref<4x128xi32, #tpu.memory_space<vmem>> -> memref<1x128xi32, #tpu.memory_space<vmem>>
      %dma_wait3A_419 = tpu.memref_squeeze %dma_wait3A_418 : memref<1x128xi32, #tpu.memory_space<vmem>> -> memref<128xi32, #tpu.memory_space<vmem>>
      %dma_wait3A_420 = tpu.memref_slice %arg2[%add3A_4] : memref<16384xi32, #tpu.memory_space<hbm>> -> memref<128xi32, #tpu.memory_space<hbm>>
      %dma_wait3A_421 = arith.constant 0 : i32
      %dma_wait3A_422 = tpu.memref_slice %arg12[%run_scoped3A, %dma_wait3A_421] : memref<4x128xi32, #tpu.memory_space<vmem>> -> memref<1x128xi32, #tpu.memory_space<vmem>>
      %dma_wait3A_423 = tpu.memref_squeeze %dma_wait3A_422 : memref<1x128xi32, #tpu.memory_space<vmem>> -> memref<128xi32, #tpu.memory_space<vmem>>
      %dma_wait3A_424 = tpu.memref_slice %arg2[%add3A_4] : memref<16384xi32, #tpu.memory_space<hbm>> -> memref<128xi32, #tpu.memory_space<hbm>>
      tpu.wait_dma2 semaphore(%run_scoped3A_408 : memref<!tpu.dma_semaphore, #tpu.memory_space<semaphore_mem>>) src(%dma_wait3A_424 : memref<128xi32, #tpu.memory_space<hbm>>) dst(%dma_wait3A_423 : memref<128xi32, #tpu.memory_space<vmem>>)
      tpu.yield
    }) : () -> ()
    %add3A_5 = arith.constant 0 : i32
    %add3A_6 = arith.addi %mul3A_2, %add3A_5 : i32
    %run_scoped3A_7 = arith.constant 0 : i32
    "tpu.region"() ({
      %run_scoped3A_408 = tpu.sem_alloc : memref<!tpu.dma_semaphore, #tpu.memory_space<semaphore_mem>>
      %dma_start3A_409 = arith.constant 0 : i32
      %dma_start3A_410 = tpu.memref_slice %arg13[%run_scoped3A_7, %dma_start3A_409] : memref<4x128xi32, #tpu.memory_space<vmem>> -> memref<1x128xi32, #tpu.memory_space<vmem>>
      %dma_start3A_411 = tpu.memref_squeeze %dma_start3A_410 : memref<1x128xi32, #tpu.memory_space<vmem>> -> memref<128xi32, #tpu.memory_space<vmem>>
      %dma_start3A_412 = tpu.memref_slice %arg3[%add3A_6] : memref<16384xi32, #tpu.memory_space<hbm>> -> memref<128xi32, #tpu.memory_space<hbm>>
      %dma_start3A_413 = arith.constant 0 : i32
      %dma_start3A_414 = tpu.memref_slice %arg13[%run_scoped3A_7, %dma_start3A_413] : memref<4x128xi32, #tpu.memory_space<vmem>> -> memref<1x128xi32, #tpu.memory_space<vmem>>
      %dma_start3A_415 = tpu.memref_squeeze %dma_start3A_414 : memref<1x128xi32, #tpu.memory_space<vmem>> -> memref<128xi32, #tpu.memory_space<vmem>>
      %dma_start3A_416 = tpu.memref_slice %arg3[%add3A_6] : memref<16384xi32, #tpu.memory_space<hbm>> -> memref<128xi32, #tpu.memory_space<hbm>>
      tpu.enqueue_dma source(%dma_start3A_416 : memref<128xi32, #tpu.memory_space<hbm>>) target(%dma_start3A_415 : memref<128xi32, #tpu.memory_space<vmem>>) target_semaphore(%run_scoped3A_408 : memref<!tpu.dma_semaphore, #tpu.memory_space<semaphore_mem>>)
      %dma_wait3A_417 = arith.constant 0 : i32
      %dma_wait3A_418 = tpu.memref_slice %arg13[%run_scoped3A_7, %dma_wait3A_417] : memref<4x128xi32, #tpu.memory_space<vmem>> -> memref<1x128xi32, #tpu.memory_space<vmem>>
      %dma_wait3A_419 = tpu.memref_squeeze %dma_wait3A_418 : memref<1x128xi32, #tpu.memory_space<vmem>> -> memref<128xi32, #tpu.memory_space<vmem>>
      %dma_wait3A_420 = tpu.memref_slice %arg3[%add3A_6] : memref<16384xi32, #tpu.memory_space<hbm>> -> memref<128xi32, #tpu.memory_space<hbm>>
      %dma_wait3A_421 = arith.constant 0 : i32
      %dma_wait3A_422 = tpu.memref_slice %arg13[%run_scoped3A_7, %dma_wait3A_421] : memref<4x128xi32, #tpu.memory_space<vmem>> -> memref<1x128xi32, #tpu.memory_space<vmem>>
      %dma_wait3A_423 = tpu.memref_squeeze %dma_wait3A_422 : memref<1x128xi32, #tpu.memory_space<vmem>> -> memref<128xi32, #tpu.memory_space<vmem>>
      %dma_wait3A_424 = tpu.memref_slice %arg3[%add3A_6] : memref<16384xi32, #tpu.memory_space<hbm>> -> memref<128xi32, #tpu.memory_space<hbm>>
      tpu.wait_dma2 semaphore(%run_scoped3A_408 : memref<!tpu.dma_semaphore, #tpu.memory_space<semaphore_mem>>) src(%dma_wait3A_424 : memref<128xi32, #tpu.memory_space<hbm>>) dst(%dma_wait3A_423 : memref<128xi32, #tpu.memory_space<vmem>>)
      tpu.yield
    }) : () -> ()
    %add3A_8 = arith.constant 128 : i32
    %add3A_9 = arith.addi %mul3A_2, %add3A_8 : i32
    %run_scoped3A_10 = arith.constant 1 : i32
    "tpu.region"() ({
      %run_scoped3A_408 = tpu.sem_alloc : memref<!tpu.dma_semaphore, #tpu.memory_space<semaphore_mem>>
      %dma_start3A_409 = arith.constant 0 : i32
      %dma_start3A_410 = tpu.memref_slice %arg12[%run_scoped3A_10, %dma_start3A_409] : memref<4x128xi32, #tpu.memory_space<vmem>> -> memref<1x128xi32, #tpu.memory_space<vmem>>
      %dma_start3A_411 = tpu.memref_squeeze %dma_start3A_410 : memref<1x128xi32, #tpu.memory_space<vmem>> -> memref<128xi32, #tpu.memory_space<vmem>>
      %dma_start3A_412 = tpu.memref_slice %arg2[%add3A_9] : memref<16384xi32, #tpu.memory_space<hbm>> -> memref<128xi32, #tpu.memory_space<hbm>>
      %dma_start3A_413 = arith.constant 0 : i32
      %dma_start3A_414 = tpu.memref_slice %arg12[%run_scoped3A_10, %dma_start3A_413] : memref<4x128xi32, #tpu.memory_space<vmem>> -> memref<1x128xi32, #tpu.memory_space<vmem>>
      %dma_start3A_415 = tpu.memref_squeeze %dma_start3A_414 : memref<1x128xi32, #tpu.memory_space<vmem>> -> memref<128xi32, #tpu.memory_space<vmem>>
      %dma_start3A_416 = tpu.memref_slice %arg2[%add3A_9] : memref<16384xi32, #tpu.memory_space<hbm>> -> memref<128xi32, #tpu.memory_space<hbm>>
      tpu.enqueue_dma source(%dma_start3A_416 : memref<128xi32, #tpu.memory_space<hbm>>) target(%dma_start3A_415 : memref<128xi32, #tpu.memory_space<vmem>>) target_semaphore(%run_scoped3A_408 : memref<!tpu.dma_semaphore, #tpu.memory_space<semaphore_mem>>)
      %dma_wait3A_417 = arith.constant 0 : i32
      %dma_wait3A_418 = tpu.memref_slice %arg12[%run_scoped3A_10, %dma_wait3A_417] : memref<4x128xi32, #tpu.memory_space<vmem>> -> memref<1x128xi32, #tpu.memory_space<vmem>>
      %dma_wait3A_419 = tpu.memref_squeeze %dma_wait3A_418 : memref<1x128xi32, #tpu.memory_space<vmem>> -> memref<128xi32, #tpu.memory_space<vmem>>
      %dma_wait3A_420 = tpu.memref_slice %arg2[%add3A_9] : memref<16384xi32, #tpu.memory_space<hbm>> -> memref<128xi32, #tpu.memory_space<hbm>>
      %dma_wait3A_421 = arith.constant 0 : i32
      %dma_wait3A_422 = tpu.memref_slice %arg12[%run_scoped3A_10, %dma_wait3A_421] : memref<4x128xi32, #tpu.memory_space<vmem>> -> memref<1x128xi32, #tpu.memory_space<vmem>>
      %dma_wait3A_423 = tpu.memref_squeeze %dma_wait3A_422 : memref<1x128xi32, #tpu.memory_space<vmem>> -> memref<128xi32, #tpu.memory_space<vmem>>
      %dma_wait3A_424 = tpu.memref_slice %arg2[%add3A_9] : memref<16384xi32, #tpu.memory_space<hbm>> -> memref<128xi32, #tpu.memory_space<hbm>>
      tpu.wait_dma2 semaphore(%run_scoped3A_408 : memref<!tpu.dma_semaphore, #tpu.memory_space<semaphore_mem>>) src(%dma_wait3A_424 : memref<128xi32, #tpu.memory_space<hbm>>) dst(%dma_wait3A_423 : memref<128xi32, #tpu.memory_space<vmem>>)
      tpu.yield
    }) : () -> ()
    %add3A_11 = arith.constant 128 : i32
    %add3A_12 = arith.addi %mul3A_2, %add3A_11 : i32
    %run_scoped3A_13 = arith.constant 1 : i32
    "tpu.region"() ({
      %run_scoped3A_408 = tpu.sem_alloc : memref<!tpu.dma_semaphore, #tpu.memory_space<semaphore_mem>>
      %dma_start3A_409 = arith.constant 0 : i32
      %dma_start3A_410 = tpu.memref_slice %arg13[%run_scoped3A_13, %dma_start3A_409] : memref<4x128xi32, #tpu.memory_space<vmem>> -> memref<1x128xi32, #tpu.memory_space<vmem>>
      %dma_start3A_411 = tpu.memref_squeeze %dma_start3A_410 : memref<1x128xi32, #tpu.memory_space<vmem>> -> memref<128xi32, #tpu.memory_space<vmem>>
      %dma_start3A_412 = tpu.memref_slice %arg3[%add3A_12] : memref<16384xi32, #tpu.memory_space<hbm>> -> memref<128xi32, #tpu.memory_space<hbm>>
      %dma_start3A_413 = arith.constant 0 : i32
      %dma_start3A_414 = tpu.memref_slice %arg13[%run_scoped3A_13, %dma_start3A_413] : memref<4x128xi32, #tpu.memory_space<vmem>> -> memref<1x128xi32, #tpu.memory_space<vmem>>
      %dma_start3A_415 = tpu.memref_squeeze %dma_start3A_414 : memref<1x128xi32, #tpu.memory_space<vmem>> -> memref<128xi32, #tpu.memory_space<vmem>>
      %dma_start3A_416 = tpu.memref_slice %arg3[%add3A_12] : memref<16384xi32, #tpu.memory_space<hbm>> -> memref<128xi32, #tpu.memory_space<hbm>>
      tpu.enqueue_dma source(%dma_start3A_416 : memref<128xi32, #tpu.memory_space<hbm>>) target(%dma_start3A_415 : memref<128xi32, #tpu.memory_space<vmem>>) target_semaphore(%run_scoped3A_408 : memref<!tpu.dma_semaphore, #tpu.memory_space<semaphore_mem>>)
      %dma_wait3A_417 = arith.constant 0 : i32
      %dma_wait3A_418 = tpu.memref_slice %arg13[%run_scoped3A_13, %dma_wait3A_417] : memref<4x128xi32, #tpu.memory_space<vmem>> -> memref<1x128xi32, #tpu.memory_space<vmem>>
      %dma_wait3A_419 = tpu.memref_squeeze %dma_wait3A_418 : memref<1x128xi32, #tpu.memory_space<vmem>> -> memref<128xi32, #tpu.memory_space<vmem>>
      %dma_wait3A_420 = tpu.memref_slice %arg3[%add3A_12] : memref<16384xi32, #tpu.memory_space<hbm>> -> memref<128xi32, #tpu.memory_space<hbm>>
      %dma_wait3A_421 = arith.constant 0 : i32
      %dma_wait3A_422 = tpu.memref_slice %arg13[%run_scoped3A_13, %dma_wait3A_421] : memref<4x128xi32, #tpu.memory_space<vmem>> -> memref<1x128xi32, #tpu.memory_space<vmem>>
      %dma_wait3A_423 = tpu.memref_squeeze %dma_wait3A_422 : memref<1x128xi32, #tpu.memory_space<vmem>> -> memref<128xi32, #tpu.memory_space<vmem>>
      %dma_wait3A_424 = tpu.memref_slice %arg3[%add3A_12] : memref<16384xi32, #tpu.memory_space<hbm>> -> memref<128xi32, #tpu.memory_space<hbm>>
      tpu.wait_dma2 semaphore(%run_scoped3A_408 : memref<!tpu.dma_semaphore, #tpu.memory_space<semaphore_mem>>) src(%dma_wait3A_424 : memref<128xi32, #tpu.memory_space<hbm>>) dst(%dma_wait3A_423 : memref<128xi32, #tpu.memory_space<vmem>>)
      tpu.yield
    }) : () -> ()
    %add3A_14 = arith.constant 256 : i32
    %add3A_15 = arith.addi %mul3A_2, %add3A_14 : i32
    %run_scoped3A_16 = arith.constant 2 : i32
    "tpu.region"() ({
      %run_scoped3A_408 = tpu.sem_alloc : memref<!tpu.dma_semaphore, #tpu.memory_space<semaphore_mem>>
      %dma_start3A_409 = arith.constant 0 : i32
      %dma_start3A_410 = tpu.memref_slice %arg12[%run_scoped3A_16, %dma_start3A_409] : memref<4x128xi32, #tpu.memory_space<vmem>> -> memref<1x128xi32, #tpu.memory_space<vmem>>
      %dma_start3A_411 = tpu.memref_squeeze %dma_start3A_410 : memref<1x128xi32, #tpu.memory_space<vmem>> -> memref<128xi32, #tpu.memory_space<vmem>>
      %dma_start3A_412 = tpu.memref_slice %arg2[%add3A_15] : memref<16384xi32, #tpu.memory_space<hbm>> -> memref<128xi32, #tpu.memory_space<hbm>>
      %dma_start3A_413 = arith.constant 0 : i32
      %dma_start3A_414 = tpu.memref_slice %arg12[%run_scoped3A_16, %dma_start3A_413] : memref<4x128xi32, #tpu.memory_space<vmem>> -> memref<1x128xi32, #tpu.memory_space<vmem>>
      %dma_start3A_415 = tpu.memref_squeeze %dma_start3A_414 : memref<1x128xi32, #tpu.memory_space<vmem>> -> memref<128xi32, #tpu.memory_space<vmem>>
      %dma_start3A_416 = tpu.memref_slice %arg2[%add3A_15] : memref<16384xi32, #tpu.memory_space<hbm>> -> memref<128xi32, #tpu.memory_space<hbm>>
      tpu.enqueue_dma source(%dma_start3A_416 : memref<128xi32, #tpu.memory_space<hbm>>) target(%dma_start3A_415 : memref<128xi32, #tpu.memory_space<vmem>>) target_semaphore(%run_scoped3A_408 : memref<!tpu.dma_semaphore, #tpu.memory_space<semaphore_mem>>)
      %dma_wait3A_417 = arith.constant 0 : i32
      %dma_wait3A_418 = tpu.memref_slice %arg12[%run_scoped3A_16, %dma_wait3A_417] : memref<4x128xi32, #tpu.memory_space<vmem>> -> memref<1x128xi32, #tpu.memory_space<vmem>>
      %dma_wait3A_419 = tpu.memref_squeeze %dma_wait3A_418 : memref<1x128xi32, #tpu.memory_space<vmem>> -> memref<128xi32, #tpu.memory_space<vmem>>
      %dma_wait3A_420 = tpu.memref_slice %arg2[%add3A_15] : memref<16384xi32, #tpu.memory_space<hbm>> -> memref<128xi32, #tpu.memory_space<hbm>>
      %dma_wait3A_421 = arith.constant 0 : i32
      %dma_wait3A_422 = tpu.memref_slice %arg12[%run_scoped3A_16, %dma_wait3A_421] : memref<4x128xi32, #tpu.memory_space<vmem>> -> memref<1x128xi32, #tpu.memory_space<vmem>>
      %dma_wait3A_423 = tpu.memref_squeeze %dma_wait3A_422 : memref<1x128xi32, #tpu.memory_space<vmem>> -> memref<128xi32, #tpu.memory_space<vmem>>
      %dma_wait3A_424 = tpu.memref_slice %arg2[%add3A_15] : memref<16384xi32, #tpu.memory_space<hbm>> -> memref<128xi32, #tpu.memory_space<hbm>>
      tpu.wait_dma2 semaphore(%run_scoped3A_408 : memref<!tpu.dma_semaphore, #tpu.memory_space<semaphore_mem>>) src(%dma_wait3A_424 : memref<128xi32, #tpu.memory_space<hbm>>) dst(%dma_wait3A_423 : memref<128xi32, #tpu.memory_space<vmem>>)
      tpu.yield
    }) : () -> ()
    %add3A_17 = arith.constant 256 : i32
    %add3A_18 = arith.addi %mul3A_2, %add3A_17 : i32
    %run_scoped3A_19 = arith.constant 2 : i32
    "tpu.region"() ({
      %run_scoped3A_408 = tpu.sem_alloc : memref<!tpu.dma_semaphore, #tpu.memory_space<semaphore_mem>>
      %dma_start3A_409 = arith.constant 0 : i32
      %dma_start3A_410 = tpu.memref_slice %arg13[%run_scoped3A_19, %dma_start3A_409] : memref<4x128xi32, #tpu.memory_space<vmem>> -> memref<1x128xi32, #tpu.memory_space<vmem>>
      %dma_start3A_411 = tpu.memref_squeeze %dma_start3A_410 : memref<1x128xi32, #tpu.memory_space<vmem>> -> memref<128xi32, #tpu.memory_space<vmem>>
      %dma_start3A_412 = tpu.memref_slice %arg3[%add3A_18] : memref<16384xi32, #tpu.memory_space<hbm>> -> memref<128xi32, #tpu.memory_space<hbm>>
      %dma_start3A_413 = arith.constant 0 : i32
      %dma_start3A_414 = tpu.memref_slice %arg13[%run_scoped3A_19, %dma_start3A_413] : memref<4x128xi32, #tpu.memory_space<vmem>> -> memref<1x128xi32, #tpu.memory_space<vmem>>
      %dma_start3A_415 = tpu.memref_squeeze %dma_start3A_414 : memref<1x128xi32, #tpu.memory_space<vmem>> -> memref<128xi32, #tpu.memory_space<vmem>>
      %dma_start3A_416 = tpu.memref_slice %arg3[%add3A_18] : memref<16384xi32, #tpu.memory_space<hbm>> -> memref<128xi32, #tpu.memory_space<hbm>>
      tpu.enqueue_dma source(%dma_start3A_416 : memref<128xi32, #tpu.memory_space<hbm>>) target(%dma_start3A_415 : memref<128xi32, #tpu.memory_space<vmem>>) target_semaphore(%run_scoped3A_408 : memref<!tpu.dma_semaphore, #tpu.memory_space<semaphore_mem>>)
      %dma_wait3A_417 = arith.constant 0 : i32
      %dma_wait3A_418 = tpu.memref_slice %arg13[%run_scoped3A_19, %dma_wait3A_417] : memref<4x128xi32, #tpu.memory_space<vmem>> -> memref<1x128xi32, #tpu.memory_space<vmem>>
      %dma_wait3A_419 = tpu.memref_squeeze %dma_wait3A_418 : memref<1x128xi32, #tpu.memory_space<vmem>> -> memref<128xi32, #tpu.memory_space<vmem>>
      %dma_wait3A_420 = tpu.memref_slice %arg3[%add3A_18] : memref<16384xi32, #tpu.memory_space<hbm>> -> memref<128xi32, #tpu.memory_space<hbm>>
      %dma_wait3A_421 = arith.constant 0 : i32
      %dma_wait3A_422 = tpu.memref_slice %arg13[%run_scoped3A_19, %dma_wait3A_421] : memref<4x128xi32, #tpu.memory_space<vmem>> -> memref<1x128xi32, #tpu.memory_space<vmem>>
      %dma_wait3A_423 = tpu.memref_squeeze %dma_wait3A_422 : memref<1x128xi32, #tpu.memory_space<vmem>> -> memref<128xi32, #tpu.memory_space<vmem>>
      %dma_wait3A_424 = tpu.memref_slice %arg3[%add3A_18] : memref<16384xi32, #tpu.memory_space<hbm>> -> memref<128xi32, #tpu.memory_space<hbm>>
      tpu.wait_dma2 semaphore(%run_scoped3A_408 : memref<!tpu.dma_semaphore, #tpu.memory_space<semaphore_mem>>) src(%dma_wait3A_424 : memref<128xi32, #tpu.memory_space<hbm>>) dst(%dma_wait3A_423 : memref<128xi32, #tpu.memory_space<vmem>>)
      tpu.yield
    }) : () -> ()
    %add3A_20 = arith.constant 384 : i32
    %add3A_21 = arith.addi %mul3A_2, %add3A_20 : i32
    %run_scoped3A_22 = arith.constant 3 : i32
    "tpu.region"() ({
      %run_scoped3A_408 = tpu.sem_alloc : memref<!tpu.dma_semaphore, #tpu.memory_space<semaphore_mem>>
      %dma_start3A_409 = arith.constant 0 : i32
      %dma_start3A_410 = tpu.memref_slice %arg12[%run_scoped3A_22, %dma_start3A_409] : memref<4x128xi32, #tpu.memory_space<vmem>> -> memref<1x128xi32, #tpu.memory_space<vmem>>
      %dma_start3A_411 = tpu.memref_squeeze %dma_start3A_410 : memref<1x128xi32, #tpu.memory_space<vmem>> -> memref<128xi32, #tpu.memory_space<vmem>>
      %dma_start3A_412 = tpu.memref_slice %arg2[%add3A_21] : memref<16384xi32, #tpu.memory_space<hbm>> -> memref<128xi32, #tpu.memory_space<hbm>>
      %dma_start3A_413 = arith.constant 0 : i32
      %dma_start3A_414 = tpu.memref_slice %arg12[%run_scoped3A_22, %dma_start3A_413] : memref<4x128xi32, #tpu.memory_space<vmem>> -> memref<1x128xi32, #tpu.memory_space<vmem>>
      %dma_start3A_415 = tpu.memref_squeeze %dma_start3A_414 : memref<1x128xi32, #tpu.memory_space<vmem>> -> memref<128xi32, #tpu.memory_space<vmem>>
      %dma_start3A_416 = tpu.memref_slice %arg2[%add3A_21] : memref<16384xi32, #tpu.memory_space<hbm>> -> memref<128xi32, #tpu.memory_space<hbm>>
      tpu.enqueue_dma source(%dma_start3A_416 : memref<128xi32, #tpu.memory_space<hbm>>) target(%dma_start3A_415 : memref<128xi32, #tpu.memory_space<vmem>>) target_semaphore(%run_scoped3A_408 : memref<!tpu.dma_semaphore, #tpu.memory_space<semaphore_mem>>)
      %dma_wait3A_417 = arith.constant 0 : i32
      %dma_wait3A_418 = tpu.memref_slice %arg12[%run_scoped3A_22, %dma_wait3A_417] : memref<4x128xi32, #tpu.memory_space<vmem>> -> memref<1x128xi32, #tpu.memory_space<vmem>>
      %dma_wait3A_419 = tpu.memref_squeeze %dma_wait3A_418 : memref<1x128xi32, #tpu.memory_space<vmem>> -> memref<128xi32, #tpu.memory_space<vmem>>
      %dma_wait3A_420 = tpu.memref_slice %arg2[%add3A_21] : memref<16384xi32, #tpu.memory_space<hbm>> -> memref<128xi32, #tpu.memory_space<hbm>>
      %dma_wait3A_421 = arith.constant 0 : i32
      %dma_wait3A_422 = tpu.memref_slice %arg12[%run_scoped3A_22, %dma_wait3A_421] : memref<4x128xi32, #tpu.memory_space<vmem>> -> memref<1x128xi32, #tpu.memory_space<vmem>>
      %dma_wait3A_423 = tpu.memref_squeeze %dma_wait3A_422 : memref<1x128xi32, #tpu.memory_space<vmem>> -> memref<128xi32, #tpu.memory_space<vmem>>
      %dma_wait3A_424 = tpu.memref_slice %arg2[%add3A_21] : memref<16384xi32, #tpu.memory_space<hbm>> -> memref<128xi32, #tpu.memory_space<hbm>>
      tpu.wait_dma2 semaphore(%run_scoped3A_408 : memref<!tpu.dma_semaphore, #tpu.memory_space<semaphore_mem>>) src(%dma_wait3A_424 : memref<128xi32, #tpu.memory_space<hbm>>) dst(%dma_wait3A_423 : memref<128xi32, #tpu.memory_space<vmem>>)
      tpu.yield
    }) : () -> ()
    %add3A_23 = arith.constant 384 : i32
    %add3A_24 = arith.addi %mul3A_2, %add3A_23 : i32
    %run_scoped3A_25 = arith.constant 3 : i32
    "tpu.region"() ({
      %run_scoped3A_408 = tpu.sem_alloc : memref<!tpu.dma_semaphore, #tpu.memory_space<semaphore_mem>>
      %dma_start3A_409 = arith.constant 0 : i32
      %dma_start3A_410 = tpu.memref_slice %arg13[%run_scoped3A_25, %dma_start3A_409] : memref<4x128xi32, #tpu.memory_space<vmem>> -> memref<1x128xi32, #tpu.memory_space<vmem>>
      %dma_start3A_411 = tpu.memref_squeeze %dma_start3A_410 : memref<1x128xi32, #tpu.memory_space<vmem>> -> memref<128xi32, #tpu.memory_space<vmem>>
      %dma_start3A_412 = tpu.memref_slice %arg3[%add3A_24] : memref<16384xi32, #tpu.memory_space<hbm>> -> memref<128xi32, #tpu.memory_space<hbm>>
      %dma_start3A_413 = arith.constant 0 : i32
      %dma_start3A_414 = tpu.memref_slice %arg13[%run_scoped3A_25, %dma_start3A_413] : memref<4x128xi32, #tpu.memory_space<vmem>> -> memref<1x128xi32, #tpu.memory_space<vmem>>
      %dma_start3A_415 = tpu.memref_squeeze %dma_start3A_414 : memref<1x128xi32, #tpu.memory_space<vmem>> -> memref<128xi32, #tpu.memory_space<vmem>>
      %dma_start3A_416 = tpu.memref_slice %arg3[%add3A_24] : memref<16384xi32, #tpu.memory_space<hbm>> -> memref<128xi32, #tpu.memory_space<hbm>>
      tpu.enqueue_dma source(%dma_start3A_416 : memref<128xi32, #tpu.memory_space<hbm>>) target(%dma_start3A_415 : memref<128xi32, #tpu.memory_space<vmem>>) target_semaphore(%run_scoped3A_408 : memref<!tpu.dma_semaphore, #tpu.memory_space<semaphore_mem>>)
      %dma_wait3A_417 = arith.constant 0 : i32
      %dma_wait3A_418 = tpu.memref_slice %arg13[%run_scoped3A_25, %dma_wait3A_417] : memref<4x128xi32, #tpu.memory_space<vmem>> -> memref<1x128xi32, #tpu.memory_space<vmem>>
      %dma_wait3A_419 = tpu.memref_squeeze %dma_wait3A_418 : memref<1x128xi32, #tpu.memory_space<vmem>> -> memref<128xi32, #tpu.memory_space<vmem>>
      %dma_wait3A_420 = tpu.memref_slice %arg3[%add3A_24] : memref<16384xi32, #tpu.memory_space<hbm>> -> memref<128xi32, #tpu.memory_space<hbm>>
      %dma_wait3A_421 = arith.constant 0 : i32
      %dma_wait3A_422 = tpu.memref_slice %arg13[%run_scoped3A_25, %dma_wait3A_421] : memref<4x128xi32, #tpu.memory_space<vmem>> -> memref<1x128xi32, #tpu.memory_space<vmem>>
      %dma_wait3A_423 = tpu.memref_squeeze %dma_wait3A_422 : memref<1x128xi32, #tpu.memory_space<vmem>> -> memref<128xi32, #tpu.memory_space<vmem>>
      %dma_wait3A_424 = tpu.memref_slice %arg3[%add3A_24] : memref<16384xi32, #tpu.memory_space<hbm>> -> memref<128xi32, #tpu.memory_space<hbm>>
      tpu.wait_dma2 semaphore(%run_scoped3A_408 : memref<!tpu.dma_semaphore, #tpu.memory_space<semaphore_mem>>) src(%dma_wait3A_424 : memref<128xi32, #tpu.memory_space<hbm>>) dst(%dma_wait3A_423 : memref<128xi32, #tpu.memory_space<vmem>>)
      tpu.yield
    }) : () -> ()
    %dma_start3A = arith.constant 0 : i32
    %dma_start3A_26 = arith.constant 0 : i32
    %dma_start3A_27 = tpu.memref_slice %arg12[%dma_start3A, %dma_start3A_26] : memref<4x128xi32, #tpu.memory_space<vmem>> -> memref<1x128xi32, #tpu.memory_space<vmem>>
    %dma_start3A_28 = tpu.memref_squeeze %dma_start3A_27 : memref<1x128xi32, #tpu.memory_space<vmem>> -> memref<128xi32, #tpu.memory_space<vmem>>
    %dma_start3A_29 = arith.constant 0 : i32
    %dma_start3A_30 = arith.constant 0 : i32
    %dma_start3A_31 = tpu.memref_slice %arg4[%dma_start3A_29, %dma_start3A_30] : memref<500000x128xf32, #tpu.memory_space<hbm>> -> memref<500000x128xf32, #tpu.memory_space<hbm>>
    tpu.enqueue_indirect_dma source(%dma_start3A_31 : memref<500000x128xf32, #tpu.memory_space<hbm>>) target(%arg14 : memref<128x128xf32, #tpu.memory_space<vmem>>) offsets(%dma_start3A_28 : memref<128xi32, #tpu.memory_space<vmem>>) semaphore(%arg18 : memref<!tpu.dma_semaphore, #tpu.memory_space<semaphore_mem>>)
    %dma_start3A_32 = arith.constant 1 : i32
    %dma_start3A_33 = arith.constant 0 : i32
    %dma_start3A_34 = tpu.memref_slice %arg12[%dma_start3A_32, %dma_start3A_33] : memref<4x128xi32, #tpu.memory_space<vmem>> -> memref<1x128xi32, #tpu.memory_space<vmem>>
    %dma_start3A_35 = tpu.memref_squeeze %dma_start3A_34 : memref<1x128xi32, #tpu.memory_space<vmem>> -> memref<128xi32, #tpu.memory_space<vmem>>
    %dma_start3A_36 = arith.constant 0 : i32
    %dma_start3A_37 = arith.constant 0 : i32
    %dma_start3A_38 = tpu.memref_slice %arg4[%dma_start3A_36, %dma_start3A_37] : memref<500000x128xf32, #tpu.memory_space<hbm>> -> memref<500000x128xf32, #tpu.memory_space<hbm>>
    tpu.enqueue_indirect_dma source(%dma_start3A_38 : memref<500000x128xf32, #tpu.memory_space<hbm>>) target(%arg15 : memref<128x128xf32, #tpu.memory_space<vmem>>) offsets(%dma_start3A_35 : memref<128xi32, #tpu.memory_space<vmem>>) semaphore(%arg19 : memref<!tpu.dma_semaphore, #tpu.memory_space<semaphore_mem>>)
    %dma_start3A_39 = arith.constant 2 : i32
    %dma_start3A_40 = arith.constant 0 : i32
    %dma_start3A_41 = tpu.memref_slice %arg12[%dma_start3A_39, %dma_start3A_40] : memref<4x128xi32, #tpu.memory_space<vmem>> -> memref<1x128xi32, #tpu.memory_space<vmem>>
    %dma_start3A_42 = tpu.memref_squeeze %dma_start3A_41 : memref<1x128xi32, #tpu.memory_space<vmem>> -> memref<128xi32, #tpu.memory_space<vmem>>
    %dma_start3A_43 = arith.constant 0 : i32
    %dma_start3A_44 = arith.constant 0 : i32
    %dma_start3A_45 = tpu.memref_slice %arg4[%dma_start3A_43, %dma_start3A_44] : memref<500000x128xf32, #tpu.memory_space<hbm>> -> memref<500000x128xf32, #tpu.memory_space<hbm>>
    tpu.enqueue_indirect_dma source(%dma_start3A_45 : memref<500000x128xf32, #tpu.memory_space<hbm>>) target(%arg16 : memref<128x128xf32, #tpu.memory_space<vmem>>) offsets(%dma_start3A_42 : memref<128xi32, #tpu.memory_space<vmem>>) semaphore(%arg20 : memref<!tpu.dma_semaphore, #tpu.memory_space<semaphore_mem>>)
    %dma_start3A_46 = arith.constant 3 : i32
    %dma_start3A_47 = arith.constant 0 : i32
    %dma_start3A_48 = tpu.memref_slice %arg12[%dma_start3A_46, %dma_start3A_47] : memref<4x128xi32, #tpu.memory_space<vmem>> -> memref<1x128xi32, #tpu.memory_space<vmem>>
    %dma_start3A_49 = tpu.memref_squeeze %dma_start3A_48 : memref<1x128xi32, #tpu.memory_space<vmem>> -> memref<128xi32, #tpu.memory_space<vmem>>
    %dma_start3A_50 = arith.constant 0 : i32
    %dma_start3A_51 = arith.constant 0 : i32
    %dma_start3A_52 = tpu.memref_slice %arg4[%dma_start3A_50, %dma_start3A_51] : memref<500000x128xf32, #tpu.memory_space<hbm>> -> memref<500000x128xf32, #tpu.memory_space<hbm>>
    tpu.enqueue_indirect_dma source(%dma_start3A_52 : memref<500000x128xf32, #tpu.memory_space<hbm>>) target(%arg17 : memref<128x128xf32, #tpu.memory_space<vmem>>) offsets(%dma_start3A_49 : memref<128xi32, #tpu.memory_space<vmem>>) semaphore(%arg21 : memref<!tpu.dma_semaphore, #tpu.memory_space<semaphore_mem>>)
    %dma_wait3A = arith.constant 0 : i32
    %dma_wait3A_53 = arith.constant 0 : i32
    %dma_wait3A_54 = tpu.memref_slice %arg12[%dma_wait3A, %dma_wait3A_53] : memref<4x128xi32, #tpu.memory_space<vmem>> -> memref<1x128xi32, #tpu.memory_space<vmem>>
    %dma_wait3A_55 = tpu.memref_squeeze %dma_wait3A_54 : memref<1x128xi32, #tpu.memory_space<vmem>> -> memref<128xi32, #tpu.memory_space<vmem>>
    %dma_wait3A_56 = arith.constant 0 : i32
    %dma_wait3A_57 = arith.constant 0 : i32
    %dma_wait3A_58 = tpu.memref_slice %arg4[%dma_wait3A_56, %dma_wait3A_57] : memref<500000x128xf32, #tpu.memory_space<hbm>> -> memref<500000x128xf32, #tpu.memory_space<hbm>>
    tpu.wait_indirect_dma semaphore(%arg18 : memref<!tpu.dma_semaphore, #tpu.memory_space<semaphore_mem>>) src(%dma_wait3A_58 : memref<500000x128xf32, #tpu.memory_space<hbm>>) dst(%arg14 : memref<128x128xf32, #tpu.memory_space<vmem>>)
    %add3A_59 = arith.constant 0 : i32
    %add3A_60 = arith.addi %mul3A_2, %add3A_59 : i32
    %dma_start3A_61 = arith.constant 0 : i32
    %dma_start3A_62 = tpu.memref_slice %arg8[%add3A_60, %dma_start3A_61] : memref<16384x128xf32, #tpu.memory_space<hbm>> -> memref<128x128xf32, #tpu.memory_space<hbm>>
    %dma_start3A_63 = arith.constant 0 : i32
    %dma_start3A_64 = tpu.memref_slice %arg8[%add3A_60, %dma_start3A_63] : memref<16384x128xf32, #tpu.memory_space<hbm>> -> memref<128x128xf32, #tpu.memory_space<hbm>>
    tpu.enqueue_dma source(%arg14 : memref<128x128xf32, #tpu.memory_space<vmem>>) target(%dma_start3A_64 : memref<128x128xf32, #tpu.memory_space<hbm>>) target_semaphore(%arg22 : memref<!tpu.dma_semaphore, #tpu.memory_space<semaphore_mem>>)
    %dma_wait3A_65 = arith.constant 0 : i32
    %dma_wait3A_66 = tpu.memref_slice %arg8[%add3A_60, %dma_wait3A_65] : memref<16384x128xf32, #tpu.memory_space<hbm>> -> memref<128x128xf32, #tpu.memory_space<hbm>>
    %dma_wait3A_67 = arith.constant 0 : i32
    %dma_wait3A_68 = tpu.memref_slice %arg8[%add3A_60, %dma_wait3A_67] : memref<16384x128xf32, #tpu.memory_space<hbm>> -> memref<128x128xf32, #tpu.memory_space<hbm>>
    tpu.wait_dma2 semaphore(%arg22 : memref<!tpu.dma_semaphore, #tpu.memory_space<semaphore_mem>>) src(%arg14 : memref<128x128xf32, #tpu.memory_space<vmem>>) dst(%dma_wait3A_68 : memref<128x128xf32, #tpu.memory_space<hbm>>)
    %dma_start3A_69 = arith.constant 0 : i32
    %dma_start3A_70 = arith.constant 0 : i32
    %dma_start3A_71 = tpu.memref_slice %arg13[%dma_start3A_69, %dma_start3A_70] : memref<4x128xi32, #tpu.memory_space<vmem>> -> memref<1x128xi32, #tpu.memory_space<vmem>>
    %dma_start3A_72 = tpu.memref_squeeze %dma_start3A_71 : memref<1x128xi32, #tpu.memory_space<vmem>> -> memref<128xi32, #tpu.memory_space<vmem>>
    %dma_start3A_73 = arith.constant 0 : i32
    %dma_start3A_74 = arith.constant 0 : i32
    %dma_start3A_75 = tpu.memref_slice %arg5[%dma_start3A_73, %dma_start3A_74] : memref<500000x128xf32, #tpu.memory_space<hbm>> -> memref<500000x128xf32, #tpu.memory_space<hbm>>
    tpu.enqueue_indirect_dma source(%dma_start3A_75 : memref<500000x128xf32, #tpu.memory_space<hbm>>) target(%arg14 : memref<128x128xf32, #tpu.memory_space<vmem>>) offsets(%dma_start3A_72 : memref<128xi32, #tpu.memory_space<vmem>>) semaphore(%arg18 : memref<!tpu.dma_semaphore, #tpu.memory_space<semaphore_mem>>)
    %dma_wait3A_76 = arith.constant 1 : i32
    %dma_wait3A_77 = arith.constant 0 : i32
    %dma_wait3A_78 = tpu.memref_slice %arg12[%dma_wait3A_76, %dma_wait3A_77] : memref<4x128xi32, #tpu.memory_space<vmem>> -> memref<1x128xi32, #tpu.memory_space<vmem>>
    %dma_wait3A_79 = tpu.memref_squeeze %dma_wait3A_78 : memref<1x128xi32, #tpu.memory_space<vmem>> -> memref<128xi32, #tpu.memory_space<vmem>>
    %dma_wait3A_80 = arith.constant 0 : i32
    %dma_wait3A_81 = arith.constant 0 : i32
    %dma_wait3A_82 = tpu.memref_slice %arg4[%dma_wait3A_80, %dma_wait3A_81] : memref<500000x128xf32, #tpu.memory_space<hbm>> -> memref<500000x128xf32, #tpu.memory_space<hbm>>
    tpu.wait_indirect_dma semaphore(%arg19 : memref<!tpu.dma_semaphore, #tpu.memory_space<semaphore_mem>>) src(%dma_wait3A_82 : memref<500000x128xf32, #tpu.memory_space<hbm>>) dst(%arg15 : memref<128x128xf32, #tpu.memory_space<vmem>>)
    %add3A_83 = arith.constant 128 : i32
    %add3A_84 = arith.addi %mul3A_2, %add3A_83 : i32
    %dma_start3A_85 = arith.constant 0 : i32
    %dma_start3A_86 = tpu.memref_slice %arg8[%add3A_84, %dma_start3A_85] : memref<16384x128xf32, #tpu.memory_space<hbm>> -> memref<128x128xf32, #tpu.memory_space<hbm>>
    %dma_start3A_87 = arith.constant 0 : i32
    %dma_start3A_88 = tpu.memref_slice %arg8[%add3A_84, %dma_start3A_87] : memref<16384x128xf32, #tpu.memory_space<hbm>> -> memref<128x128xf32, #tpu.memory_space<hbm>>
    tpu.enqueue_dma source(%arg15 : memref<128x128xf32, #tpu.memory_space<vmem>>) target(%dma_start3A_88 : memref<128x128xf32, #tpu.memory_space<hbm>>) target_semaphore(%arg22 : memref<!tpu.dma_semaphore, #tpu.memory_space<semaphore_mem>>)
    %dma_wait3A_89 = arith.constant 0 : i32
    %dma_wait3A_90 = tpu.memref_slice %arg8[%add3A_84, %dma_wait3A_89] : memref<16384x128xf32, #tpu.memory_space<hbm>> -> memref<128x128xf32, #tpu.memory_space<hbm>>
    %dma_wait3A_91 = arith.constant 0 : i32
    %dma_wait3A_92 = tpu.memref_slice %arg8[%add3A_84, %dma_wait3A_91] : memref<16384x128xf32, #tpu.memory_space<hbm>> -> memref<128x128xf32, #tpu.memory_space<hbm>>
    tpu.wait_dma2 semaphore(%arg22 : memref<!tpu.dma_semaphore, #tpu.memory_space<semaphore_mem>>) src(%arg15 : memref<128x128xf32, #tpu.memory_space<vmem>>) dst(%dma_wait3A_92 : memref<128x128xf32, #tpu.memory_space<hbm>>)
    %dma_start3A_93 = arith.constant 1 : i32
    %dma_start3A_94 = arith.constant 0 : i32
    %dma_start3A_95 = tpu.memref_slice %arg13[%dma_start3A_93, %dma_start3A_94] : memref<4x128xi32, #tpu.memory_space<vmem>> -> memref<1x128xi32, #tpu.memory_space<vmem>>
    %dma_start3A_96 = tpu.memref_squeeze %dma_start3A_95 : memref<1x128xi32, #tpu.memory_space<vmem>> -> memref<128xi32, #tpu.memory_space<vmem>>
    %dma_start3A_97 = arith.constant 0 : i32
    %dma_start3A_98 = arith.constant 0 : i32
    %dma_start3A_99 = tpu.memref_slice %arg5[%dma_start3A_97, %dma_start3A_98] : memref<500000x128xf32, #tpu.memory_space<hbm>> -> memref<500000x128xf32, #tpu.memory_space<hbm>>
    tpu.enqueue_indirect_dma source(%dma_start3A_99 : memref<500000x128xf32, #tpu.memory_space<hbm>>) target(%arg15 : memref<128x128xf32, #tpu.memory_space<vmem>>) offsets(%dma_start3A_96 : memref<128xi32, #tpu.memory_space<vmem>>) semaphore(%arg19 : memref<!tpu.dma_semaphore, #tpu.memory_space<semaphore_mem>>)
    %dma_wait3A_100 = arith.constant 2 : i32
    %dma_wait3A_101 = arith.constant 0 : i32
    %dma_wait3A_102 = tpu.memref_slice %arg12[%dma_wait3A_100, %dma_wait3A_101] : memref<4x128xi32, #tpu.memory_space<vmem>> -> memref<1x128xi32, #tpu.memory_space<vmem>>
    %dma_wait3A_103 = tpu.memref_squeeze %dma_wait3A_102 : memref<1x128xi32, #tpu.memory_space<vmem>> -> memref<128xi32, #tpu.memory_space<vmem>>
    %dma_wait3A_104 = arith.constant 0 : i32
    %dma_wait3A_105 = arith.constant 0 : i32
    %dma_wait3A_106 = tpu.memref_slice %arg4[%dma_wait3A_104, %dma_wait3A_105] : memref<500000x128xf32, #tpu.memory_space<hbm>> -> memref<500000x128xf32, #tpu.memory_space<hbm>>
    tpu.wait_indirect_dma semaphore(%arg20 : memref<!tpu.dma_semaphore, #tpu.memory_space<semaphore_mem>>) src(%dma_wait3A_106 : memref<500000x128xf32, #tpu.memory_space<hbm>>) dst(%arg16 : memref<128x128xf32, #tpu.memory_space<vmem>>)
    %add3A_107 = arith.constant 256 : i32
    %add3A_108 = arith.addi %mul3A_2, %add3A_107 : i32
    %dma_start3A_109 = arith.constant 0 : i32
    %dma_start3A_110 = tpu.memref_slice %arg8[%add3A_108, %dma_start3A_109] : memref<16384x128xf32, #tpu.memory_space<hbm>> -> memref<128x128xf32, #tpu.memory_space<hbm>>
    %dma_start3A_111 = arith.constant 0 : i32
    %dma_start3A_112 = tpu.memref_slice %arg8[%add3A_108, %dma_start3A_111] : memref<16384x128xf32, #tpu.memory_space<hbm>> -> memref<128x128xf32, #tpu.memory_space<hbm>>
    tpu.enqueue_dma source(%arg16 : memref<128x128xf32, #tpu.memory_space<vmem>>) target(%dma_start3A_112 : memref<128x128xf32, #tpu.memory_space<hbm>>) target_semaphore(%arg22 : memref<!tpu.dma_semaphore, #tpu.memory_space<semaphore_mem>>)
    %dma_wait3A_113 = arith.constant 0 : i32
    %dma_wait3A_114 = tpu.memref_slice %arg8[%add3A_108, %dma_wait3A_113] : memref<16384x128xf32, #tpu.memory_space<hbm>> -> memref<128x128xf32, #tpu.memory_space<hbm>>
    %dma_wait3A_115 = arith.constant 0 : i32
    %dma_wait3A_116 = tpu.memref_slice %arg8[%add3A_108, %dma_wait3A_115] : memref<16384x128xf32, #tpu.memory_space<hbm>> -> memref<128x128xf32, #tpu.memory_space<hbm>>
    tpu.wait_dma2 semaphore(%arg22 : memref<!tpu.dma_semaphore, #tpu.memory_space<semaphore_mem>>) src(%arg16 : memref<128x128xf32, #tpu.memory_space<vmem>>) dst(%dma_wait3A_116 : memref<128x128xf32, #tpu.memory_space<hbm>>)
    %dma_start3A_117 = arith.constant 2 : i32
    %dma_start3A_118 = arith.constant 0 : i32
    %dma_start3A_119 = tpu.memref_slice %arg13[%dma_start3A_117, %dma_start3A_118] : memref<4x128xi32, #tpu.memory_space<vmem>> -> memref<1x128xi32, #tpu.memory_space<vmem>>
    %dma_start3A_120 = tpu.memref_squeeze %dma_start3A_119 : memref<1x128xi32, #tpu.memory_space<vmem>> -> memref<128xi32, #tpu.memory_space<vmem>>
    %dma_start3A_121 = arith.constant 0 : i32
    %dma_start3A_122 = arith.constant 0 : i32
    %dma_start3A_123 = tpu.memref_slice %arg5[%dma_start3A_121, %dma_start3A_122] : memref<500000x128xf32, #tpu.memory_space<hbm>> -> memref<500000x128xf32, #tpu.memory_space<hbm>>
    tpu.enqueue_indirect_dma source(%dma_start3A_123 : memref<500000x128xf32, #tpu.memory_space<hbm>>) target(%arg16 : memref<128x128xf32, #tpu.memory_space<vmem>>) offsets(%dma_start3A_120 : memref<128xi32, #tpu.memory_space<vmem>>) semaphore(%arg20 : memref<!tpu.dma_semaphore, #tpu.memory_space<semaphore_mem>>)
    %dma_wait3A_124 = arith.constant 3 : i32
    %dma_wait3A_125 = arith.constant 0 : i32
    %dma_wait3A_126 = tpu.memref_slice %arg12[%dma_wait3A_124, %dma_wait3A_125] : memref<4x128xi32, #tpu.memory_space<vmem>> -> memref<1x128xi32, #tpu.memory_space<vmem>>
    %dma_wait3A_127 = tpu.memref_squeeze %dma_wait3A_126 : memref<1x128xi32, #tpu.memory_space<vmem>> -> memref<128xi32, #tpu.memory_space<vmem>>
    %dma_wait3A_128 = arith.constant 0 : i32
    %dma_wait3A_129 = arith.constant 0 : i32
    %dma_wait3A_130 = tpu.memref_slice %arg4[%dma_wait3A_128, %dma_wait3A_129] : memref<500000x128xf32, #tpu.memory_space<hbm>> -> memref<500000x128xf32, #tpu.memory_space<hbm>>
    tpu.wait_indirect_dma semaphore(%arg21 : memref<!tpu.dma_semaphore, #tpu.memory_space<semaphore_mem>>) src(%dma_wait3A_130 : memref<500000x128xf32, #tpu.memory_space<hbm>>) dst(%arg17 : memref<128x128xf32, #tpu.memory_space<vmem>>)
    %add3A_131 = arith.constant 384 : i32
    %add3A_132 = arith.addi %mul3A_2, %add3A_131 : i32
    %dma_start3A_133 = arith.constant 0 : i32
    %dma_start3A_134 = tpu.memref_slice %arg8[%add3A_132, %dma_start3A_133] : memref<16384x128xf32, #tpu.memory_space<hbm>> -> memref<128x128xf32, #tpu.memory_space<hbm>>
    %dma_start3A_135 = arith.constant 0 : i32
    %dma_start3A_136 = tpu.memref_slice %arg8[%add3A_132, %dma_start3A_135] : memref<16384x128xf32, #tpu.memory_space<hbm>> -> memref<128x128xf32, #tpu.memory_space<hbm>>
    tpu.enqueue_dma source(%arg17 : memref<128x128xf32, #tpu.memory_space<vmem>>) target(%dma_start3A_136 : memref<128x128xf32, #tpu.memory_space<hbm>>) target_semaphore(%arg22 : memref<!tpu.dma_semaphore, #tpu.memory_space<semaphore_mem>>)
    %dma_wait3A_137 = arith.constant 0 : i32
    %dma_wait3A_138 = tpu.memref_slice %arg8[%add3A_132, %dma_wait3A_137] : memref<16384x128xf32, #tpu.memory_space<hbm>> -> memref<128x128xf32, #tpu.memory_space<hbm>>
    %dma_wait3A_139 = arith.constant 0 : i32
    %dma_wait3A_140 = tpu.memref_slice %arg8[%add3A_132, %dma_wait3A_139] : memref<16384x128xf32, #tpu.memory_space<hbm>> -> memref<128x128xf32, #tpu.memory_space<hbm>>
    tpu.wait_dma2 semaphore(%arg22 : memref<!tpu.dma_semaphore, #tpu.memory_space<semaphore_mem>>) src(%arg17 : memref<128x128xf32, #tpu.memory_space<vmem>>) dst(%dma_wait3A_140 : memref<128x128xf32, #tpu.memory_space<hbm>>)
    %dma_start3A_141 = arith.constant 3 : i32
    %dma_start3A_142 = arith.constant 0 : i32
    %dma_start3A_143 = tpu.memref_slice %arg13[%dma_start3A_141, %dma_start3A_142] : memref<4x128xi32, #tpu.memory_space<vmem>> -> memref<1x128xi32, #tpu.memory_space<vmem>>
    %dma_start3A_144 = tpu.memref_squeeze %dma_start3A_143 : memref<1x128xi32, #tpu.memory_space<vmem>> -> memref<128xi32, #tpu.memory_space<vmem>>
    %dma_start3A_145 = arith.constant 0 : i32
    %dma_start3A_146 = arith.constant 0 : i32
    %dma_start3A_147 = tpu.memref_slice %arg5[%dma_start3A_145, %dma_start3A_146] : memref<500000x128xf32, #tpu.memory_space<hbm>> -> memref<500000x128xf32, #tpu.memory_space<hbm>>
    tpu.enqueue_indirect_dma source(%dma_start3A_147 : memref<500000x128xf32, #tpu.memory_space<hbm>>) target(%arg17 : memref<128x128xf32, #tpu.memory_space<vmem>>) offsets(%dma_start3A_144 : memref<128xi32, #tpu.memory_space<vmem>>) semaphore(%arg21 : memref<!tpu.dma_semaphore, #tpu.memory_space<semaphore_mem>>)
    %dma_wait3A_148 = arith.constant 0 : i32
    %dma_wait3A_149 = arith.constant 0 : i32
    %dma_wait3A_150 = tpu.memref_slice %arg13[%dma_wait3A_148, %dma_wait3A_149] : memref<4x128xi32, #tpu.memory_space<vmem>> -> memref<1x128xi32, #tpu.memory_space<vmem>>
    %dma_wait3A_151 = tpu.memref_squeeze %dma_wait3A_150 : memref<1x128xi32, #tpu.memory_space<vmem>> -> memref<128xi32, #tpu.memory_space<vmem>>
    %dma_wait3A_152 = arith.constant 0 : i32
    %dma_wait3A_153 = arith.constant 0 : i32
    %dma_wait3A_154 = tpu.memref_slice %arg5[%dma_wait3A_152, %dma_wait3A_153] : memref<500000x128xf32, #tpu.memory_space<hbm>> -> memref<500000x128xf32, #tpu.memory_space<hbm>>
    tpu.wait_indirect_dma semaphore(%arg18 : memref<!tpu.dma_semaphore, #tpu.memory_space<semaphore_mem>>) src(%dma_wait3A_154 : memref<500000x128xf32, #tpu.memory_space<hbm>>) dst(%arg14 : memref<128x128xf32, #tpu.memory_space<vmem>>)
    %add3A_155 = arith.constant 0 : i32
    %add3A_156 = arith.addi %mul3A_2, %add3A_155 : i32
    %dma_start3A_157 = arith.constant 0 : i32
    %dma_start3A_158 = tpu.memref_slice %arg9[%add3A_156, %dma_start3A_157] : memref<16384x128xf32, #tpu.memory_space<hbm>> -> memref<128x128xf32, #tpu.memory_space<hbm>>
    %dma_start3A_159 = arith.constant 0 : i32
    %dma_start3A_160 = tpu.memref_slice %arg9[%add3A_156, %dma_start3A_159] : memref<16384x128xf32, #tpu.memory_space<hbm>> -> memref<128x128xf32, #tpu.memory_space<hbm>>
    tpu.enqueue_dma source(%arg14 : memref<128x128xf32, #tpu.memory_space<vmem>>) target(%dma_start3A_160 : memref<128x128xf32, #tpu.memory_space<hbm>>) target_semaphore(%arg22 : memref<!tpu.dma_semaphore, #tpu.memory_space<semaphore_mem>>)
    %dma_wait3A_161 = arith.constant 0 : i32
    %dma_wait3A_162 = tpu.memref_slice %arg9[%add3A_156, %dma_wait3A_161] : memref<16384x128xf32, #tpu.memory_space<hbm>> -> memref<128x128xf32, #tpu.memory_space<hbm>>
    %dma_wait3A_163 = arith.constant 0 : i32
    %dma_wait3A_164 = tpu.memref_slice %arg9[%add3A_156, %dma_wait3A_163] : memref<16384x128xf32, #tpu.memory_space<hbm>> -> memref<128x128xf32, #tpu.memory_space<hbm>>
    tpu.wait_dma2 semaphore(%arg22 : memref<!tpu.dma_semaphore, #tpu.memory_space<semaphore_mem>>) src(%arg14 : memref<128x128xf32, #tpu.memory_space<vmem>>) dst(%dma_wait3A_164 : memref<128x128xf32, #tpu.memory_space<hbm>>)
    %dma_start3A_165 = arith.constant 0 : i32
    %dma_start3A_166 = arith.constant 0 : i32
    %dma_start3A_167 = tpu.memref_slice %arg12[%dma_start3A_165, %dma_start3A_166] : memref<4x128xi32, #tpu.memory_space<vmem>> -> memref<1x128xi32, #tpu.memory_space<vmem>>
    %dma_start3A_168 = tpu.memref_squeeze %dma_start3A_167 : memref<1x128xi32, #tpu.memory_space<vmem>> -> memref<128xi32, #tpu.memory_space<vmem>>
    %dma_start3A_169 = arith.constant 0 : i32
    %dma_start3A_170 = arith.constant 0 : i32
    %dma_start3A_171 = tpu.memref_slice %arg6[%dma_start3A_169, %dma_start3A_170] : memref<500000x128xf32, #tpu.memory_space<hbm>> -> memref<500000x128xf32, #tpu.memory_space<hbm>>
    tpu.enqueue_indirect_dma source(%dma_start3A_171 : memref<500000x128xf32, #tpu.memory_space<hbm>>) target(%arg14 : memref<128x128xf32, #tpu.memory_space<vmem>>) offsets(%dma_start3A_168 : memref<128xi32, #tpu.memory_space<vmem>>) semaphore(%arg18 : memref<!tpu.dma_semaphore, #tpu.memory_space<semaphore_mem>>)
    %dma_wait3A_172 = arith.constant 1 : i32
    %dma_wait3A_173 = arith.constant 0 : i32
    %dma_wait3A_174 = tpu.memref_slice %arg13[%dma_wait3A_172, %dma_wait3A_173] : memref<4x128xi32, #tpu.memory_space<vmem>> -> memref<1x128xi32, #tpu.memory_space<vmem>>
    %dma_wait3A_175 = tpu.memref_squeeze %dma_wait3A_174 : memref<1x128xi32, #tpu.memory_space<vmem>> -> memref<128xi32, #tpu.memory_space<vmem>>
    %dma_wait3A_176 = arith.constant 0 : i32
    %dma_wait3A_177 = arith.constant 0 : i32
    %dma_wait3A_178 = tpu.memref_slice %arg5[%dma_wait3A_176, %dma_wait3A_177] : memref<500000x128xf32, #tpu.memory_space<hbm>> -> memref<500000x128xf32, #tpu.memory_space<hbm>>
    tpu.wait_indirect_dma semaphore(%arg19 : memref<!tpu.dma_semaphore, #tpu.memory_space<semaphore_mem>>) src(%dma_wait3A_178 : memref<500000x128xf32, #tpu.memory_space<hbm>>) dst(%arg15 : memref<128x128xf32, #tpu.memory_space<vmem>>)
    %add3A_179 = arith.constant 128 : i32
    %add3A_180 = arith.addi %mul3A_2, %add3A_179 : i32
    %dma_start3A_181 = arith.constant 0 : i32
    %dma_start3A_182 = tpu.memref_slice %arg9[%add3A_180, %dma_start3A_181] : memref<16384x128xf32, #tpu.memory_space<hbm>> -> memref<128x128xf32, #tpu.memory_space<hbm>>
    %dma_start3A_183 = arith.constant 0 : i32
    %dma_start3A_184 = tpu.memref_slice %arg9[%add3A_180, %dma_start3A_183] : memref<16384x128xf32, #tpu.memory_space<hbm>> -> memref<128x128xf32, #tpu.memory_space<hbm>>
    tpu.enqueue_dma source(%arg15 : memref<128x128xf32, #tpu.memory_space<vmem>>) target(%dma_start3A_184 : memref<128x128xf32, #tpu.memory_space<hbm>>) target_semaphore(%arg22 : memref<!tpu.dma_semaphore, #tpu.memory_space<semaphore_mem>>)
    %dma_wait3A_185 = arith.constant 0 : i32
    %dma_wait3A_186 = tpu.memref_slice %arg9[%add3A_180, %dma_wait3A_185] : memref<16384x128xf32, #tpu.memory_space<hbm>> -> memref<128x128xf32, #tpu.memory_space<hbm>>
    %dma_wait3A_187 = arith.constant 0 : i32
    %dma_wait3A_188 = tpu.memref_slice %arg9[%add3A_180, %dma_wait3A_187] : memref<16384x128xf32, #tpu.memory_space<hbm>> -> memref<128x128xf32, #tpu.memory_space<hbm>>
    tpu.wait_dma2 semaphore(%arg22 : memref<!tpu.dma_semaphore, #tpu.memory_space<semaphore_mem>>) src(%arg15 : memref<128x128xf32, #tpu.memory_space<vmem>>) dst(%dma_wait3A_188 : memref<128x128xf32, #tpu.memory_space<hbm>>)
    %dma_start3A_189 = arith.constant 1 : i32
    %dma_start3A_190 = arith.constant 0 : i32
    %dma_start3A_191 = tpu.memref_slice %arg12[%dma_start3A_189, %dma_start3A_190] : memref<4x128xi32, #tpu.memory_space<vmem>> -> memref<1x128xi32, #tpu.memory_space<vmem>>
    %dma_start3A_192 = tpu.memref_squeeze %dma_start3A_191 : memref<1x128xi32, #tpu.memory_space<vmem>> -> memref<128xi32, #tpu.memory_space<vmem>>
    %dma_start3A_193 = arith.constant 0 : i32
    %dma_start3A_194 = arith.constant 0 : i32
    %dma_start3A_195 = tpu.memref_slice %arg6[%dma_start3A_193, %dma_start3A_194] : memref<500000x128xf32, #tpu.memory_space<hbm>> -> memref<500000x128xf32, #tpu.memory_space<hbm>>
    tpu.enqueue_indirect_dma source(%dma_start3A_195 : memref<500000x128xf32, #tpu.memory_space<hbm>>) target(%arg15 : memref<128x128xf32, #tpu.memory_space<vmem>>) offsets(%dma_start3A_192 : memref<128xi32, #tpu.memory_space<vmem>>) semaphore(%arg19 : memref<!tpu.dma_semaphore, #tpu.memory_space<semaphore_mem>>)
    %dma_wait3A_196 = arith.constant 2 : i32
    %dma_wait3A_197 = arith.constant 0 : i32
    %dma_wait3A_198 = tpu.memref_slice %arg13[%dma_wait3A_196, %dma_wait3A_197] : memref<4x128xi32, #tpu.memory_space<vmem>> -> memref<1x128xi32, #tpu.memory_space<vmem>>
    %dma_wait3A_199 = tpu.memref_squeeze %dma_wait3A_198 : memref<1x128xi32, #tpu.memory_space<vmem>> -> memref<128xi32, #tpu.memory_space<vmem>>
    %dma_wait3A_200 = arith.constant 0 : i32
    %dma_wait3A_201 = arith.constant 0 : i32
    %dma_wait3A_202 = tpu.memref_slice %arg5[%dma_wait3A_200, %dma_wait3A_201] : memref<500000x128xf32, #tpu.memory_space<hbm>> -> memref<500000x128xf32, #tpu.memory_space<hbm>>
    tpu.wait_indirect_dma semaphore(%arg20 : memref<!tpu.dma_semaphore, #tpu.memory_space<semaphore_mem>>) src(%dma_wait3A_202 : memref<500000x128xf32, #tpu.memory_space<hbm>>) dst(%arg16 : memref<128x128xf32, #tpu.memory_space<vmem>>)
    %add3A_203 = arith.constant 256 : i32
    %add3A_204 = arith.addi %mul3A_2, %add3A_203 : i32
    %dma_start3A_205 = arith.constant 0 : i32
    %dma_start3A_206 = tpu.memref_slice %arg9[%add3A_204, %dma_start3A_205] : memref<16384x128xf32, #tpu.memory_space<hbm>> -> memref<128x128xf32, #tpu.memory_space<hbm>>
    %dma_start3A_207 = arith.constant 0 : i32
    %dma_start3A_208 = tpu.memref_slice %arg9[%add3A_204, %dma_start3A_207] : memref<16384x128xf32, #tpu.memory_space<hbm>> -> memref<128x128xf32, #tpu.memory_space<hbm>>
    tpu.enqueue_dma source(%arg16 : memref<128x128xf32, #tpu.memory_space<vmem>>) target(%dma_start3A_208 : memref<128x128xf32, #tpu.memory_space<hbm>>) target_semaphore(%arg22 : memref<!tpu.dma_semaphore, #tpu.memory_space<semaphore_mem>>)
    %dma_wait3A_209 = arith.constant 0 : i32
    %dma_wait3A_210 = tpu.memref_slice %arg9[%add3A_204, %dma_wait3A_209] : memref<16384x128xf32, #tpu.memory_space<hbm>> -> memref<128x128xf32, #tpu.memory_space<hbm>>
    %dma_wait3A_211 = arith.constant 0 : i32
    %dma_wait3A_212 = tpu.memref_slice %arg9[%add3A_204, %dma_wait3A_211] : memref<16384x128xf32, #tpu.memory_space<hbm>> -> memref<128x128xf32, #tpu.memory_space<hbm>>
    tpu.wait_dma2 semaphore(%arg22 : memref<!tpu.dma_semaphore, #tpu.memory_space<semaphore_mem>>) src(%arg16 : memref<128x128xf32, #tpu.memory_space<vmem>>) dst(%dma_wait3A_212 : memref<128x128xf32, #tpu.memory_space<hbm>>)
    %dma_start3A_213 = arith.constant 2 : i32
    %dma_start3A_214 = arith.constant 0 : i32
    %dma_start3A_215 = tpu.memref_slice %arg12[%dma_start3A_213, %dma_start3A_214] : memref<4x128xi32, #tpu.memory_space<vmem>> -> memref<1x128xi32, #tpu.memory_space<vmem>>
    %dma_start3A_216 = tpu.memref_squeeze %dma_start3A_215 : memref<1x128xi32, #tpu.memory_space<vmem>> -> memref<128xi32, #tpu.memory_space<vmem>>
    %dma_start3A_217 = arith.constant 0 : i32
    %dma_start3A_218 = arith.constant 0 : i32
    %dma_start3A_219 = tpu.memref_slice %arg6[%dma_start3A_217, %dma_start3A_218] : memref<500000x128xf32, #tpu.memory_space<hbm>> -> memref<500000x128xf32, #tpu.memory_space<hbm>>
    tpu.enqueue_indirect_dma source(%dma_start3A_219 : memref<500000x128xf32, #tpu.memory_space<hbm>>) target(%arg16 : memref<128x128xf32, #tpu.memory_space<vmem>>) offsets(%dma_start3A_216 : memref<128xi32, #tpu.memory_space<vmem>>) semaphore(%arg20 : memref<!tpu.dma_semaphore, #tpu.memory_space<semaphore_mem>>)
    %dma_wait3A_220 = arith.constant 3 : i32
    %dma_wait3A_221 = arith.constant 0 : i32
    %dma_wait3A_222 = tpu.memref_slice %arg13[%dma_wait3A_220, %dma_wait3A_221] : memref<4x128xi32, #tpu.memory_space<vmem>> -> memref<1x128xi32, #tpu.memory_space<vmem>>
    %dma_wait3A_223 = tpu.memref_squeeze %dma_wait3A_222 : memref<1x128xi32, #tpu.memory_space<vmem>> -> memref<128xi32, #tpu.memory_space<vmem>>
    %dma_wait3A_224 = arith.constant 0 : i32
    %dma_wait3A_225 = arith.constant 0 : i32
    %dma_wait3A_226 = tpu.memref_slice %arg5[%dma_wait3A_224, %dma_wait3A_225] : memref<500000x128xf32, #tpu.memory_space<hbm>> -> memref<500000x128xf32, #tpu.memory_space<hbm>>
    tpu.wait_indirect_dma semaphore(%arg21 : memref<!tpu.dma_semaphore, #tpu.memory_space<semaphore_mem>>) src(%dma_wait3A_226 : memref<500000x128xf32, #tpu.memory_space<hbm>>) dst(%arg17 : memref<128x128xf32, #tpu.memory_space<vmem>>)
    %add3A_227 = arith.constant 384 : i32
    %add3A_228 = arith.addi %mul3A_2, %add3A_227 : i32
    %dma_start3A_229 = arith.constant 0 : i32
    %dma_start3A_230 = tpu.memref_slice %arg9[%add3A_228, %dma_start3A_229] : memref<16384x128xf32, #tpu.memory_space<hbm>> -> memref<128x128xf32, #tpu.memory_space<hbm>>
    %dma_start3A_231 = arith.constant 0 : i32
    %dma_start3A_232 = tpu.memref_slice %arg9[%add3A_228, %dma_start3A_231] : memref<16384x128xf32, #tpu.memory_space<hbm>> -> memref<128x128xf32, #tpu.memory_space<hbm>>
    tpu.enqueue_dma source(%arg17 : memref<128x128xf32, #tpu.memory_space<vmem>>) target(%dma_start3A_232 : memref<128x128xf32, #tpu.memory_space<hbm>>) target_semaphore(%arg22 : memref<!tpu.dma_semaphore, #tpu.memory_space<semaphore_mem>>)
    %dma_wait3A_233 = arith.constant 0 : i32
    %dma_wait3A_234 = tpu.memref_slice %arg9[%add3A_228, %dma_wait3A_233] : memref<16384x128xf32, #tpu.memory_space<hbm>> -> memref<128x128xf32, #tpu.memory_space<hbm>>
    %dma_wait3A_235 = arith.constant 0 : i32
    %dma_wait3A_236 = tpu.memref_slice %arg9[%add3A_228, %dma_wait3A_235] : memref<16384x128xf32, #tpu.memory_space<hbm>> -> memref<128x128xf32, #tpu.memory_space<hbm>>
    tpu.wait_dma2 semaphore(%arg22 : memref<!tpu.dma_semaphore, #tpu.memory_space<semaphore_mem>>) src(%arg17 : memref<128x128xf32, #tpu.memory_space<vmem>>) dst(%dma_wait3A_236 : memref<128x128xf32, #tpu.memory_space<hbm>>)
    %dma_start3A_237 = arith.constant 3 : i32
    %dma_start3A_238 = arith.constant 0 : i32
    %dma_start3A_239 = tpu.memref_slice %arg12[%dma_start3A_237, %dma_start3A_238] : memref<4x128xi32, #tpu.memory_space<vmem>> -> memref<1x128xi32, #tpu.memory_space<vmem>>
    %dma_start3A_240 = tpu.memref_squeeze %dma_start3A_239 : memref<1x128xi32, #tpu.memory_space<vmem>> -> memref<128xi32, #tpu.memory_space<vmem>>
    %dma_start3A_241 = arith.constant 0 : i32
    %dma_start3A_242 = arith.constant 0 : i32
    %dma_start3A_243 = tpu.memref_slice %arg6[%dma_start3A_241, %dma_start3A_242] : memref<500000x128xf32, #tpu.memory_space<hbm>> -> memref<500000x128xf32, #tpu.memory_space<hbm>>
    tpu.enqueue_indirect_dma source(%dma_start3A_243 : memref<500000x128xf32, #tpu.memory_space<hbm>>) target(%arg17 : memref<128x128xf32, #tpu.memory_space<vmem>>) offsets(%dma_start3A_240 : memref<128xi32, #tpu.memory_space<vmem>>) semaphore(%arg21 : memref<!tpu.dma_semaphore, #tpu.memory_space<semaphore_mem>>)
    %dma_wait3A_244 = arith.constant 0 : i32
    %dma_wait3A_245 = arith.constant 0 : i32
    %dma_wait3A_246 = tpu.memref_slice %arg12[%dma_wait3A_244, %dma_wait3A_245] : memref<4x128xi32, #tpu.memory_space<vmem>> -> memref<1x128xi32, #tpu.memory_space<vmem>>
    %dma_wait3A_247 = tpu.memref_squeeze %dma_wait3A_246 : memref<1x128xi32, #tpu.memory_space<vmem>> -> memref<128xi32, #tpu.memory_space<vmem>>
    %dma_wait3A_248 = arith.constant 0 : i32
    %dma_wait3A_249 = arith.constant 0 : i32
    %dma_wait3A_250 = tpu.memref_slice %arg6[%dma_wait3A_248, %dma_wait3A_249] : memref<500000x128xf32, #tpu.memory_space<hbm>> -> memref<500000x128xf32, #tpu.memory_space<hbm>>
    tpu.wait_indirect_dma semaphore(%arg18 : memref<!tpu.dma_semaphore, #tpu.memory_space<semaphore_mem>>) src(%dma_wait3A_250 : memref<500000x128xf32, #tpu.memory_space<hbm>>) dst(%arg14 : memref<128x128xf32, #tpu.memory_space<vmem>>)
    %add3A_251 = arith.constant 0 : i32
    %add3A_252 = arith.addi %mul3A_2, %add3A_251 : i32
    %dma_start3A_253 = arith.constant 0 : i32
    %dma_start3A_254 = tpu.memref_slice %arg10[%add3A_252, %dma_start3A_253] : memref<16384x128xf32, #tpu.memory_space<hbm>> -> memref<128x128xf32, #tpu.memory_space<hbm>>
    %dma_start3A_255 = arith.constant 0 : i32
    %dma_start3A_256 = tpu.memref_slice %arg10[%add3A_252, %dma_start3A_255] : memref<16384x128xf32, #tpu.memory_space<hbm>> -> memref<128x128xf32, #tpu.memory_space<hbm>>
    tpu.enqueue_dma source(%arg14 : memref<128x128xf32, #tpu.memory_space<vmem>>) target(%dma_start3A_256 : memref<128x128xf32, #tpu.memory_space<hbm>>) target_semaphore(%arg22 : memref<!tpu.dma_semaphore, #tpu.memory_space<semaphore_mem>>)
    %dma_wait3A_257 = arith.constant 0 : i32
    %dma_wait3A_258 = tpu.memref_slice %arg10[%add3A_252, %dma_wait3A_257] : memref<16384x128xf32, #tpu.memory_space<hbm>> -> memref<128x128xf32, #tpu.memory_space<hbm>>
    %dma_wait3A_259 = arith.constant 0 : i32
    %dma_wait3A_260 = tpu.memref_slice %arg10[%add3A_252, %dma_wait3A_259] : memref<16384x128xf32, #tpu.memory_space<hbm>> -> memref<128x128xf32, #tpu.memory_space<hbm>>
    tpu.wait_dma2 semaphore(%arg22 : memref<!tpu.dma_semaphore, #tpu.memory_space<semaphore_mem>>) src(%arg14 : memref<128x128xf32, #tpu.memory_space<vmem>>) dst(%dma_wait3A_260 : memref<128x128xf32, #tpu.memory_space<hbm>>)
    %dma_start3A_261 = arith.constant 0 : i32
    %dma_start3A_262 = arith.constant 0 : i32
    %dma_start3A_263 = tpu.memref_slice %arg13[%dma_start3A_261, %dma_start3A_262] : memref<4x128xi32, #tpu.memory_space<vmem>> -> memref<1x128xi32, #tpu.memory_space<vmem>>
    %dma_start3A_264 = tpu.memref_squeeze %dma_start3A_263 : memref<1x128xi32, #tpu.memory_space<vmem>> -> memref<128xi32, #tpu.memory_space<vmem>>
    %dma_start3A_265 = arith.constant 0 : i32
    %dma_start3A_266 = arith.constant 0 : i32
    %dma_start3A_267 = tpu.memref_slice %arg7[%dma_start3A_265, %dma_start3A_266] : memref<500000x128xf32, #tpu.memory_space<hbm>> -> memref<500000x128xf32, #tpu.memory_space<hbm>>
    tpu.enqueue_indirect_dma source(%dma_start3A_267 : memref<500000x128xf32, #tpu.memory_space<hbm>>) target(%arg14 : memref<128x128xf32, #tpu.memory_space<vmem>>) offsets(%dma_start3A_264 : memref<128xi32, #tpu.memory_space<vmem>>) semaphore(%arg18 : memref<!tpu.dma_semaphore, #tpu.memory_space<semaphore_mem>>)
    %dma_wait3A_268 = arith.constant 1 : i32
    %dma_wait3A_269 = arith.constant 0 : i32
    %dma_wait3A_270 = tpu.memref_slice %arg12[%dma_wait3A_268, %dma_wait3A_269] : memref<4x128xi32, #tpu.memory_space<vmem>> -> memref<1x128xi32, #tpu.memory_space<vmem>>
    %dma_wait3A_271 = tpu.memref_squeeze %dma_wait3A_270 : memref<1x128xi32, #tpu.memory_space<vmem>> -> memref<128xi32, #tpu.memory_space<vmem>>
    %dma_wait3A_272 = arith.constant 0 : i32
    %dma_wait3A_273 = arith.constant 0 : i32
    %dma_wait3A_274 = tpu.memref_slice %arg6[%dma_wait3A_272, %dma_wait3A_273] : memref<500000x128xf32, #tpu.memory_space<hbm>> -> memref<500000x128xf32, #tpu.memory_space<hbm>>
    tpu.wait_indirect_dma semaphore(%arg19 : memref<!tpu.dma_semaphore, #tpu.memory_space<semaphore_mem>>) src(%dma_wait3A_274 : memref<500000x128xf32, #tpu.memory_space<hbm>>) dst(%arg15 : memref<128x128xf32, #tpu.memory_space<vmem>>)
    %add3A_275 = arith.constant 128 : i32
    %add3A_276 = arith.addi %mul3A_2, %add3A_275 : i32
    %dma_start3A_277 = arith.constant 0 : i32
    %dma_start3A_278 = tpu.memref_slice %arg10[%add3A_276, %dma_start3A_277] : memref<16384x128xf32, #tpu.memory_space<hbm>> -> memref<128x128xf32, #tpu.memory_space<hbm>>
    %dma_start3A_279 = arith.constant 0 : i32
    %dma_start3A_280 = tpu.memref_slice %arg10[%add3A_276, %dma_start3A_279] : memref<16384x128xf32, #tpu.memory_space<hbm>> -> memref<128x128xf32, #tpu.memory_space<hbm>>
    tpu.enqueue_dma source(%arg15 : memref<128x128xf32, #tpu.memory_space<vmem>>) target(%dma_start3A_280 : memref<128x128xf32, #tpu.memory_space<hbm>>) target_semaphore(%arg22 : memref<!tpu.dma_semaphore, #tpu.memory_space<semaphore_mem>>)
    %dma_wait3A_281 = arith.constant 0 : i32
    %dma_wait3A_282 = tpu.memref_slice %arg10[%add3A_276, %dma_wait3A_281] : memref<16384x128xf32, #tpu.memory_space<hbm>> -> memref<128x128xf32, #tpu.memory_space<hbm>>
    %dma_wait3A_283 = arith.constant 0 : i32
    %dma_wait3A_284 = tpu.memref_slice %arg10[%add3A_276, %dma_wait3A_283] : memref<16384x128xf32, #tpu.memory_space<hbm>> -> memref<128x128xf32, #tpu.memory_space<hbm>>
    tpu.wait_dma2 semaphore(%arg22 : memref<!tpu.dma_semaphore, #tpu.memory_space<semaphore_mem>>) src(%arg15 : memref<128x128xf32, #tpu.memory_space<vmem>>) dst(%dma_wait3A_284 : memref<128x128xf32, #tpu.memory_space<hbm>>)
    %dma_start3A_285 = arith.constant 1 : i32
    %dma_start3A_286 = arith.constant 0 : i32
    %dma_start3A_287 = tpu.memref_slice %arg13[%dma_start3A_285, %dma_start3A_286] : memref<4x128xi32, #tpu.memory_space<vmem>> -> memref<1x128xi32, #tpu.memory_space<vmem>>
    %dma_start3A_288 = tpu.memref_squeeze %dma_start3A_287 : memref<1x128xi32, #tpu.memory_space<vmem>> -> memref<128xi32, #tpu.memory_space<vmem>>
    %dma_start3A_289 = arith.constant 0 : i32
    %dma_start3A_290 = arith.constant 0 : i32
    %dma_start3A_291 = tpu.memref_slice %arg7[%dma_start3A_289, %dma_start3A_290] : memref<500000x128xf32, #tpu.memory_space<hbm>> -> memref<500000x128xf32, #tpu.memory_space<hbm>>
    tpu.enqueue_indirect_dma source(%dma_start3A_291 : memref<500000x128xf32, #tpu.memory_space<hbm>>) target(%arg15 : memref<128x128xf32, #tpu.memory_space<vmem>>) offsets(%dma_start3A_288 : memref<128xi32, #tpu.memory_space<vmem>>) semaphore(%arg19 : memref<!tpu.dma_semaphore, #tpu.memory_space<semaphore_mem>>)
    %dma_wait3A_292 = arith.constant 2 : i32
    %dma_wait3A_293 = arith.constant 0 : i32
    %dma_wait3A_294 = tpu.memref_slice %arg12[%dma_wait3A_292, %dma_wait3A_293] : memref<4x128xi32, #tpu.memory_space<vmem>> -> memref<1x128xi32, #tpu.memory_space<vmem>>
    %dma_wait3A_295 = tpu.memref_squeeze %dma_wait3A_294 : memref<1x128xi32, #tpu.memory_space<vmem>> -> memref<128xi32, #tpu.memory_space<vmem>>
    %dma_wait3A_296 = arith.constant 0 : i32
    %dma_wait3A_297 = arith.constant 0 : i32
    %dma_wait3A_298 = tpu.memref_slice %arg6[%dma_wait3A_296, %dma_wait3A_297] : memref<500000x128xf32, #tpu.memory_space<hbm>> -> memref<500000x128xf32, #tpu.memory_space<hbm>>
    tpu.wait_indirect_dma semaphore(%arg20 : memref<!tpu.dma_semaphore, #tpu.memory_space<semaphore_mem>>) src(%dma_wait3A_298 : memref<500000x128xf32, #tpu.memory_space<hbm>>) dst(%arg16 : memref<128x128xf32, #tpu.memory_space<vmem>>)
    %add3A_299 = arith.constant 256 : i32
    %add3A_300 = arith.addi %mul3A_2, %add3A_299 : i32
    %dma_start3A_301 = arith.constant 0 : i32
    %dma_start3A_302 = tpu.memref_slice %arg10[%add3A_300, %dma_start3A_301] : memref<16384x128xf32, #tpu.memory_space<hbm>> -> memref<128x128xf32, #tpu.memory_space<hbm>>
    %dma_start3A_303 = arith.constant 0 : i32
    %dma_start3A_304 = tpu.memref_slice %arg10[%add3A_300, %dma_start3A_303] : memref<16384x128xf32, #tpu.memory_space<hbm>> -> memref<128x128xf32, #tpu.memory_space<hbm>>
    tpu.enqueue_dma source(%arg16 : memref<128x128xf32, #tpu.memory_space<vmem>>) target(%dma_start3A_304 : memref<128x128xf32, #tpu.memory_space<hbm>>) target_semaphore(%arg22 : memref<!tpu.dma_semaphore, #tpu.memory_space<semaphore_mem>>)
    %dma_wait3A_305 = arith.constant 0 : i32
    %dma_wait3A_306 = tpu.memref_slice %arg10[%add3A_300, %dma_wait3A_305] : memref<16384x128xf32, #tpu.memory_space<hbm>> -> memref<128x128xf32, #tpu.memory_space<hbm>>
    %dma_wait3A_307 = arith.constant 0 : i32
    %dma_wait3A_308 = tpu.memref_slice %arg10[%add3A_300, %dma_wait3A_307] : memref<16384x128xf32, #tpu.memory_space<hbm>> -> memref<128x128xf32, #tpu.memory_space<hbm>>
    tpu.wait_dma2 semaphore(%arg22 : memref<!tpu.dma_semaphore, #tpu.memory_space<semaphore_mem>>) src(%arg16 : memref<128x128xf32, #tpu.memory_space<vmem>>) dst(%dma_wait3A_308 : memref<128x128xf32, #tpu.memory_space<hbm>>)
    %dma_start3A_309 = arith.constant 2 : i32
    %dma_start3A_310 = arith.constant 0 : i32
    %dma_start3A_311 = tpu.memref_slice %arg13[%dma_start3A_309, %dma_start3A_310] : memref<4x128xi32, #tpu.memory_space<vmem>> -> memref<1x128xi32, #tpu.memory_space<vmem>>
    %dma_start3A_312 = tpu.memref_squeeze %dma_start3A_311 : memref<1x128xi32, #tpu.memory_space<vmem>> -> memref<128xi32, #tpu.memory_space<vmem>>
    %dma_start3A_313 = arith.constant 0 : i32
    %dma_start3A_314 = arith.constant 0 : i32
    %dma_start3A_315 = tpu.memref_slice %arg7[%dma_start3A_313, %dma_start3A_314] : memref<500000x128xf32, #tpu.memory_space<hbm>> -> memref<500000x128xf32, #tpu.memory_space<hbm>>
    tpu.enqueue_indirect_dma source(%dma_start3A_315 : memref<500000x128xf32, #tpu.memory_space<hbm>>) target(%arg16 : memref<128x128xf32, #tpu.memory_space<vmem>>) offsets(%dma_start3A_312 : memref<128xi32, #tpu.memory_space<vmem>>) semaphore(%arg20 : memref<!tpu.dma_semaphore, #tpu.memory_space<semaphore_mem>>)
    %dma_wait3A_316 = arith.constant 3 : i32
    %dma_wait3A_317 = arith.constant 0 : i32
    %dma_wait3A_318 = tpu.memref_slice %arg12[%dma_wait3A_316, %dma_wait3A_317] : memref<4x128xi32, #tpu.memory_space<vmem>> -> memref<1x128xi32, #tpu.memory_space<vmem>>
    %dma_wait3A_319 = tpu.memref_squeeze %dma_wait3A_318 : memref<1x128xi32, #tpu.memory_space<vmem>> -> memref<128xi32, #tpu.memory_space<vmem>>
    %dma_wait3A_320 = arith.constant 0 : i32
    %dma_wait3A_321 = arith.constant 0 : i32
    %dma_wait3A_322 = tpu.memref_slice %arg6[%dma_wait3A_320, %dma_wait3A_321] : memref<500000x128xf32, #tpu.memory_space<hbm>> -> memref<500000x128xf32, #tpu.memory_space<hbm>>
    tpu.wait_indirect_dma semaphore(%arg21 : memref<!tpu.dma_semaphore, #tpu.memory_space<semaphore_mem>>) src(%dma_wait3A_322 : memref<500000x128xf32, #tpu.memory_space<hbm>>) dst(%arg17 : memref<128x128xf32, #tpu.memory_space<vmem>>)
    %add3A_323 = arith.constant 384 : i32
    %add3A_324 = arith.addi %mul3A_2, %add3A_323 : i32
    %dma_start3A_325 = arith.constant 0 : i32
    %dma_start3A_326 = tpu.memref_slice %arg10[%add3A_324, %dma_start3A_325] : memref<16384x128xf32, #tpu.memory_space<hbm>> -> memref<128x128xf32, #tpu.memory_space<hbm>>
    %dma_start3A_327 = arith.constant 0 : i32
    %dma_start3A_328 = tpu.memref_slice %arg10[%add3A_324, %dma_start3A_327] : memref<16384x128xf32, #tpu.memory_space<hbm>> -> memref<128x128xf32, #tpu.memory_space<hbm>>
    tpu.enqueue_dma source(%arg17 : memref<128x128xf32, #tpu.memory_space<vmem>>) target(%dma_start3A_328 : memref<128x128xf32, #tpu.memory_space<hbm>>) target_semaphore(%arg22 : memref<!tpu.dma_semaphore, #tpu.memory_space<semaphore_mem>>)
    %dma_wait3A_329 = arith.constant 0 : i32
    %dma_wait3A_330 = tpu.memref_slice %arg10[%add3A_324, %dma_wait3A_329] : memref<16384x128xf32, #tpu.memory_space<hbm>> -> memref<128x128xf32, #tpu.memory_space<hbm>>
    %dma_wait3A_331 = arith.constant 0 : i32
    %dma_wait3A_332 = tpu.memref_slice %arg10[%add3A_324, %dma_wait3A_331] : memref<16384x128xf32, #tpu.memory_space<hbm>> -> memref<128x128xf32, #tpu.memory_space<hbm>>
    tpu.wait_dma2 semaphore(%arg22 : memref<!tpu.dma_semaphore, #tpu.memory_space<semaphore_mem>>) src(%arg17 : memref<128x128xf32, #tpu.memory_space<vmem>>) dst(%dma_wait3A_332 : memref<128x128xf32, #tpu.memory_space<hbm>>)
    %dma_start3A_333 = arith.constant 3 : i32
    %dma_start3A_334 = arith.constant 0 : i32
    %dma_start3A_335 = tpu.memref_slice %arg13[%dma_start3A_333, %dma_start3A_334] : memref<4x128xi32, #tpu.memory_space<vmem>> -> memref<1x128xi32, #tpu.memory_space<vmem>>
    %dma_start3A_336 = tpu.memref_squeeze %dma_start3A_335 : memref<1x128xi32, #tpu.memory_space<vmem>> -> memref<128xi32, #tpu.memory_space<vmem>>
    %dma_start3A_337 = arith.constant 0 : i32
    %dma_start3A_338 = arith.constant 0 : i32
    %dma_start3A_339 = tpu.memref_slice %arg7[%dma_start3A_337, %dma_start3A_338] : memref<500000x128xf32, #tpu.memory_space<hbm>> -> memref<500000x128xf32, #tpu.memory_space<hbm>>
    tpu.enqueue_indirect_dma source(%dma_start3A_339 : memref<500000x128xf32, #tpu.memory_space<hbm>>) target(%arg17 : memref<128x128xf32, #tpu.memory_space<vmem>>) offsets(%dma_start3A_336 : memref<128xi32, #tpu.memory_space<vmem>>) semaphore(%arg21 : memref<!tpu.dma_semaphore, #tpu.memory_space<semaphore_mem>>)
    %dma_wait3A_340 = arith.constant 0 : i32
    %dma_wait3A_341 = arith.constant 0 : i32
    %dma_wait3A_342 = tpu.memref_slice %arg13[%dma_wait3A_340, %dma_wait3A_341] : memref<4x128xi32, #tpu.memory_space<vmem>> -> memref<1x128xi32, #tpu.memory_space<vmem>>
    %dma_wait3A_343 = tpu.memref_squeeze %dma_wait3A_342 : memref<1x128xi32, #tpu.memory_space<vmem>> -> memref<128xi32, #tpu.memory_space<vmem>>
    %dma_wait3A_344 = arith.constant 0 : i32
    %dma_wait3A_345 = arith.constant 0 : i32
    %dma_wait3A_346 = tpu.memref_slice %arg7[%dma_wait3A_344, %dma_wait3A_345] : memref<500000x128xf32, #tpu.memory_space<hbm>> -> memref<500000x128xf32, #tpu.memory_space<hbm>>
    tpu.wait_indirect_dma semaphore(%arg18 : memref<!tpu.dma_semaphore, #tpu.memory_space<semaphore_mem>>) src(%dma_wait3A_346 : memref<500000x128xf32, #tpu.memory_space<hbm>>) dst(%arg14 : memref<128x128xf32, #tpu.memory_space<vmem>>)
    %add3A_347 = arith.constant 0 : i32
    %add3A_348 = arith.addi %mul3A_2, %add3A_347 : i32
    %dma_start3A_349 = arith.constant 0 : i32
    %dma_start3A_350 = tpu.memref_slice %arg11[%add3A_348, %dma_start3A_349] : memref<16384x128xf32, #tpu.memory_space<hbm>> -> memref<128x128xf32, #tpu.memory_space<hbm>>
    %dma_start3A_351 = arith.constant 0 : i32
    %dma_start3A_352 = tpu.memref_slice %arg11[%add3A_348, %dma_start3A_351] : memref<16384x128xf32, #tpu.memory_space<hbm>> -> memref<128x128xf32, #tpu.memory_space<hbm>>
    tpu.enqueue_dma source(%arg14 : memref<128x128xf32, #tpu.memory_space<vmem>>) target(%dma_start3A_352 : memref<128x128xf32, #tpu.memory_space<hbm>>) target_semaphore(%arg22 : memref<!tpu.dma_semaphore, #tpu.memory_space<semaphore_mem>>)
    %dma_wait3A_353 = arith.constant 1 : i32
    %dma_wait3A_354 = arith.constant 0 : i32
    %dma_wait3A_355 = tpu.memref_slice %arg13[%dma_wait3A_353, %dma_wait3A_354] : memref<4x128xi32, #tpu.memory_space<vmem>> -> memref<1x128xi32, #tpu.memory_space<vmem>>
    %dma_wait3A_356 = tpu.memref_squeeze %dma_wait3A_355 : memref<1x128xi32, #tpu.memory_space<vmem>> -> memref<128xi32, #tpu.memory_space<vmem>>
    %dma_wait3A_357 = arith.constant 0 : i32
    %dma_wait3A_358 = arith.constant 0 : i32
    %dma_wait3A_359 = tpu.memref_slice %arg7[%dma_wait3A_357, %dma_wait3A_358] : memref<500000x128xf32, #tpu.memory_space<hbm>> -> memref<500000x128xf32, #tpu.memory_space<hbm>>
    tpu.wait_indirect_dma semaphore(%arg19 : memref<!tpu.dma_semaphore, #tpu.memory_space<semaphore_mem>>) src(%dma_wait3A_359 : memref<500000x128xf32, #tpu.memory_space<hbm>>) dst(%arg15 : memref<128x128xf32, #tpu.memory_space<vmem>>)
    %add3A_360 = arith.constant 128 : i32
    %add3A_361 = arith.addi %mul3A_2, %add3A_360 : i32
    %dma_start3A_362 = arith.constant 0 : i32
    %dma_start3A_363 = tpu.memref_slice %arg11[%add3A_361, %dma_start3A_362] : memref<16384x128xf32, #tpu.memory_space<hbm>> -> memref<128x128xf32, #tpu.memory_space<hbm>>
    %dma_start3A_364 = arith.constant 0 : i32
    %dma_start3A_365 = tpu.memref_slice %arg11[%add3A_361, %dma_start3A_364] : memref<16384x128xf32, #tpu.memory_space<hbm>> -> memref<128x128xf32, #tpu.memory_space<hbm>>
    tpu.enqueue_dma source(%arg15 : memref<128x128xf32, #tpu.memory_space<vmem>>) target(%dma_start3A_365 : memref<128x128xf32, #tpu.memory_space<hbm>>) target_semaphore(%arg22 : memref<!tpu.dma_semaphore, #tpu.memory_space<semaphore_mem>>)
    %dma_wait3A_366 = arith.constant 2 : i32
    %dma_wait3A_367 = arith.constant 0 : i32
    %dma_wait3A_368 = tpu.memref_slice %arg13[%dma_wait3A_366, %dma_wait3A_367] : memref<4x128xi32, #tpu.memory_space<vmem>> -> memref<1x128xi32, #tpu.memory_space<vmem>>
    %dma_wait3A_369 = tpu.memref_squeeze %dma_wait3A_368 : memref<1x128xi32, #tpu.memory_space<vmem>> -> memref<128xi32, #tpu.memory_space<vmem>>
    %dma_wait3A_370 = arith.constant 0 : i32
    %dma_wait3A_371 = arith.constant 0 : i32
    %dma_wait3A_372 = tpu.memref_slice %arg7[%dma_wait3A_370, %dma_wait3A_371] : memref<500000x128xf32, #tpu.memory_space<hbm>> -> memref<500000x128xf32, #tpu.memory_space<hbm>>
    tpu.wait_indirect_dma semaphore(%arg20 : memref<!tpu.dma_semaphore, #tpu.memory_space<semaphore_mem>>) src(%dma_wait3A_372 : memref<500000x128xf32, #tpu.memory_space<hbm>>) dst(%arg16 : memref<128x128xf32, #tpu.memory_space<vmem>>)
    %add3A_373 = arith.constant 256 : i32
    %add3A_374 = arith.addi %mul3A_2, %add3A_373 : i32
    %dma_start3A_375 = arith.constant 0 : i32
    %dma_start3A_376 = tpu.memref_slice %arg11[%add3A_374, %dma_start3A_375] : memref<16384x128xf32, #tpu.memory_space<hbm>> -> memref<128x128xf32, #tpu.memory_space<hbm>>
    %dma_start3A_377 = arith.constant 0 : i32
    %dma_start3A_378 = tpu.memref_slice %arg11[%add3A_374, %dma_start3A_377] : memref<16384x128xf32, #tpu.memory_space<hbm>> -> memref<128x128xf32, #tpu.memory_space<hbm>>
    tpu.enqueue_dma source(%arg16 : memref<128x128xf32, #tpu.memory_space<vmem>>) target(%dma_start3A_378 : memref<128x128xf32, #tpu.memory_space<hbm>>) target_semaphore(%arg22 : memref<!tpu.dma_semaphore, #tpu.memory_space<semaphore_mem>>)
    %dma_wait3A_379 = arith.constant 3 : i32
    %dma_wait3A_380 = arith.constant 0 : i32
    %dma_wait3A_381 = tpu.memref_slice %arg13[%dma_wait3A_379, %dma_wait3A_380] : memref<4x128xi32, #tpu.memory_space<vmem>> -> memref<1x128xi32, #tpu.memory_space<vmem>>
    %dma_wait3A_382 = tpu.memref_squeeze %dma_wait3A_381 : memref<1x128xi32, #tpu.memory_space<vmem>> -> memref<128xi32, #tpu.memory_space<vmem>>
    %dma_wait3A_383 = arith.constant 0 : i32
    %dma_wait3A_384 = arith.constant 0 : i32
    %dma_wait3A_385 = tpu.memref_slice %arg7[%dma_wait3A_383, %dma_wait3A_384] : memref<500000x128xf32, #tpu.memory_space<hbm>> -> memref<500000x128xf32, #tpu.memory_space<hbm>>
    tpu.wait_indirect_dma semaphore(%arg21 : memref<!tpu.dma_semaphore, #tpu.memory_space<semaphore_mem>>) src(%dma_wait3A_385 : memref<500000x128xf32, #tpu.memory_space<hbm>>) dst(%arg17 : memref<128x128xf32, #tpu.memory_space<vmem>>)
    %add3A_386 = arith.constant 384 : i32
    %add3A_387 = arith.addi %mul3A_2, %add3A_386 : i32
    %dma_start3A_388 = arith.constant 0 : i32
    %dma_start3A_389 = tpu.memref_slice %arg11[%add3A_387, %dma_start3A_388] : memref<16384x128xf32, #tpu.memory_space<hbm>> -> memref<128x128xf32, #tpu.memory_space<hbm>>
    %dma_start3A_390 = arith.constant 0 : i32
    %dma_start3A_391 = tpu.memref_slice %arg11[%add3A_387, %dma_start3A_390] : memref<16384x128xf32, #tpu.memory_space<hbm>> -> memref<128x128xf32, #tpu.memory_space<hbm>>
    tpu.enqueue_dma source(%arg17 : memref<128x128xf32, #tpu.memory_space<vmem>>) target(%dma_start3A_391 : memref<128x128xf32, #tpu.memory_space<hbm>>) target_semaphore(%arg22 : memref<!tpu.dma_semaphore, #tpu.memory_space<semaphore_mem>>)
    %dma_wait3A_392 = arith.constant 0 : i32
    %dma_wait3A_393 = tpu.memref_slice %arg11[%add3A_348, %dma_wait3A_392] : memref<16384x128xf32, #tpu.memory_space<hbm>> -> memref<128x128xf32, #tpu.memory_space<hbm>>
    %dma_wait3A_394 = arith.constant 0 : i32
    %dma_wait3A_395 = tpu.memref_slice %arg11[%add3A_348, %dma_wait3A_394] : memref<16384x128xf32, #tpu.memory_space<hbm>> -> memref<128x128xf32, #tpu.memory_space<hbm>>
    tpu.wait_dma2 semaphore(%arg22 : memref<!tpu.dma_semaphore, #tpu.memory_space<semaphore_mem>>) src(%arg14 : memref<128x128xf32, #tpu.memory_space<vmem>>) dst(%dma_wait3A_395 : memref<128x128xf32, #tpu.memory_space<hbm>>)
    %dma_wait3A_396 = arith.constant 0 : i32
    %dma_wait3A_397 = tpu.memref_slice %arg11[%add3A_361, %dma_wait3A_396] : memref<16384x128xf32, #tpu.memory_space<hbm>> -> memref<128x128xf32, #tpu.memory_space<hbm>>
    %dma_wait3A_398 = arith.constant 0 : i32
    %dma_wait3A_399 = tpu.memref_slice %arg11[%add3A_361, %dma_wait3A_398] : memref<16384x128xf32, #tpu.memory_space<hbm>> -> memref<128x128xf32, #tpu.memory_space<hbm>>
    tpu.wait_dma2 semaphore(%arg22 : memref<!tpu.dma_semaphore, #tpu.memory_space<semaphore_mem>>) src(%arg15 : memref<128x128xf32, #tpu.memory_space<vmem>>) dst(%dma_wait3A_399 : memref<128x128xf32, #tpu.memory_space<hbm>>)
    %dma_wait3A_400 = arith.constant 0 : i32
    %dma_wait3A_401 = tpu.memref_slice %arg11[%add3A_374, %dma_wait3A_400] : memref<16384x128xf32, #tpu.memory_space<hbm>> -> memref<128x128xf32, #tpu.memory_space<hbm>>
    %dma_wait3A_402 = arith.constant 0 : i32
    %dma_wait3A_403 = tpu.memref_slice %arg11[%add3A_374, %dma_wait3A_402] : memref<16384x128xf32, #tpu.memory_space<hbm>> -> memref<128x128xf32, #tpu.memory_space<hbm>>
    tpu.wait_dma2 semaphore(%arg22 : memref<!tpu.dma_semaphore, #tpu.memory_space<semaphore_mem>>) src(%arg16 : memref<128x128xf32, #tpu.memory_space<vmem>>) dst(%dma_wait3A_403 : memref<128x128xf32, #tpu.memory_space<hbm>>)
    %dma_wait3A_404 = arith.constant 0 : i32
    %dma_wait3A_405 = tpu.memref_slice %arg11[%add3A_387, %dma_wait3A_404] : memref<16384x128xf32, #tpu.memory_space<hbm>> -> memref<128x128xf32, #tpu.memory_space<hbm>>
    %dma_wait3A_406 = arith.constant 0 : i32
    %dma_wait3A_407 = tpu.memref_slice %arg11[%add3A_387, %dma_wait3A_406] : memref<16384x128xf32, #tpu.memory_space<hbm>> -> memref<128x128xf32, #tpu.memory_space<hbm>>
    tpu.wait_dma2 semaphore(%arg22 : memref<!tpu.dma_semaphore, #tpu.memory_space<semaphore_mem>>) src(%arg17 : memref<128x128xf32, #tpu.memory_space<vmem>>) dst(%dma_wait3A_407 : memref<128x128xf32, #tpu.memory_space<hbm>>)
    return
  }
}

module attributes {stable_mosaic.version = 14 : i64} {
  func.func @_l1_body(%arg0: i32, %arg1: memref<1024x128xf32, #tpu.memory_space<vmem>>, %arg2: memref<1024x128xf32, #tpu.memory_space<vmem>>, %arg3: memref<1024x128xf32, #tpu.memory_space<vmem>>, %arg4: memref<1024x128xf32, #tpu.memory_space<vmem>>, %arg5: memref<1024x1xi32, #tpu.memory_space<vmem>>, %arg6: memref<1024x1xi32, #tpu.memory_space<vmem>>, %arg7: memref<128x128xf32, #tpu.memory_space<vmem>>, %arg8: memref<8x128xf32, #tpu.memory_space<vmem>>, %arg9: memref<1024x128xf32, #tpu.memory_space<vmem>>, %arg10: memref<1024x1xf32, #tpu.memory_space<vmem>>, %arg11: memref<8x128xf32, #tpu.memory_space<vmem>>) attributes {dimension_semantics = [#tpu.dimension_semantics<arbitrary>], iteration_bounds = array<i64: 16>, scalar_prefetch = 0 : i64, scratch_operands = 0 : i64, tpu.core_type = #tpu.core_type<tc>, window_params = [{transform_indices = @transform_0, window_bounds = array<i64: 1024, 128>}, {transform_indices = @transform_1, window_bounds = array<i64: 1024, 128>}, {transform_indices = @transform_2, window_bounds = array<i64: 1024, 128>}, {transform_indices = @transform_3, window_bounds = array<i64: 1024, 128>}, {transform_indices = @transform_4, window_bounds = array<i64: 1024, 1>}, {transform_indices = @transform_5, window_bounds = array<i64: 1024, 1>}, {pipeline_mode = #tpu.pipeline_mode<synchronous>, transform_indices = @transform_6, window_bounds = array<i64: 128, 128>}, {pipeline_mode = #tpu.pipeline_mode<synchronous>, transform_indices = @transform_7, window_bounds = array<i64: 8, 128>}, {transform_indices = @transform_8, window_bounds = array<i64: 1024, 128>}, {transform_indices = @transform_9, window_bounds = array<i64: 1024, 1>}, {pipeline_mode = #tpu.pipeline_mode<synchronous>, transform_indices = @transform_10, window_bounds = array<i64: 8, 128>}]} {
    %get3A = arith.constant 0 : index
    %get3A_0 = arith.constant 0 : index
    %get3A_1 = vector.load %arg8[%get3A, %get3A_0] : memref<8x128xf32, #tpu.memory_space<vmem>>, vector<8x128xf32>
    %slice3A = vector.extract_strided_slice %get3A_1 {offsets = [0, 0], sizes = [1, 128], strides = [1, 1]} : vector<8x128xf32> to vector<1x128xf32>
    %slice3A_2 = vector.extract_strided_slice %get3A_1 {offsets = [7, 0], sizes = [1, 64], strides = [1, 1]} : vector<8x128xf32> to vector<1x64xf32>
    %get3A_3 = arith.constant 0 : index
    %get3A_4 = arith.constant 0 : index
    %get3A_5 = vector.load %arg5[%get3A_3, %get3A_4] : memref<1024x1xi32, #tpu.memory_space<vmem>>, vector<1024x1xi32>
    %ne3A = arith.constant 0 : i32
    %ne3A_6 = vector.broadcast %ne3A : i32 to vector<1024x1xi32>
    %ne3A_7 = arith.cmpi ne, %get3A_5, %ne3A_6 : vector<1024x1xi32>
    %get3A_8 = arith.constant 0 : index
    %get3A_9 = arith.constant 0 : index
    %get3A_10 = vector.load %arg6[%get3A_8, %get3A_9] : memref<1024x1xi32, #tpu.memory_space<vmem>>, vector<1024x1xi32>
    %ne3A_11 = arith.constant 0 : i32
    %ne3A_12 = vector.broadcast %ne3A_11 : i32 to vector<1024x1xi32>
    %ne3A_13 = arith.cmpi ne, %get3A_10, %ne3A_12 : vector<1024x1xi32>
    %get3A_14 = arith.constant 0 : index
    %get3A_15 = arith.constant 0 : index
    %get3A_16 = vector.load %arg1[%get3A_14, %get3A_15] : memref<1024x128xf32, #tpu.memory_space<vmem>>, vector<1024x128xf32>
    %slice3A_17 = vector.extract_strided_slice %get3A_16 {offsets = [0, 64], sizes = [1024, 64], strides = [1, 1]} : vector<1024x128xf32> to vector<1024x64xf32>
    %slice3A_18 = vector.extract_strided_slice %get3A_16 {offsets = [0, 0], sizes = [1024, 64], strides = [1, 1]} : vector<1024x128xf32> to vector<1024x64xf32>
    %broadcast_in_dim3A = vector.shape_cast %ne3A_7 : vector<1024x1xi1> to vector<1024x1xi1>
    %broadcast_in_dim3A_19 = vector.broadcast %broadcast_in_dim3A : vector<1024x1xi1> to vector<1024x64xi1>
    %select_n3A = arith.select %broadcast_in_dim3A_19, %slice3A_17, %slice3A_18 : vector<1024x64xi1>, vector<1024x64xf32>
    %get3A_20 = arith.constant 0 : index
    %get3A_21 = arith.constant 0 : index
    %get3A_22 = vector.load %arg2[%get3A_20, %get3A_21] : memref<1024x128xf32, #tpu.memory_space<vmem>>, vector<1024x128xf32>
    %slice3A_23 = vector.extract_strided_slice %get3A_22 {offsets = [0, 64], sizes = [1024, 64], strides = [1, 1]} : vector<1024x128xf32> to vector<1024x64xf32>
    %slice3A_24 = vector.extract_strided_slice %get3A_22 {offsets = [0, 0], sizes = [1024, 64], strides = [1, 1]} : vector<1024x128xf32> to vector<1024x64xf32>
    %broadcast_in_dim3A_25 = vector.shape_cast %ne3A_13 : vector<1024x1xi1> to vector<1024x1xi1>
    %broadcast_in_dim3A_26 = vector.broadcast %broadcast_in_dim3A_25 : vector<1024x1xi1> to vector<1024x64xi1>
    %select_n3A_27 = arith.select %broadcast_in_dim3A_26, %slice3A_23, %slice3A_24 : vector<1024x64xi1>, vector<1024x64xf32>
    %get3A_28 = arith.constant 0 : index
    %get3A_29 = arith.constant 0 : index
    %get3A_30 = vector.load %arg7[%get3A_28, %get3A_29] : memref<128x128xf32, #tpu.memory_space<vmem>>, vector<64x128xf32>
    %dot_general3A = arith.constant dense<0.000000e+00> : vector<1024x128xf32>
    %dot_general3A_31 = tpu.matmul %select_n3A, %get3A_30, %dot_general3A {dimension_numbers = #tpu.dot_dimension_numbers<[1], [0], [0], [1], [0, 0, 1, 1], [], []>, transpose_lhs_hint = false} : vector<1024x64xf32>, vector<64x128xf32>, vector<1024x128xf32> -> vector<1024x128xf32>
    %get3A_32 = arith.constant 64 : index
    %get3A_33 = arith.constant 0 : index
    %get3A_34 = vector.load %arg7[%get3A_32, %get3A_33] : memref<128x128xf32, #tpu.memory_space<vmem>>, vector<64x128xf32>
    %dot_general3A_35 = arith.constant dense<0.000000e+00> : vector<1024x128xf32>
    %dot_general3A_36 = tpu.matmul %select_n3A_27, %get3A_34, %dot_general3A_35 {dimension_numbers = #tpu.dot_dimension_numbers<[1], [0], [0], [1], [0, 0, 1, 1], [], []>, transpose_lhs_hint = false} : vector<1024x64xf32>, vector<64x128xf32>, vector<1024x128xf32> -> vector<1024x128xf32>
    %add3A = arith.addf %dot_general3A_31, %dot_general3A_36 : vector<1024x128xf32>
    %add3A_37 = vector.broadcast %slice3A : vector<1x128xf32> to vector<1024x128xf32>
    %add3A_38 = arith.addf %add3A, %add3A_37 : vector<1024x128xf32>
    %max3A = arith.constant 0.000000e+00 : f32
    %max3A_39 = vector.broadcast %max3A : f32 to vector<1024x128xf32>
    %max3A_40 = arith.maximumf %add3A_38, %max3A_39 : vector<1024x128xf32>
    %swap3A = arith.constant 0 : index
    %swap3A_41 = arith.constant 0 : index
    %swap3A_42 = vector.load %arg9[%swap3A, %swap3A_41] : memref<1024x128xf32, #tpu.memory_space<vmem>>, vector<1024x128xf32>
    tpu.vector_store %arg9[%swap3A, %swap3A_41], %max3A_40 {strides = array<i32>} : memref<1024x128xf32, #tpu.memory_space<vmem>>, vector<1024x128xf32>,
    %get3A_43 = arith.constant 0 : index
    %get3A_44 = arith.constant 0 : index
    %get3A_45 = vector.load %arg3[%get3A_43, %get3A_44] : memref<1024x128xf32, #tpu.memory_space<vmem>>, vector<1024x128xf32>
    %slice3A_46 = vector.extract_strided_slice %get3A_45 {offsets = [0, 64], sizes = [1024, 64], strides = [1, 1]} : vector<1024x128xf32> to vector<1024x64xf32>
    %slice3A_47 = vector.extract_strided_slice %get3A_45 {offsets = [0, 0], sizes = [1024, 64], strides = [1, 1]} : vector<1024x128xf32> to vector<1024x64xf32>
    %broadcast_in_dim3A_48 = vector.shape_cast %ne3A_7 : vector<1024x1xi1> to vector<1024x1xi1>
    %broadcast_in_dim3A_49 = vector.broadcast %broadcast_in_dim3A_48 : vector<1024x1xi1> to vector<1024x64xi1>
    %select_n3A_50 = arith.select %broadcast_in_dim3A_49, %slice3A_46, %slice3A_47 : vector<1024x64xi1>, vector<1024x64xf32>
    %get3A_51 = arith.constant 0 : index
    %get3A_52 = arith.constant 0 : index
    %get3A_53 = vector.load %arg4[%get3A_51, %get3A_52] : memref<1024x128xf32, #tpu.memory_space<vmem>>, vector<1024x128xf32>
    %slice3A_54 = vector.extract_strided_slice %get3A_53 {offsets = [0, 64], sizes = [1024, 64], strides = [1, 1]} : vector<1024x128xf32> to vector<1024x64xf32>
    %slice3A_55 = vector.extract_strided_slice %get3A_53 {offsets = [0, 0], sizes = [1024, 64], strides = [1, 1]} : vector<1024x128xf32> to vector<1024x64xf32>
    %broadcast_in_dim3A_56 = vector.shape_cast %ne3A_13 : vector<1024x1xi1> to vector<1024x1xi1>
    %broadcast_in_dim3A_57 = vector.broadcast %broadcast_in_dim3A_56 : vector<1024x1xi1> to vector<1024x64xi1>
    %select_n3A_58 = arith.select %broadcast_in_dim3A_57, %slice3A_54, %slice3A_55 : vector<1024x64xi1>, vector<1024x64xf32>
    %mul3A = arith.mulf %select_n3A_50, %select_n3A_58 : vector<1024x64xf32>
    %mul3A_59 = vector.broadcast %slice3A_2 : vector<1x64xf32> to vector<1024x64xf32>
    %mul3A_60 = arith.mulf %mul3A, %mul3A_59 : vector<1024x64xf32>
    %reduce_sum3A = arith.constant dense<0.000000e+00> : vector<1024xf32>
    %reduce_sum3A_61 = vector.multi_reduction <add>, %mul3A_60, %reduce_sum3A [1] : vector<1024x64xf32> to vector<1024xf32>
    %broadcast_in_dim3A_62 = vector.shape_cast %reduce_sum3A_61 : vector<1024xf32> to vector<1024x1xf32>
    %swap3A_63 = arith.constant 0 : index
    %swap3A_64 = arith.constant 0 : index
    %swap3A_65 = vector.load %arg10[%swap3A_63, %swap3A_64] : memref<1024x1xf32, #tpu.memory_space<vmem>>, vector<1024x1xf32>
    tpu.vector_store %arg10[%swap3A_63, %swap3A_64], %broadcast_in_dim3A_62 {strides = array<i32>} : memref<1024x1xf32, #tpu.memory_space<vmem>>, vector<1024x1xf32>,
    %reduce_sum3A_66 = arith.constant dense<0.000000e+00> : vector<128xf32>
    %reduce_sum3A_67 = vector.multi_reduction <add>, %max3A_40, %reduce_sum3A_66 [0] : vector<1024x128xf32> to vector<128xf32>
    %broadcast_in_dim3A_68 = vector.shape_cast %reduce_sum3A_67 : vector<128xf32> to vector<1x128xf32>
    %mul3A_69 = arith.mulf %max3A_40, %max3A_40 : vector<1024x128xf32>
    %reduce_sum3A_70 = arith.constant dense<0.000000e+00> : vector<128xf32>
    %reduce_sum3A_71 = vector.multi_reduction <add>, %mul3A_69, %reduce_sum3A_70 [0] : vector<1024x128xf32> to vector<128xf32>
    %broadcast_in_dim3A_72 = vector.shape_cast %reduce_sum3A_71 : vector<128xf32> to vector<1x128xf32>
    %broadcast_in_dim3A_73 = arith.constant 0.000000e+00 : f32
    %broadcast_in_dim3A_74 = vector.broadcast %broadcast_in_dim3A_73 : f32 to vector<6x128xf32>
    %concatenate3A = tpu.concatenate %broadcast_in_dim3A_68, %broadcast_in_dim3A_72, %broadcast_in_dim3A_74 in 0 : vector<1x128xf32>, vector<1x128xf32>, vector<6x128xf32> -> vector<8x128xf32>
    %eq3A = arith.constant 0 : i32
    %eq3A_75 = arith.cmpi eq, %arg0, %eq3A : i32
    %convert_element_type3A = arith.extui %eq3A_75 : i1 to i32
    %cond3A = arith.constant 0 : i32
    %cond3A_76 = arith.cmpi ne, %convert_element_type3A, %cond3A : i32
    scf.if %cond3A_76 {
      %swap3A_81 = arith.constant 0 : index
      %swap3A_82 = arith.constant 0 : index
      %swap3A_83 = vector.load %arg11[%swap3A_81, %swap3A_82] : memref<8x128xf32, #tpu.memory_space<vmem>>, vector<8x128xf32>
      tpu.vector_store %arg11[%swap3A_81, %swap3A_82], %concatenate3A {strides = array<i32>} : memref<8x128xf32, #tpu.memory_space<vmem>>, vector<8x128xf32>,
    } else {
    }
    %gt3A = arith.constant 0 : i32
    %gt3A_77 = arith.cmpi sgt, %arg0, %gt3A : i32
    %convert_element_type3A_78 = arith.extui %gt3A_77 : i1 to i32
    %cond3A_79 = arith.constant 0 : i32
    %cond3A_80 = arith.cmpi ne, %convert_element_type3A_78, %cond3A_79 : i32
    scf.if %cond3A_80 {
      %get3A_81 = arith.constant 0 : index
      %get3A_82 = arith.constant 0 : index
      %get3A_83 = vector.load %arg11[%get3A_81, %get3A_82] : memref<8x128xf32, #tpu.memory_space<vmem>>, vector<8x128xf32>
      %add3A_84 = arith.addf %get3A_83, %concatenate3A : vector<8x128xf32>
      %swap3A_85 = arith.constant 0 : index
      %swap3A_86 = arith.constant 0 : index
      %swap3A_87 = vector.load %arg11[%swap3A_85, %swap3A_86] : memref<8x128xf32, #tpu.memory_space<vmem>>, vector<8x128xf32>
      tpu.vector_store %arg11[%swap3A_85, %swap3A_86], %add3A_84 {strides = array<i32>} : memref<8x128xf32, #tpu.memory_space<vmem>>, vector<8x128xf32>,
    } else {
    }
    return
  }
  func.func @transform_0(%arg0: i32) -> (i32, i32) {
    %c0_i32 = arith.constant 0 : i32
    %c0_i32_0 = arith.constant 0 : i32
    return %arg0, %c0_i32 : i32, i32
  }
  func.func @transform_1(%arg0: i32) -> (i32, i32) {
    %c0_i32 = arith.constant 0 : i32
    %c0_i32_0 = arith.constant 0 : i32
    return %arg0, %c0_i32 : i32, i32
  }
  func.func @transform_2(%arg0: i32) -> (i32, i32) {
    %c0_i32 = arith.constant 0 : i32
    %c0_i32_0 = arith.constant 0 : i32
    return %arg0, %c0_i32 : i32, i32
  }
  func.func @transform_3(%arg0: i32) -> (i32, i32) {
    %c0_i32 = arith.constant 0 : i32
    %c0_i32_0 = arith.constant 0 : i32
    return %arg0, %c0_i32 : i32, i32
  }
  func.func @transform_4(%arg0: i32) -> (i32, i32) {
    %c0_i32 = arith.constant 0 : i32
    %c0_i32_0 = arith.constant 0 : i32
    return %arg0, %c0_i32 : i32, i32
  }
  func.func @transform_5(%arg0: i32) -> (i32, i32) {
    %c0_i32 = arith.constant 0 : i32
    %c0_i32_0 = arith.constant 0 : i32
    return %arg0, %c0_i32 : i32, i32
  }
  func.func @transform_6(%arg0: i32) -> (i32, i32) {
    %c0_i32 = arith.constant 0 : i32
    %c0_i32_0 = arith.constant 0 : i32
    %c0_i32_1 = arith.constant 0 : i32
    return %c0_i32, %c0_i32_0 : i32, i32
  }
  func.func @transform_7(%arg0: i32) -> (i32, i32) {
    %c0_i32 = arith.constant 0 : i32
    %c0_i32_0 = arith.constant 0 : i32
    %c0_i32_1 = arith.constant 0 : i32
    return %c0_i32, %c0_i32_0 : i32, i32
  }
  func.func @transform_8(%arg0: i32) -> (i32, i32) {
    %c0_i32 = arith.constant 0 : i32
    %c0_i32_0 = arith.constant 0 : i32
    return %arg0, %c0_i32 : i32, i32
  }
  func.func @transform_9(%arg0: i32) -> (i32, i32) {
    %c0_i32 = arith.constant 0 : i32
    %c0_i32_0 = arith.constant 0 : i32
    return %arg0, %c0_i32 : i32, i32
  }
  func.func @transform_10(%arg0: i32) -> (i32, i32) {
    %c0_i32 = arith.constant 0 : i32
    %c0_i32_0 = arith.constant 0 : i32
    %c0_i32_1 = arith.constant 0 : i32
    return %c0_i32, %c0_i32_0 : i32, i32
  }
}

module attributes {stable_mosaic.version = 14 : i64} {
  func.func @_l2_body(%arg0: i32, %arg1: memref<1024x128xf32, #tpu.memory_space<vmem>>, %arg2: memref<8x128xf32, #tpu.memory_space<vmem>>, %arg3: memref<128x64xf32, #tpu.memory_space<vmem>>, %arg4: memref<8x128xf32, #tpu.memory_space<vmem>>, %arg5: memref<1024x64xf32, #tpu.memory_space<vmem>>, %arg6: memref<8x128xf32, #tpu.memory_space<vmem>>) attributes {dimension_semantics = [#tpu.dimension_semantics<arbitrary>], iteration_bounds = array<i64: 16>, scalar_prefetch = 0 : i64, scratch_operands = 0 : i64, tpu.core_type = #tpu.core_type<tc>, window_params = [{transform_indices = @transform_0, window_bounds = array<i64: 1024, 128>}, {pipeline_mode = #tpu.pipeline_mode<synchronous>, transform_indices = @transform_1, window_bounds = array<i64: 8, 128>}, {pipeline_mode = #tpu.pipeline_mode<synchronous>, transform_indices = @transform_2, window_bounds = array<i64: 128, 64>}, {pipeline_mode = #tpu.pipeline_mode<synchronous>, transform_indices = @transform_3, window_bounds = array<i64: 8, 128>}, {transform_indices = @transform_4, window_bounds = array<i64: 1024, 64>}, {pipeline_mode = #tpu.pipeline_mode<synchronous>, transform_indices = @transform_5, window_bounds = array<i64: 8, 128>}]} {
    %get3A = arith.constant 0 : index
    %get3A_0 = arith.constant 0 : index
    %get3A_1 = vector.load %arg4[%get3A, %get3A_0] : memref<8x128xf32, #tpu.memory_space<vmem>>, vector<8x128xf32>
    %get3A_2 = arith.constant 0 : index
    %get3A_3 = arith.constant 0 : index
    %get3A_4 = vector.load %arg2[%get3A_2, %get3A_3] : memref<8x128xf32, #tpu.memory_space<vmem>>, vector<8x128xf32>
    %slice3A = vector.extract_strided_slice %get3A_1 {offsets = [1, 0], sizes = [1, 128], strides = [1, 1]} : vector<8x128xf32> to vector<1x128xf32>
    %slice3A_5 = vector.extract_strided_slice %get3A_1 {offsets = [2, 0], sizes = [1, 128], strides = [1, 1]} : vector<8x128xf32> to vector<1x128xf32>
    %slice3A_6 = vector.extract_strided_slice %get3A_4 {offsets = [0, 0], sizes = [1, 128], strides = [1, 1]} : vector<8x128xf32> to vector<1x128xf32>
    %mul3A = arith.constant 6.10351563E-5 : f32
    %mul3A_7 = vector.broadcast %mul3A : f32 to vector<1x128xf32>
    %mul3A_8 = arith.mulf %slice3A_6, %mul3A_7 : vector<1x128xf32>
    %slice3A_9 = vector.extract_strided_slice %get3A_4 {offsets = [1, 0], sizes = [1, 128], strides = [1, 1]} : vector<8x128xf32> to vector<1x128xf32>
    %mul3A_10 = arith.constant 6.10351563E-5 : f32
    %mul3A_11 = vector.broadcast %mul3A_10 : f32 to vector<1x128xf32>
    %mul3A_12 = arith.mulf %slice3A_9, %mul3A_11 : vector<1x128xf32>
    %mul3A_13 = arith.mulf %mul3A_8, %mul3A_8 : vector<1x128xf32>
    %sub3A = arith.subf %mul3A_12, %mul3A_13 : vector<1x128xf32>
    %add3A = arith.constant 9.99999974E-6 : f32
    %add3A_14 = vector.broadcast %add3A : f32 to vector<1x128xf32>
    %add3A_15 = arith.addf %sub3A, %add3A_14 : vector<1x128xf32>
    %rsqrt3A = math.rsqrt %add3A_15 : vector<1x128xf32>
    %mul3A_16 = arith.mulf %slice3A, %rsqrt3A : vector<1x128xf32>
    %slice3A_17 = vector.extract_strided_slice %get3A_1 {offsets = [3, 0], sizes = [1, 64], strides = [1, 1]} : vector<8x128xf32> to vector<1x64xf32>
    %get3A_18 = arith.constant 0 : index
    %get3A_19 = arith.constant 0 : index
    %get3A_20 = vector.load %arg1[%get3A_18, %get3A_19] : memref<1024x128xf32, #tpu.memory_space<vmem>>, vector<1024x128xf32>
    %sub3A_21 = vector.broadcast %mul3A_8 : vector<1x128xf32> to vector<1024x128xf32>
    %sub3A_22 = arith.subf %get3A_20, %sub3A_21 : vector<1024x128xf32>
    %mul3A_23 = vector.broadcast %mul3A_16 : vector<1x128xf32> to vector<1024x128xf32>
    %mul3A_24 = arith.mulf %sub3A_22, %mul3A_23 : vector<1024x128xf32>
    %add3A_25 = vector.broadcast %slice3A_5 : vector<1x128xf32> to vector<1024x128xf32>
    %add3A_26 = arith.addf %mul3A_24, %add3A_25 : vector<1024x128xf32>
    %get3A_27 = arith.constant 0 : index
    %get3A_28 = arith.constant 0 : index
    %get3A_29 = vector.load %arg3[%get3A_27, %get3A_28] : memref<128x64xf32, #tpu.memory_space<vmem>>, vector<128x64xf32>
    %dot_general3A = arith.constant dense<0.000000e+00> : vector<1024x64xf32>
    %dot_general3A_30 = tpu.matmul %add3A_26, %get3A_29, %dot_general3A {dimension_numbers = #tpu.dot_dimension_numbers<[1], [0], [0], [1], [0, 0, 1, 1], [], []>, transpose_lhs_hint = false} : vector<1024x128xf32>, vector<128x64xf32>, vector<1024x64xf32> -> vector<1024x64xf32>
    %add3A_31 = vector.broadcast %slice3A_17 : vector<1x64xf32> to vector<1024x64xf32>
    %add3A_32 = arith.addf %dot_general3A_30, %add3A_31 : vector<1024x64xf32>
    %max3A = arith.constant 0.000000e+00 : f32
    %max3A_33 = vector.broadcast %max3A : f32 to vector<1024x64xf32>
    %max3A_34 = arith.maximumf %add3A_32, %max3A_33 : vector<1024x64xf32>
    %swap3A = arith.constant 0 : index
    %swap3A_35 = arith.constant 0 : index
    %swap3A_36 = vector.load %arg5[%swap3A, %swap3A_35] : memref<1024x64xf32, #tpu.memory_space<vmem>>, vector<1024x64xf32>
    tpu.vector_store %arg5[%swap3A, %swap3A_35], %max3A_34 {strides = array<i32>} : memref<1024x64xf32, #tpu.memory_space<vmem>>, vector<1024x64xf32>,
    %reduce_sum3A = arith.constant dense<0.000000e+00> : vector<64xf32>
    %reduce_sum3A_37 = vector.multi_reduction <add>, %max3A_34, %reduce_sum3A [0] : vector<1024x64xf32> to vector<64xf32>
    %broadcast_in_dim3A = vector.shape_cast %reduce_sum3A_37 : vector<64xf32> to vector<1x64xf32>
    %mul3A_38 = arith.mulf %max3A_34, %max3A_34 : vector<1024x64xf32>
    %reduce_sum3A_39 = arith.constant dense<0.000000e+00> : vector<64xf32>
    %reduce_sum3A_40 = vector.multi_reduction <add>, %mul3A_38, %reduce_sum3A_39 [0] : vector<1024x64xf32> to vector<64xf32>
    %broadcast_in_dim3A_41 = vector.shape_cast %reduce_sum3A_40 : vector<64xf32> to vector<1x64xf32>
    %broadcast_in_dim3A_42 = arith.constant 0.000000e+00 : f32
    %broadcast_in_dim3A_43 = vector.broadcast %broadcast_in_dim3A_42 : f32 to vector<1x64xf32>
    %concatenate3A = tpu.concatenate %broadcast_in_dim3A, %broadcast_in_dim3A_43 in 1 : vector<1x64xf32>, vector<1x64xf32> -> vector<1x128xf32>
    %concatenate3A_44 = tpu.concatenate %broadcast_in_dim3A_41, %broadcast_in_dim3A_43 in 1 : vector<1x64xf32>, vector<1x64xf32> -> vector<1x128xf32>
    %broadcast_in_dim3A_45 = arith.constant 0.000000e+00 : f32
    %broadcast_in_dim3A_46 = vector.broadcast %broadcast_in_dim3A_45 : f32 to vector<6x128xf32>
    %concatenate3A_47 = tpu.concatenate %concatenate3A, %concatenate3A_44, %broadcast_in_dim3A_46 in 0 : vector<1x128xf32>, vector<1x128xf32>, vector<6x128xf32> -> vector<8x128xf32>
    %eq3A = arith.constant 0 : i32
    %eq3A_48 = arith.cmpi eq, %arg0, %eq3A : i32
    %convert_element_type3A = arith.extui %eq3A_48 : i1 to i32
    %cond3A = arith.constant 0 : i32
    %cond3A_49 = arith.cmpi ne, %convert_element_type3A, %cond3A : i32
    scf.if %cond3A_49 {
      %swap3A_54 = arith.constant 0 : index
      %swap3A_55 = arith.constant 0 : index
      %swap3A_56 = vector.load %arg6[%swap3A_54, %swap3A_55] : memref<8x128xf32, #tpu.memory_space<vmem>>, vector<8x128xf32>
      tpu.vector_store %arg6[%swap3A_54, %swap3A_55], %concatenate3A_47 {strides = array<i32>} : memref<8x128xf32, #tpu.memory_space<vmem>>, vector<8x128xf32>,
    } else {
    }
    %gt3A = arith.constant 0 : i32
    %gt3A_50 = arith.cmpi sgt, %arg0, %gt3A : i32
    %convert_element_type3A_51 = arith.extui %gt3A_50 : i1 to i32
    %cond3A_52 = arith.constant 0 : i32
    %cond3A_53 = arith.cmpi ne, %convert_element_type3A_51, %cond3A_52 : i32
    scf.if %cond3A_53 {
      %get3A_54 = arith.constant 0 : index
      %get3A_55 = arith.constant 0 : index
      %get3A_56 = vector.load %arg6[%get3A_54, %get3A_55] : memref<8x128xf32, #tpu.memory_space<vmem>>, vector<8x128xf32>
      %add3A_57 = arith.addf %get3A_56, %concatenate3A_47 : vector<8x128xf32>
      %swap3A_58 = arith.constant 0 : index
      %swap3A_59 = arith.constant 0 : index
      %swap3A_60 = vector.load %arg6[%swap3A_58, %swap3A_59] : memref<8x128xf32, #tpu.memory_space<vmem>>, vector<8x128xf32>
      tpu.vector_store %arg6[%swap3A_58, %swap3A_59], %add3A_57 {strides = array<i32>} : memref<8x128xf32, #tpu.memory_space<vmem>>, vector<8x128xf32>,
    } else {
    }
    return
  }
  func.func @transform_0(%arg0: i32) -> (i32, i32) {
    %c0_i32 = arith.constant 0 : i32
    %c0_i32_0 = arith.constant 0 : i32
    return %arg0, %c0_i32 : i32, i32
  }
  func.func @transform_1(%arg0: i32) -> (i32, i32) {
    %c0_i32 = arith.constant 0 : i32
    %c0_i32_0 = arith.constant 0 : i32
    %c0_i32_1 = arith.constant 0 : i32
    return %c0_i32, %c0_i32_0 : i32, i32
  }
  func.func @transform_2(%arg0: i32) -> (i32, i32) {
    %c0_i32 = arith.constant 0 : i32
    %c0_i32_0 = arith.constant 0 : i32
    %c0_i32_1 = arith.constant 0 : i32
    return %c0_i32, %c0_i32_0 : i32, i32
  }
  func.func @transform_3(%arg0: i32) -> (i32, i32) {
    %c0_i32 = arith.constant 0 : i32
    %c0_i32_0 = arith.constant 0 : i32
    %c0_i32_1 = arith.constant 0 : i32
    return %c0_i32, %c0_i32_0 : i32, i32
  }
  func.func @transform_4(%arg0: i32) -> (i32, i32) {
    %c0_i32 = arith.constant 0 : i32
    %c0_i32_0 = arith.constant 0 : i32
    return %arg0, %c0_i32 : i32, i32
  }
  func.func @transform_5(%arg0: i32) -> (i32, i32) {
    %c0_i32 = arith.constant 0 : i32
    %c0_i32_0 = arith.constant 0 : i32
    %c0_i32_1 = arith.constant 0 : i32
    return %c0_i32, %c0_i32_0 : i32, i32
  }
}

module attributes {stable_mosaic.version = 14 : i64} {
  func.func @_l3_body(%arg0: i32, %arg1: memref<1024x64xf32, #tpu.memory_space<vmem>>, %arg2: memref<8x128xf32, #tpu.memory_space<vmem>>, %arg3: memref<64x32xf32, #tpu.memory_space<vmem>>, %arg4: memref<8x128xf32, #tpu.memory_space<vmem>>, %arg5: memref<1024x32xf32, #tpu.memory_space<vmem>>, %arg6: memref<8x128xf32, #tpu.memory_space<vmem>>) attributes {dimension_semantics = [#tpu.dimension_semantics<arbitrary>], iteration_bounds = array<i64: 16>, scalar_prefetch = 0 : i64, scratch_operands = 0 : i64, tpu.core_type = #tpu.core_type<tc>, window_params = [{transform_indices = @transform_0, window_bounds = array<i64: 1024, 64>}, {pipeline_mode = #tpu.pipeline_mode<synchronous>, transform_indices = @transform_1, window_bounds = array<i64: 8, 128>}, {pipeline_mode = #tpu.pipeline_mode<synchronous>, transform_indices = @transform_2, window_bounds = array<i64: 64, 32>}, {pipeline_mode = #tpu.pipeline_mode<synchronous>, transform_indices = @transform_3, window_bounds = array<i64: 8, 128>}, {transform_indices = @transform_4, window_bounds = array<i64: 1024, 32>}, {pipeline_mode = #tpu.pipeline_mode<synchronous>, transform_indices = @transform_5, window_bounds = array<i64: 8, 128>}]} {
    %get3A = arith.constant 0 : index
    %get3A_0 = arith.constant 0 : index
    %get3A_1 = vector.load %arg4[%get3A, %get3A_0] : memref<8x128xf32, #tpu.memory_space<vmem>>, vector<8x128xf32>
    %get3A_2 = arith.constant 0 : index
    %get3A_3 = arith.constant 0 : index
    %get3A_4 = vector.load %arg2[%get3A_2, %get3A_3] : memref<8x128xf32, #tpu.memory_space<vmem>>, vector<8x128xf32>
    %slice3A = vector.extract_strided_slice %get3A_1 {offsets = [4, 0], sizes = [1, 64], strides = [1, 1]} : vector<8x128xf32> to vector<1x64xf32>
    %slice3A_5 = vector.extract_strided_slice %get3A_1 {offsets = [5, 0], sizes = [1, 64], strides = [1, 1]} : vector<8x128xf32> to vector<1x64xf32>
    %slice3A_6 = vector.extract_strided_slice %get3A_4 {offsets = [0, 0], sizes = [1, 64], strides = [1, 1]} : vector<8x128xf32> to vector<1x64xf32>
    %mul3A = arith.constant 6.10351563E-5 : f32
    %mul3A_7 = vector.broadcast %mul3A : f32 to vector<1x64xf32>
    %mul3A_8 = arith.mulf %slice3A_6, %mul3A_7 : vector<1x64xf32>
    %slice3A_9 = vector.extract_strided_slice %get3A_4 {offsets = [1, 0], sizes = [1, 64], strides = [1, 1]} : vector<8x128xf32> to vector<1x64xf32>
    %mul3A_10 = arith.constant 6.10351563E-5 : f32
    %mul3A_11 = vector.broadcast %mul3A_10 : f32 to vector<1x64xf32>
    %mul3A_12 = arith.mulf %slice3A_9, %mul3A_11 : vector<1x64xf32>
    %mul3A_13 = arith.mulf %mul3A_8, %mul3A_8 : vector<1x64xf32>
    %sub3A = arith.subf %mul3A_12, %mul3A_13 : vector<1x64xf32>
    %add3A = arith.constant 9.99999974E-6 : f32
    %add3A_14 = vector.broadcast %add3A : f32 to vector<1x64xf32>
    %add3A_15 = arith.addf %sub3A, %add3A_14 : vector<1x64xf32>
    %rsqrt3A = math.rsqrt %add3A_15 : vector<1x64xf32>
    %mul3A_16 = arith.mulf %slice3A, %rsqrt3A : vector<1x64xf32>
    %slice3A_17 = vector.extract_strided_slice %get3A_1 {offsets = [6, 0], sizes = [1, 32], strides = [1, 1]} : vector<8x128xf32> to vector<1x32xf32>
    %get3A_18 = arith.constant 0 : index
    %get3A_19 = arith.constant 0 : index
    %get3A_20 = vector.load %arg1[%get3A_18, %get3A_19] : memref<1024x64xf32, #tpu.memory_space<vmem>>, vector<1024x64xf32>
    %sub3A_21 = vector.broadcast %mul3A_8 : vector<1x64xf32> to vector<1024x64xf32>
    %sub3A_22 = arith.subf %get3A_20, %sub3A_21 : vector<1024x64xf32>
    %mul3A_23 = vector.broadcast %mul3A_16 : vector<1x64xf32> to vector<1024x64xf32>
    %mul3A_24 = arith.mulf %sub3A_22, %mul3A_23 : vector<1024x64xf32>
    %add3A_25 = vector.broadcast %slice3A_5 : vector<1x64xf32> to vector<1024x64xf32>
    %add3A_26 = arith.addf %mul3A_24, %add3A_25 : vector<1024x64xf32>
    %get3A_27 = arith.constant 0 : index
    %get3A_28 = arith.constant 0 : index
    %get3A_29 = vector.load %arg3[%get3A_27, %get3A_28] : memref<64x32xf32, #tpu.memory_space<vmem>>, vector<64x32xf32>
    %dot_general3A = arith.constant dense<0.000000e+00> : vector<1024x32xf32>
    %dot_general3A_30 = tpu.matmul %add3A_26, %get3A_29, %dot_general3A {dimension_numbers = #tpu.dot_dimension_numbers<[1], [0], [0], [1], [0, 0, 1, 1], [], []>, transpose_lhs_hint = false} : vector<1024x64xf32>, vector<64x32xf32>, vector<1024x32xf32> -> vector<1024x32xf32>
    %add3A_31 = vector.broadcast %slice3A_17 : vector<1x32xf32> to vector<1024x32xf32>
    %add3A_32 = arith.addf %dot_general3A_30, %add3A_31 : vector<1024x32xf32>
    %max3A = arith.constant 0.000000e+00 : f32
    %max3A_33 = vector.broadcast %max3A : f32 to vector<1024x32xf32>
    %max3A_34 = arith.maximumf %add3A_32, %max3A_33 : vector<1024x32xf32>
    %swap3A = arith.constant 0 : index
    %swap3A_35 = arith.constant 0 : index
    %swap3A_36 = vector.load %arg5[%swap3A, %swap3A_35] : memref<1024x32xf32, #tpu.memory_space<vmem>>, vector<1024x32xf32>
    tpu.vector_store %arg5[%swap3A, %swap3A_35], %max3A_34 {strides = array<i32>} : memref<1024x32xf32, #tpu.memory_space<vmem>>, vector<1024x32xf32>,
    %reduce_sum3A = arith.constant dense<0.000000e+00> : vector<32xf32>
    %reduce_sum3A_37 = vector.multi_reduction <add>, %max3A_34, %reduce_sum3A [0] : vector<1024x32xf32> to vector<32xf32>
    %broadcast_in_dim3A = vector.shape_cast %reduce_sum3A_37 : vector<32xf32> to vector<1x32xf32>
    %mul3A_38 = arith.mulf %max3A_34, %max3A_34 : vector<1024x32xf32>
    %reduce_sum3A_39 = arith.constant dense<0.000000e+00> : vector<32xf32>
    %reduce_sum3A_40 = vector.multi_reduction <add>, %mul3A_38, %reduce_sum3A_39 [0] : vector<1024x32xf32> to vector<32xf32>
    %broadcast_in_dim3A_41 = vector.shape_cast %reduce_sum3A_40 : vector<32xf32> to vector<1x32xf32>
    %broadcast_in_dim3A_42 = arith.constant 0.000000e+00 : f32
    %broadcast_in_dim3A_43 = vector.broadcast %broadcast_in_dim3A_42 : f32 to vector<1x96xf32>
    %concatenate3A = tpu.concatenate %broadcast_in_dim3A, %broadcast_in_dim3A_43 in 1 : vector<1x32xf32>, vector<1x96xf32> -> vector<1x128xf32>
    %concatenate3A_44 = tpu.concatenate %broadcast_in_dim3A_41, %broadcast_in_dim3A_43 in 1 : vector<1x32xf32>, vector<1x96xf32> -> vector<1x128xf32>
    %broadcast_in_dim3A_45 = arith.constant 0.000000e+00 : f32
    %broadcast_in_dim3A_46 = vector.broadcast %broadcast_in_dim3A_45 : f32 to vector<6x128xf32>
    %concatenate3A_47 = tpu.concatenate %concatenate3A, %concatenate3A_44, %broadcast_in_dim3A_46 in 0 : vector<1x128xf32>, vector<1x128xf32>, vector<6x128xf32> -> vector<8x128xf32>
    %eq3A = arith.constant 0 : i32
    %eq3A_48 = arith.cmpi eq, %arg0, %eq3A : i32
    %convert_element_type3A = arith.extui %eq3A_48 : i1 to i32
    %cond3A = arith.constant 0 : i32
    %cond3A_49 = arith.cmpi ne, %convert_element_type3A, %cond3A : i32
    scf.if %cond3A_49 {
      %swap3A_54 = arith.constant 0 : index
      %swap3A_55 = arith.constant 0 : index
      %swap3A_56 = vector.load %arg6[%swap3A_54, %swap3A_55] : memref<8x128xf32, #tpu.memory_space<vmem>>, vector<8x128xf32>
      tpu.vector_store %arg6[%swap3A_54, %swap3A_55], %concatenate3A_47 {strides = array<i32>} : memref<8x128xf32, #tpu.memory_space<vmem>>, vector<8x128xf32>,
    } else {
    }
    %gt3A = arith.constant 0 : i32
    %gt3A_50 = arith.cmpi sgt, %arg0, %gt3A : i32
    %convert_element_type3A_51 = arith.extui %gt3A_50 : i1 to i32
    %cond3A_52 = arith.constant 0 : i32
    %cond3A_53 = arith.cmpi ne, %convert_element_type3A_51, %cond3A_52 : i32
    scf.if %cond3A_53 {
      %get3A_54 = arith.constant 0 : index
      %get3A_55 = arith.constant 0 : index
      %get3A_56 = vector.load %arg6[%get3A_54, %get3A_55] : memref<8x128xf32, #tpu.memory_space<vmem>>, vector<8x128xf32>
      %add3A_57 = arith.addf %get3A_56, %concatenate3A_47 : vector<8x128xf32>
      %swap3A_58 = arith.constant 0 : index
      %swap3A_59 = arith.constant 0 : index
      %swap3A_60 = vector.load %arg6[%swap3A_58, %swap3A_59] : memref<8x128xf32, #tpu.memory_space<vmem>>, vector<8x128xf32>
      tpu.vector_store %arg6[%swap3A_58, %swap3A_59], %add3A_57 {strides = array<i32>} : memref<8x128xf32, #tpu.memory_space<vmem>>, vector<8x128xf32>,
    } else {
    }
    return
  }
  func.func @transform_0(%arg0: i32) -> (i32, i32) {
    %c0_i32 = arith.constant 0 : i32
    %c0_i32_0 = arith.constant 0 : i32
    return %arg0, %c0_i32 : i32, i32
  }
  func.func @transform_1(%arg0: i32) -> (i32, i32) {
    %c0_i32 = arith.constant 0 : i32
    %c0_i32_0 = arith.constant 0 : i32
    %c0_i32_1 = arith.constant 0 : i32
    return %c0_i32, %c0_i32_0 : i32, i32
  }
  func.func @transform_2(%arg0: i32) -> (i32, i32) {
    %c0_i32 = arith.constant 0 : i32
    %c0_i32_0 = arith.constant 0 : i32
    %c0_i32_1 = arith.constant 0 : i32
    return %c0_i32, %c0_i32_0 : i32, i32
  }
  func.func @transform_3(%arg0: i32) -> (i32, i32) {
    %c0_i32 = arith.constant 0 : i32
    %c0_i32_0 = arith.constant 0 : i32
    %c0_i32_1 = arith.constant 0 : i32
    return %c0_i32, %c0_i32_0 : i32, i32
  }
  func.func @transform_4(%arg0: i32) -> (i32, i32) {
    %c0_i32 = arith.constant 0 : i32
    %c0_i32_0 = arith.constant 0 : i32
    return %arg0, %c0_i32 : i32, i32
  }
  func.func @transform_5(%arg0: i32) -> (i32, i32) {
    %c0_i32 = arith.constant 0 : i32
    %c0_i32_0 = arith.constant 0 : i32
    %c0_i32_1 = arith.constant 0 : i32
    return %c0_i32, %c0_i32_0 : i32, i32
  }
}

module attributes {stable_mosaic.version = 14 : i64} {
  func.func @_l4_body(%arg0: i32, %arg1: memref<1024x32xf32, #tpu.memory_space<vmem>>, %arg2: memref<8x128xf32, #tpu.memory_space<vmem>>, %arg3: memref<1024x1xf32, #tpu.memory_space<vmem>>, %arg4: memref<8x128xf32, #tpu.memory_space<vmem>>, %arg5: memref<1024x1xf32, #tpu.memory_space<vmem>>) attributes {dimension_semantics = [#tpu.dimension_semantics<arbitrary>], iteration_bounds = array<i64: 16>, scalar_prefetch = 0 : i64, scratch_operands = 0 : i64, tpu.core_type = #tpu.core_type<tc>, window_params = [{transform_indices = @transform_0, window_bounds = array<i64: 1024, 32>}, {pipeline_mode = #tpu.pipeline_mode<synchronous>, transform_indices = @transform_1, window_bounds = array<i64: 8, 128>}, {transform_indices = @transform_2, window_bounds = array<i64: 1024, 1>}, {pipeline_mode = #tpu.pipeline_mode<synchronous>, transform_indices = @transform_3, window_bounds = array<i64: 8, 128>}, {transform_indices = @transform_4, window_bounds = array<i64: 1024, 1>}]} {
    %get3A = arith.constant 0 : index
    %get3A_0 = arith.constant 0 : index
    %get3A_1 = vector.load %arg4[%get3A, %get3A_0] : memref<8x128xf32, #tpu.memory_space<vmem>>, vector<8x128xf32>
    %get3A_2 = arith.constant 0 : index
    %get3A_3 = arith.constant 0 : index
    %get3A_4 = vector.load %arg2[%get3A_2, %get3A_3] : memref<8x128xf32, #tpu.memory_space<vmem>>, vector<8x128xf32>
    %slice3A = vector.extract_strided_slice %get3A_1 {offsets = [6, 32], sizes = [1, 32], strides = [1, 1]} : vector<8x128xf32> to vector<1x32xf32>
    %slice3A_5 = vector.extract_strided_slice %get3A_1 {offsets = [6, 64], sizes = [1, 32], strides = [1, 1]} : vector<8x128xf32> to vector<1x32xf32>
    %slice3A_6 = vector.extract_strided_slice %get3A_4 {offsets = [0, 0], sizes = [1, 32], strides = [1, 1]} : vector<8x128xf32> to vector<1x32xf32>
    %mul3A = arith.constant 6.10351563E-5 : f32
    %mul3A_7 = vector.broadcast %mul3A : f32 to vector<1x32xf32>
    %mul3A_8 = arith.mulf %slice3A_6, %mul3A_7 : vector<1x32xf32>
    %slice3A_9 = vector.extract_strided_slice %get3A_4 {offsets = [1, 0], sizes = [1, 32], strides = [1, 1]} : vector<8x128xf32> to vector<1x32xf32>
    %mul3A_10 = arith.constant 6.10351563E-5 : f32
    %mul3A_11 = vector.broadcast %mul3A_10 : f32 to vector<1x32xf32>
    %mul3A_12 = arith.mulf %slice3A_9, %mul3A_11 : vector<1x32xf32>
    %mul3A_13 = arith.mulf %mul3A_8, %mul3A_8 : vector<1x32xf32>
    %sub3A = arith.subf %mul3A_12, %mul3A_13 : vector<1x32xf32>
    %add3A = arith.constant 9.99999974E-6 : f32
    %add3A_14 = vector.broadcast %add3A : f32 to vector<1x32xf32>
    %add3A_15 = arith.addf %sub3A, %add3A_14 : vector<1x32xf32>
    %rsqrt3A = math.rsqrt %add3A_15 : vector<1x32xf32>
    %mul3A_16 = arith.mulf %slice3A, %rsqrt3A : vector<1x32xf32>
    %slice3A_17 = vector.extract_strided_slice %get3A_1 {offsets = [7, 64], sizes = [1, 32], strides = [1, 1]} : vector<8x128xf32> to vector<1x32xf32>
    %slice3A_18 = vector.extract_strided_slice %get3A_1 {offsets = [6, 96], sizes = [1, 1], strides = [1, 1]} : vector<8x128xf32> to vector<1x1xf32>
    %squeeze3A = vector.shape_cast %slice3A_18 : vector<1x1xf32> to vector<1xf32>
    %get3A_19 = arith.constant 0 : index
    %get3A_20 = arith.constant 0 : index
    %get3A_21 = vector.load %arg1[%get3A_19, %get3A_20] : memref<1024x32xf32, #tpu.memory_space<vmem>>, vector<1024x32xf32>
    %sub3A_22 = vector.broadcast %mul3A_8 : vector<1x32xf32> to vector<1024x32xf32>
    %sub3A_23 = arith.subf %get3A_21, %sub3A_22 : vector<1024x32xf32>
    %mul3A_24 = vector.broadcast %mul3A_16 : vector<1x32xf32> to vector<1024x32xf32>
    %mul3A_25 = arith.mulf %sub3A_23, %mul3A_24 : vector<1024x32xf32>
    %add3A_26 = vector.broadcast %slice3A_5 : vector<1x32xf32> to vector<1024x32xf32>
    %add3A_27 = arith.addf %mul3A_25, %add3A_26 : vector<1024x32xf32>
    %get3A_28 = arith.constant 0 : index
    %get3A_29 = arith.constant 0 : index
    %get3A_30 = vector.load %arg3[%get3A_28, %get3A_29] : memref<1024x1xf32, #tpu.memory_space<vmem>>, vector<1024x1xf32>
    %mul3A_31 = vector.broadcast %slice3A_17 : vector<1x32xf32> to vector<1024x32xf32>
    %mul3A_32 = arith.mulf %add3A_27, %mul3A_31 : vector<1024x32xf32>
    %reduce_sum3A = arith.constant dense<0.000000e+00> : vector<1024xf32>
    %reduce_sum3A_33 = vector.multi_reduction <add>, %mul3A_32, %reduce_sum3A [1] : vector<1024x32xf32> to vector<1024xf32>
    %broadcast_in_dim3A = vector.shape_cast %reduce_sum3A_33 : vector<1024xf32> to vector<1024x1xf32>
    %add3A_34 = arith.addf %get3A_30, %broadcast_in_dim3A : vector<1024x1xf32>
    %broadcast_in_dim3A_35 = vector.shape_cast %squeeze3A : vector<1xf32> to vector<1x1xf32>
    %add3A_36 = vector.broadcast %broadcast_in_dim3A_35 : vector<1x1xf32> to vector<1024x1xf32>
    %add3A_37 = arith.addf %add3A_34, %add3A_36 : vector<1024x1xf32>
    %swap3A = arith.constant 0 : index
    %swap3A_38 = arith.constant 0 : index
    %swap3A_39 = vector.load %arg5[%swap3A, %swap3A_38] : memref<1024x1xf32, #tpu.memory_space<vmem>>, vector<1024x1xf32>
    tpu.vector_store %arg5[%swap3A, %swap3A_38], %add3A_37 {strides = array<i32>} : memref<1024x1xf32, #tpu.memory_space<vmem>>, vector<1024x1xf32>,
    return
  }
  func.func @transform_0(%arg0: i32) -> (i32, i32) {
    %c0_i32 = arith.constant 0 : i32
    %c0_i32_0 = arith.constant 0 : i32
    return %arg0, %c0_i32 : i32, i32
  }
  func.func @transform_1(%arg0: i32) -> (i32, i32) {
    %c0_i32 = arith.constant 0 : i32
    %c0_i32_0 = arith.constant 0 : i32
    %c0_i32_1 = arith.constant 0 : i32
    return %c0_i32, %c0_i32_0 : i32, i32
  }
  func.func @transform_2(%arg0: i32) -> (i32, i32) {
    %c0_i32 = arith.constant 0 : i32
    %c0_i32_0 = arith.constant 0 : i32
    return %arg0, %c0_i32 : i32, i32
  }
  func.func @transform_3(%arg0: i32) -> (i32, i32) {
    %c0_i32 = arith.constant 0 : i32
    %c0_i32_0 = arith.constant 0 : i32
    %c0_i32_1 = arith.constant 0 : i32
    return %c0_i32, %c0_i32_0 : i32, i32
  }
  func.func @transform_4(%arg0: i32) -> (i32, i32) {
    %c0_i32 = arith.constant 0 : i32
    %c0_i32_0 = arith.constant 0 : i32
    return %arg0, %c0_i32 : i32, i32
  }
}

</mosaic_0001>

<sc_bundles>
// kernel: kernel.7.cloned.1.call-start
scs
__scs_entry_jumppad:
0x0: {  	(pc) =	sbr.rel $0x88, $3  }
0x1: {  	(tag) =	ssettag $0x0;
	lr =	simm.s32 $0x1  }
0x2: {  	[smem:$0x3F8D] =	sst lr;
	_ =	strace $0xD0000000  }
0x3: {  	_ = 	snop  }
0x4: {  	_ = 	snop  }
0x5: {  	_ = 	snop  }
0x6: {  	_ = 	snop  }
0x7: {  	_ = 	snop  }
__scs_overlays_trampoline_lowered:
0x8: {  	[smem:$0x3F9C] =	sst s0  }
0x9: {  	[smem:$0x3F9D] =	sst s1  }
0xa: {  	[smem:$0x3F9E] =	sst s2  }
0xb: {  	[smem:$0x3F9F] =	sst s3  }
0xc: {  	[smem:$0x3FA0] =	sst s4  }
0xd: {  	[smem:$0x3FA1] =	sst s5  }
0xe: {  	[smem:$0x3FA2] =	sst s6  }
0xf: {  	[smem:$0x3FA3] =	sst s7  }
0x10: {  	[smem:$0x3FA4] =	sst s8  }
0x11: {  	[smem:$0x3FA5] =	sst s9;
	s0 =	simm.s32 @!p0 $0x0  }
0x12: {  	s1 =	sld [smem:$0x3F8B];
	s0 =	simm.s32 @p0 $0x1  }
0x13: {  	[smem:$0x3FA6] =	sst s0;
	s0 =	simm.s32 @!p1 $0x0  }
0x14: {  	s2 =	sld [smem:$0x3F8A];
	s0 =	simm.s32 @p1 $0x1  }
0x15: {  	[smem:$0x3FA7] =	sst s0;
	s0 =	simm.s32 @!p2 $0x0  }
0x16: {  	s3 =	sld [smem:$0x3FDB];
	s0 =	simm.s32 @p2 $0x1  }
0x17: {  	s4 =	simm.s32 $0x1BF5;
	[smem:$0x3FA9] =	sst s0  }
0x18: {  	s0 =	sld [smem:$0x3F8C];
	_ =	swait.ge [sflag:s4], $0x0  }
0x19: {  	s7 =	sld [smem:$0x3F8D]  }
0x1a: {  	s8 =	sadd.s32 $0xFFFFE003, lr  }
0x1b: {  	s9 =	sadd.s32 $0xFFFFFEF7, lr;
	s5 =	simm.s32 $0xFFFFFFFF;
	p2 =	slt.u32 s8, $0xFFFFF086  }
0x1c: {  	p1 =	slt.u32 s9, $0xF7A;
	s5 =	simm.s32 @!p2 $0x0  }
0x1d: {  	s5 =	simm.s32 @p1 $0x1;
	p0 =	seq.s32 s7, s2  }
0x1e: {  	s7 =	smul.u32 @!p0 $0xF7A, s2;
	p2 =	seq.s32 @!p0 s5, $0x0  }
0x1f: {  	s9 =	smul.u32 $0xF7A, s1;
	s8 =	simm.s32 @!p0 $0x1BF5;
	p2 =	por !p2, p0  }
0x20: {  	[sflag:s8] =	ssyncset.s32 @!p0 $0xFFFFF086;
	s6 =	sadd.s32 @!p0 s3, s7;
	s7 =	simm.s32 @!p0 $0x108  }
0x21: {  	s3 =	sadd.s32 s3, s9;
	s6 =	sadd.s32 @!p0 $0x88, s6;
	s7 =	simm.s32 @p2 $0x1082  }
0x22: {  	[simem:s7], [sflag:s8] =	dma.local @!p0 [hbm:s6], $0xF7A  }
0x23: {  	s9 =	sor.u32 $0xD0000000, s2;
	s6 =	simm.s32 $0x108;
	_ =	swait.ge @!p0 [sflag:s8], $0x0  }
0x24: {  	s3 =	sadd.s32 $0x88, s3;
	s6 =	simm.s32 @!p1 $0x1082;
	[sflag:s4] =	ssyncset.s32 $0xFFFFF086  }
0x25: {  	[simem:s6], [sflag:s4] =	dma.local [hbm:s3], $0xF7A  }
0x26: {  	[smem:$0x3F8D] =	sst s1;
	(tag) =	ssettag s2;
	_ =	strace s9  }
0x27: {  	s1 =	sld [smem:$0x3F9D]  }
0x28: {  	s2 =	sld [smem:$0x3F9E]  }
0x29: {  	s4 =	sld [smem:$0x3FA0]  }
0x2a: {  	p0 =	seq.s32 s5, $0x0;
	s5 =	sld [smem:$0x3FA1]  }
0x2b: {  	s6 =	sld [smem:$0x3FA2]  }
0x2c: {  	s7 =	sld [smem:$0x3FA3]  }
0x2d: {  	s3 =	simm.s32 $0x108;
	s8 =	sld [smem:$0x3FA4]  }
0x2e: {  	s3 =	simm.s32 @!p0 $0x1082;
	s9 =	sld [smem:$0x3FA5]  }
0x2f: {  	lr =	sadd.s32 s0, s3;
	s0 =	sld [smem:$0x3F9C]  }
0x30: {  	s3 =	sld [smem:$0x3F9F]  }
0x31: {  	[smem:$0x3FA8] =	sst s10  }
0x32: {  	s10 =	sld [smem:$0x3FA6];
	_ =	sdelay $0x3  }
0x33: {  	p0 =	seq.s32 s10, $0x1;
	s10 =	sld [smem:$0x3FA8];
	_ =	sdelay $0x3  }
0x34: {  	[smem:$0x3FA8] =	sst s10  }
0x35: {  	s10 =	sld [smem:$0x3FA7];
	_ =	sdelay $0x3  }
0x36: {  	p1 =	seq.s32 s10, $0x1;
	s10 =	sld [smem:$0x3FA8];
	_ =	sdelay $0x3  }
0x37: {  	[smem:$0x3FA8] =	sst s10  }
0x38: {  	s10 =	sld [smem:$0x3FA9]  }
0x39: {  	_ = 	snop;
	(pc) =	sbr.ind lr, $3  }
0x3a: {  	_ = 	snop  }
0x3b: {  	_ = 	snop  }
0x3c: {  	p2 =	seq.s32 s10, $0x1;
	s10 =	sld [smem:$0x3FA8]  }
0x3d: {  	_ =	shalt  }
0x3e: {  	_ =	shalt  }
0x3f: {  	_ =	shalt  }
0x40: {  	_ =	shalt  }
0x41: {  	_ =	shalt  }
0x42: {  	_ =	shalt  }
0x43: {  	_ =	shalt  }
0x44: {  	_ =	shalt  }
0x45: {  	_ =	shalt  }
0x46: {  	_ =	shalt  }
0x47: {  	_ =	shalt  }
0x48: {  	_ =	shalt  }
0x49: {  	_ =	shalt  }
0x4a: {  	_ =	shalt  }
0x4b: {  	_ =	shalt  }
0x4c: {  	_ =	shalt  }
0x4d: {  	_ =	shalt  }
0x4e: {  	_ =	shalt  }
0x4f: {  	_ =	shalt  }
0x50: {  	_ =	shalt  }
0x51: {  	_ =	shalt  }
0x52: {  	_ =	shalt  }
0x53: {  	_ =	shalt  }
0x54: {  	_ =	shalt  }
0x55: {  	_ =	shalt  }
0x56: {  	_ =	shalt  }
0x57: {  	_ =	shalt  }
0x58: {  	_ =	shalt  }
0x59: {  	_ =	shalt  }
0x5a: {  	_ =	shalt  }
0x5b: {  	_ =	shalt  }
0x5c: {  	_ =	shalt  }
0x5d: {  	_ =	shalt  }
0x5e: {  	_ =	shalt  }
0x5f: {  	_ =	shalt  }
0x60: {  	_ =	shalt  }
0x61: {  	_ =	shalt  }
0x62: {  	_ =	shalt  }
0x63: {  	_ =	shalt  }
0x64: {  	_ =	shalt  }
0x65: {  	_ =	shalt  }
0x66: {  	_ =	shalt  }
0x67: {  	_ =	shalt  }
0x68: {  	_ =	shalt  }
0x69: {  	_ =	shalt  }
0x6a: {  	_ =	shalt  }
0x6b: {  	_ =	shalt  }
0x6c: {  	_ =	shalt  }
0x6d: {  	_ =	shalt  }
0x6e: {  	_ =	shalt  }
0x6f: {  	_ =	shalt  }
0x70: {  	_ =	shalt  }
0x71: {  	_ =	shalt  }
0x72: {  	_ =	shalt  }
0x73: {  	_ =	shalt  }
0x74: {  	_ =	shalt  }
0x75: {  	_ =	shalt  }
0x76: {  	_ =	shalt  }
0x77: {  	_ =	shalt  }
0x78: {  	_ =	shalt  }
0x79: {  	_ =	shalt  }
0x7a: {  	_ =	shalt  }
0x7b: {  	_ =	shalt  }
0x7c: {  	_ =	shalt  }
0x7d: {  	_ =	shalt  }
0x7e: {  	_ =	shalt  }
0x7f: {  	_ =	shalt  }
0x80: {  	_ =	shalt  }
0x81: {  	_ =	shalt  }
0x82: {  	_ =	shalt  }
0x83: {  	_ =	shalt  }
0x84: {  	_ =	shalt  }
0x85: {  	_ =	shalt  }
0x86: {  	_ =	shalt  }
0x87: {  	_ =	shalt  }
.Lfunc_end0:
.L_simem_size_0:
called_computation.4_lowered:
.L_overlay_start_0:
0x88: {  	s2 =	sld [smem:$0x3FD9]  }
0x89: {  	s3 =	sld [smem:$0x3FFE];
	_ =	sdelay $0x1  }
0x8a: {  	s1 =	srdreg.scid  }
0x8b: {  	s0 =	sand.u32 $0x1, s1  }
0x8c: {  	s16 =	sshll.u32 s0, $0xA;
	s2 =	sadd.s32 s3, s2  }
0x8d: {  	s2 =	sadd.s32 s2, s16  }
0x8e: {  	[smem:$0x3FB4] =	sst s2  }
0x8f: {  	_ = 	snop  }
0x90: {  	(tm) =	ssettm $0x1  }
0x91: {  	s17 =	sld [smem:$0x3FFB];
	_ =	sdelay $0x3  }
0x92: {  	_ =	strace s17  }
0x93: {  	s2 =	sld [smem:$0x3FFC];
	_ =	sdelay $0x3  }
0x94: {  	_ =	strace s2  }
0x95: {  	s2 =	sld [smem:$0x3FFD];
	_ =	sdelay $0x3  }
0x96: {  	_ =	strace s2  }
0x97: {  	_ =	strace $0x8FFFFFFF  }
0x98: {  	s18 =	sld [smem:$0x3FDB];
	_ =	sdelay $0x1  }
0x99: {  	s19 =	simm.s32 $_scs_section_size  }
0x9a: {  	s4 =	simm.s32 $_size__tile_overlayer_lowered;
	s5 =	simm.s32 $_tile_overlayer_lowered  }
0x9b: {  	s22 =	simm.s32 $0x1BFF;
	s21 =	sshll.u32 s5, $0x1;
	s2 =	sadd.s32 s19, s18  }
0x9c: {  	s6 =	simm.s32 $0x0;
	s20 =	sshll.u32 s4, $0x1;
	s4 =	sadd.s32 s21, s2  }
0x9d: {  	[timem:s6], [sflag:s22] =	dma.local [hbm:s4], s20  }
0x9e: {  	_ =	swait.ge [sflag:s22], s20  }
0x9f: {  	s3 =	ssub.s32 $0x0, s20;
	[sflag:s22] =	ssyncset.done $0x0  }
0xa0: {  	[sflag:s22] =	ssyncadd.s32 s3;
	_ =	sdelay $0x1  }
0xa1: {  	s23 =	simm.s32 $0x1B8B  }
0xa2: {  	_ =	swait.ge [sflag:s23], $0x1  }
0xa3: {  	[sflag:s23] =	ssyncset.done $0x0  }
0xa4: {  	s25 =	simm.s32 $0x1B8E;
	s24 =	sld [smem:$0x3FFE];
	[sflag:s23] =	ssyncadd.s32 $0xFFFFFFFF  }
0xa5: {  	s26 =	simm.s32 $execute0_lowered;
	[smem:$0x3FD2] =	sst s25  }
0xa6: {  	s4 =	sshll.u32 s26, $0x1;
	_ =	strace $0x80000052;
	[dreg:$0x1] =	wrdreg $0xFFFFFFFF  }
0xa7: {  	s28 =	simm.s32 $_size_execute0_lowered;
	s2 =	sadd.s32 s2, s4;
	[dreg:$0x0] =	wrdreg $0x0  }
0xa8: {  	s4 =	sshll.u32 s28, $0x1;
	[dreg:$0x2] =	wrdreg s2  }
0xa9: {  	[dreg:$0x3] =	wrdreg s4  }
0xaa: {  	[dreg:$0x4] =	wrdreg $0xC0  }
0xab: {  	_ =	task [dreg:s6], $0x5FFFF  }
0xac: {  	[dreg:$0x1] =	wrdreg $0xFFFFFFFF  }
0xad: {  	[dreg:$0x0] =	wrdreg $0x60  }
0xae: {  	[dreg:$0x2] =	wrdreg s24  }
0xaf: {  	[dreg:$0x3] =	wrdreg $0x9  }
0xb0: {  	_ =	task.clear_ibuf [dreg:s6], $0x4FFFF;
	_ =	strace $0x90000052  }
0xb1: {  	s29 =	simm.s32 $0x9;
	_ =	strace $0x80000054  }
0xb2: {  	_ =	swait.ge [sflag:s29], $0x1  }
0xb3: {  	[sflag:s29] =	ssyncadd.s32 $0xFFFFFFFF  }
0xb4: {  	_ =	strace $0x90000054  }
0xb5: {  	_ =	sfence  }
0xb6: {  	s30 =	sld [smem:$0x0];
	_ =	sdelay $0x2  }
0xb7: {  	s31 =	sshll.u32 s1, $0xD;
	s1 =	sshrl.u32 s1, $0x2  }
0xb8: {  	s3 =	sand.u32 $0x4000, s31;
	s1 =	sadd.s32 s1, s30  }
0xb9: {  	s0 =	sor.u32 s3, s0;
	s1 =	sshll.u32 s1, $0x11  }
0xba: {  	s0 =	sor.u32 s1, s0  }
0xbb: {  	s0 =	sadd.s32 $0x8F2B, s0  }
0xbc: {  	[sflag:s0] =	ssyncadd.remote.s32 $0x1  }
0xbd: {  	_ =	sfence.sel $0xFFFF  }
0xbe: {  	[dreg:$0x0] =	wrdreg $0xFFFFFFFF;
	(pc) =	sbr.abs _section_cstart, $3  }
0xbf: {  	[dreg:$0x1] =	wrdreg $0xFFFFFFFF  }
0xc0: {  	_ =	task.clear_ibuf [dreg:s6], $0x2FFFF;
	_ =	strace $0x9FFFFFFF  }
0xc1: {  	(tm) =	ssettm $0x7FFFFFFF  }
tec
execute0_lowered:
.L_overlay_start_1:
0x0: {  	(tag) =	ssettag $0x1  }
0x1: {  	s0 =	rddreg [dreg:$0x0];
	s2 =	simm.s32 $0x0  }
0x2: {  	s1 =	srdreg.scid;
	s3 =	stileid.u32;
	s31 =	simm.s32 $0x6  }
0x3: {  	s30 =	simm.s32 $0x100;
	s28 =	simm.s32 $0x180;
	p0 =	por $0x0, $0x0  }
0x4: {  	[smem:$0x7FF] =	sst s2;
	s5 =	sadd.s32 $0x3D0E400, s0;
	s3 =	sshll.u32 s3, $0xA  }
0x5: {  	s1 =	sand.u32 $0x1, s1;
	s6 =	sadd.s32 $0x3D0DC00, s0;
	s18 =	sadd.s32 $0x7A5600, s0  }
0x6: {  	s29 =	sadd.s32 $0x4400, s0;
	s13 =	sadd.s32 $0x16E7A00, s0;
	s4 =	sshll.u32 s1, $0x9  }
0x7: {  	s15 =	sadd.s32 $0x1767A00, s0;
	_ =	strace $0x80000053;
	s7 =	sor.u32 s4, s3  }
0x8: {  	s1 =	ssub.s32 $0x2, s1;
	s4 =	sadd.s32 $0xF46800, s0;
	s8 =	sshrl.u32 s7, $0x3  }
0x9: {  	s3 =	sadd.s32 $0x3D0EC00, s0;
	s10 =	sor.u32 $0x80, s7;
	s9 =	sadd.s32 s5, s8  }
0xa: {  	s8 =	sadd.s32 s6, s8;
	s19 =	sshrl.u32 s10, $0x3;
	[dreg:$0x2] =	wrdreg s9  }
0xb: {  	s11 =	sor.u32 $0x100, s7;
	[dreg:$0x3] =	wrdreg s8;
	s20 =	sadd.s32 s5, s19  }
0xc: {  	s22 =	sshrl.u32 s11, $0x3;
	s21 =	sadd.s32 s6, s19;
	[dreg:$0x4] =	wrdreg s20  }
0xd: {  	s12 =	sor.u32 $0x180, s7;
	s23 =	sadd.s32 s5, s22;
	[dreg:$0x5] =	wrdreg s21  }
0xe: {  	s25 =	sshrl.u32 s12, $0x3;
	s24 =	sadd.s32 s6, s22;
	[dreg:$0x6] =	wrdreg s23  }
0xf: {  	s5 =	sadd.s32 s5, s25;
	s26 =	sadd.s32 s6, s25;
	[dreg:$0x7] =	wrdreg s24  }
0x10: {  	s6 =	sshll.u32 s7, $0x4;
	s8 =	sshll.u32 s10, $0x4;
	[dreg:$0x8] =	wrdreg s5  }
0x11: {  	[dreg:$0x9] =	wrdreg s26;
	s7 =	sadd.s32 s13, s6;
	s23 =	sadd.s32 s13, s8  }
0x12: {  	s24 =	sshll.u32 s11, $0x4;
	s26 =	sshll.u32 s12, $0x4;
	s12 =	sadd.s32 $0x1727A00, s0  }
0x13: {  	s0 =	sadd.s32 $0x17A7A00, s0;
	s20 =	sshrl.u32 s1, $0x1;
	[dreg:$0xa] =	wrdreg s7  }
0x14: {  	s22 =	sadd.s32 s15, s6;
	s11 =	simm.s32 $0x8400;
	[dreg:$0xb] =	wrdreg s23  }
0x15: {  	s25 =	sadd.s32 s13, s24;
	s14 =	sadd.s32 s13, s26;
	s16 =	sadd.s32 s12, s6  }
0x16: {  	s17 =	sadd.s32 s12, s8;
	s19 =	sadd.s32 s12, s24;
	s21 =	sadd.s32 s12, s26  }
0x17: {  	s1 =	ssub.s32 s1, s20;
	[dreg:$0x12] =	wrdreg s22;
	s22 =	sadd.s32 s15, s8  }
0x18: {  	s10 =	sadd.s32 s15, s26;
	s9 =	sadd.s32 s0, s6;
	s7 =	sadd.s32 s0, s8  }
0x19: {  	s6 =	sadd.s32 s0, s24;
	s5 =	sadd.s32 s0, s26;
	[dreg:$0xc] =	wrdreg s25  }
0x1a: {  	s26 =	simm.s32 $0x200;
	s13 =	simm.s32 $0x4400;
	[dreg:$0xd] =	wrdreg s14  }
0x1b: {  	s12 =	simm.s32 $0xC400;
	[dreg:$0xe] =	wrdreg s16;
	s23 =	smax.u32 s1, $0x1  }
0x1c: {  	s8 =	simm.s32 $0x5;
	[dreg:$0xf] =	wrdreg s17;
	p1 =	sne.s32 s23, $0x1  }
.Ltmp0:
0x1d: {  	s20 =	simm.s32 $0x3;
	[dreg:$0x10] =	wrdreg s19;
	(pc) =	sbr.rel @!p1 .LBB2_3-.Ltmp0, $4  }
0x1e: {  	[dreg:$0x11] =	wrdreg s21;
	s17 =	sadd.s32 s15, s24;
	s14 =	simm.s32 $0x80  }
0x1f: {  	s25 =	simm.s32 $0x280;
	s24 =	simm.s32 $0x300;
	s19 =	simm.s32 $0x380  }
0x20: {  	s15 =	simm.s32 $0x400;
	s21 =	simm.s32 $0x2;
	s16 =	simm.s32 $0x4  }
0x21: {  	s1 =	rddreg [dreg:$0x2];
	s0 =	sadd.s32 $0xFFFFFFFF, s23;
	s23 =	simm.s32 $0x1  }
0x22: {  	[tilespmem:s2], [sflag:$0x6] =	stream.linear.gather [hbm4b:s1+s2], $0x80, $0x38;
	[tilespmem:$0x10400] =	vst v63  }
0x23: {  	_ =	swait.ge [sflag:s31], $0x80  }
0x24: {  	[sflag:s31] =	ssyncset.done $0x0  }
0x25: {  	s1 =	rddreg [dreg:$0x3];
	[sflag:s31] =	ssyncadd.s32 $0xFFFFFF80  }
0x26: {  	[tilespmem:s26], [sflag:$0x6] =	stream.linear.gather [hbm4b:s1+s2], $0x80, $0x38;
	[tilespmem:$0x10400] =	vst v63  }
0x27: {  	_ =	swait.ge [sflag:s31], $0x80  }
0x28: {  	[sflag:s31] =	ssyncset.done $0x0  }
0x29: {  	s1 =	rddreg [dreg:$0x4];
	[sflag:s31] =	ssyncadd.s32 $0xFFFFFF80  }
0x2a: {  	[tilespmem:s14], [sflag:$0x6] =	stream.linear.gather [hbm4b:s1+s2], $0x80, $0x38;
	[tilespmem:$0x10400] =	vst v63  }
0x2b: {  	_ =	swait.ge [sflag:s31], $0x80  }
0x2c: {  	[sflag:s31] =	ssyncset.done $0x0  }
0x2d: {  	s1 =	rddreg [dreg:$0x5];
	[sflag:s31] =	ssyncadd.s32 $0xFFFFFF80  }
0x2e: {  	[tilespmem:s25], [sflag:$0x6] =	stream.linear.gather [hbm4b:s1+s2], $0x80, $0x38;
	[tilespmem:$0x10400] =	vst v63  }
0x2f: {  	_ =	swait.ge [sflag:s31], $0x80  }
0x30: {  	[sflag:s31] =	ssyncset.done $0x0  }
0x31: {  	s1 =	rddreg [dreg:$0x6];
	[sflag:s31] =	ssyncadd.s32 $0xFFFFFF80  }
0x32: {  	[tilespmem:s30], [sflag:$0x6] =	stream.linear.gather [hbm4b:s1+s2], $0x80, $0x38;
	[tilespmem:$0x10400] =	vst v63  }
0x33: {  	_ =	swait.ge [sflag:s31], $0x80  }
0x34: {  	[sflag:s31] =	ssyncset.done $0x0  }
0x35: {  	s1 =	rddreg [dreg:$0x7];
	[sflag:s31] =	ssyncadd.s32 $0xFFFFFF80  }
0x36: {  	[tilespmem:s24], [sflag:$0x6] =	stream.linear.gather [hbm4b:s1+s2], $0x80, $0x38;
	[tilespmem:$0x10400] =	vst v63  }
0x37: {  	_ =	swait.ge [sflag:s31], $0x80  }
0x38: {  	[sflag:s31] =	ssyncset.done $0x0  }
0x39: {  	s1 =	rddreg [dreg:$0x8];
	[sflag:s31] =	ssyncadd.s32 $0xFFFFFF80  }
0x3a: {  	[tilespmem:s28], [sflag:$0x6] =	stream.linear.gather [hbm4b:s1+s2], $0x80, $0x38;
	[tilespmem:$0x10400] =	vst v63  }
0x3b: {  	_ =	swait.ge [sflag:s31], $0x80  }
0x3c: {  	[sflag:s31] =	ssyncset.done $0x0  }
0x3d: {  	s1 =	rddreg [dreg:$0x9];
	[sflag:s31] =	ssyncadd.s32 $0xFFFFFF80  }
0x3e: {  	[tilespmem:s19], [sflag:$0x6] =	stream.linear.gather [hbm4b:s1+s2], $0x80, $0x38;
	[tilespmem:$0x10400] =	vst v63  }
0x3f: {  	_ =	swait.ge [sflag:s31], $0x80  }
0x40: {  	[sflag:s31] =	ssyncset.done $0x0  }
0x41: {  	[sflag:s31] =	ssyncadd.s32 $0xFFFFFF80  }
0x42: {  	[tilespmem:s15], [sflag:$0x1] =	stream.indirect.gather [hbm4b:s29+s14], $0x80, s2, s14, $0xb8;
	[tilespmem:$0x10400] =	vst v63  }
0x43: {  	_ = 	snop  }
0x44: {  	[tilespmem:s13], [sflag:$0x2] =	stream.indirect.gather [hbm4b:s29+s14], $0x80, s14, s14, $0xb8;
	[tilespmem:$0x10400] =	vst v63  }
0x45: {  	_ = 	snop  }
0x46: {  	[tilespmem:s11], [sflag:$0x3] =	stream.indirect.gather [hbm4b:s29+s14], $0x80, s30, s14, $0xb8;
	[tilespmem:$0x10400] =	vst v63  }
0x47: {  	_ = 	snop  }
0x48: {  	[tilespmem:s12], [sflag:$0x4] =	stream.indirect.gather [hbm4b:s29+s14], $0x80, s28, s14, $0xb8;
	[tilespmem:$0x10400] =	vst v63  }
0x49: {  	_ =	swait.ge [sflag:s23], $0x4000  }
0x4a: {  	[sflag:s23] =	ssyncset.done $0x0  }
0x4b: {  	s1 =	rddreg [dreg:$0xa];
	[sflag:s23] =	ssyncadd.s32 $0xFFFFC000  }
0x4c: {  	[hbm4b:s1+s2] =	stream.linear.scatter [tilespmem:s15], [sflag:$0x5], $0x4000, $0x38;
	[tilespmem:$0x10400] =	vst v63  }
0x4d: {  	_ =	swait.ge [sflag:s8], $0x4000  }
0x4e: {  	[sflag:s8] =	ssyncset.done $0x0  }
0x4f: {  	[sflag:s8] =	ssyncadd.s32 $0xFFFFC000  }
0x50: {  	[tilespmem:s15], [sflag:$0x1] =	stream.indirect.gather [hbm4b:s18+s14], $0x80, s26, s14, $0xb8;
	[tilespmem:$0x10400] =	vst v63  }
0x51: {  	_ =	swait.ge [sflag:s21], $0x4000  }
0x52: {  	[sflag:s21] =	ssyncset.done $0x0  }
0x53: {  	s1 =	rddreg [dreg:$0xb];
	[sflag:s21] =	ssyncadd.s32 $0xFFFFC000  }
0x54: {  	[hbm4b:s1+s2] =	stream.linear.scatter [tilespmem:s13], [sflag:$0x5], $0x4000, $0x38;
	[tilespmem:$0x10400] =	vst v63  }
0x55: {  	_ =	swait.ge [sflag:s8], $0x4000  }
0x56: {  	[sflag:s8] =	ssyncset.done $0x0  }
0x57: {  	[sflag:s8] =	ssyncadd.s32 $0xFFFFC000  }
0x58: {  	[tilespmem:s13], [sflag:$0x2] =	stream.indirect.gather [hbm4b:s18+s14], $0x80, s25, s14, $0xb8;
	[tilespmem:$0x10400] =	vst v63  }
0x59: {  	_ =	swait.ge [sflag:s20], $0x4000  }
0x5a: {  	[sflag:s20] =	ssyncset.done $0x0  }
0x5b: {  	s1 =	rddreg [dreg:$0xc];
	[sflag:s20] =	ssyncadd.s32 $0xFFFFC000  }
0x5c: {  	[hbm4b:s1+s2] =	stream.linear.scatter [tilespmem:s11], [sflag:$0x5], $0x4000, $0x38;
	[tilespmem:$0x10400] =	vst v63  }
0x5d: {  	_ =	swait.ge [sflag:s8], $0x4000  }
0x5e: {  	[sflag:s8] =	ssyncset.done $0x0  }
0x5f: {  	[sflag:s8] =	ssyncadd.s32 $0xFFFFC000  }
0x60: {  	[tilespmem:s11], [sflag:$0x3] =	stream.indirect.gather [hbm4b:s18+s14], $0x80, s24, s14, $0xb8;
	[tilespmem:$0x10400] =	vst v63  }
0x61: {  	_ =	swait.ge [sflag:s16], $0x4000  }
0x62: {  	[sflag:s16] =	ssyncset.done $0x0  }
0x63: {  	s1 =	rddreg [dreg:$0xd];
	[sflag:s16] =	ssyncadd.s32 $0xFFFFC000  }
0x64: {  	[hbm4b:s1+s2] =	stream.linear.scatter [tilespmem:s12], [sflag:$0x5], $0x4000, $0x38;
	[tilespmem:$0x10400] =	vst v63  }
0x65: {  	_ =	swait.ge [sflag:s8], $0x4000  }
0x66: {  	[sflag:s8] =	ssyncset.done $0x0  }
0x67: {  	[sflag:s8] =	ssyncadd.s32 $0xFFFFC000  }
0x68: {  	[tilespmem:s12], [sflag:$0x4] =	stream.indirect.gather [hbm4b:s18+s14], $0x80, s19, s14, $0xb8;
	[tilespmem:$0x10400] =	vst v63  }
0x69: {  	_ =	swait.ge [sflag:s23], $0x4000  }
0x6a: {  	[sflag:s23] =	ssyncset.done $0x0  }
0x6b: {  	s1 =	rddreg [dreg:$0xe];
	[sflag:s23] =	ssyncadd.s32 $0xFFFFC000  }
0x6c: {  	[hbm4b:s1+s2] =	stream.linear.scatter [tilespmem:s15], [sflag:$0x5], $0x4000, $0x38;
	[tilespmem:$0x10400] =	vst v63  }
0x6d: {  	_ =	swait.ge [sflag:s8], $0x4000  }
0x6e: {  	[sflag:s8] =	ssyncset.done $0x0  }
0x6f: {  	[sflag:s8] =	ssyncadd.s32 $0xFFFFC000  }
0x70: {  	[tilespmem:s15], [sflag:$0x1] =	stream.indirect.gather [hbm4b:s4+s14], $0x80, s2, s14, $0xb8;
	[tilespmem:$0x10400] =	vst v63  }
0x71: {  	_ =	swait.ge [sflag:s21], $0x4000  }
0x72: {  	[sflag:s21] =	ssyncset.done $0x0  }
0x73: {  	s1 =	rddreg [dreg:$0xf];
	[sflag:s21] =	ssyncadd.s32 $0xFFFFC000  }
0x74: {  	[hbm4b:s1+s2] =	stream.linear.scatter [tilespmem:s13], [sflag:$0x5], $0x4000, $0x38;
	[tilespmem:$0x10400] =	vst v63  }
0x75: {  	_ =	swait.ge [sflag:s8], $0x4000  }
0x76: {  	[sflag:s8] =	ssyncset.done $0x0  }
0x77: {  	[sflag:s8] =	ssyncadd.s32 $0xFFFFC000  }
0x78: {  	[tilespmem:s13], [sflag:$0x2] =	stream.indirect.gather [hbm4b:s4+s14], $0x80, s14, s14, $0xb8;
	[tilespmem:$0x10400] =	vst v63  }
0x79: {  	_ =	swait.ge [sflag:s20], $0x4000  }
0x7a: {  	[sflag:s20] =	ssyncset.done $0x0  }
0x7b: {  	s1 =	rddreg [dreg:$0x10];
	[sflag:s20] =	ssyncadd.s32 $0xFFFFC000  }
0x7c: {  	[hbm4b:s1+s2] =	stream.linear.scatter [tilespmem:s11], [sflag:$0x5], $0x4000, $0x38;
	[tilespmem:$0x10400] =	vst v63  }
0x7d: {  	_ =	swait.ge [sflag:s8], $0x4000  }
0x7e: {  	[sflag:s8] =	ssyncset.done $0x0  }
0x7f: {  	[sflag:s8] =	ssyncadd.s32 $0xFFFFC000  }
0x80: {  	[tilespmem:s11], [sflag:$0x3] =	stream.indirect.gather [hbm4b:s4+s14], $0x80, s30, s14, $0xb8;
	[tilespmem:$0x10400] =	vst v63  }
0x81: {  	_ =	swait.ge [sflag:s16], $0x4000  }
0x82: {  	[sflag:s16] =	ssyncset.done $0x0  }
0x83: {  	s1 =	rddreg [dreg:$0x11];
	[sflag:s16] =	ssyncadd.s32 $0xFFFFC000  }
0x84: {  	[hbm4b:s1+s2] =	stream.linear.scatter [tilespmem:s12], [sflag:$0x5], $0x4000, $0x38;
	[tilespmem:$0x10400] =	vst v63  }
0x85: {  	_ =	swait.ge [sflag:s8], $0x4000  }
0x86: {  	[sflag:s8] =	ssyncset.done $0x0  }
0x87: {  	[sflag:s8] =	ssyncadd.s32 $0xFFFFC000  }
0x88: {  	[tilespmem:s12], [sflag:$0x4] =	stream.indirect.gather [hbm4b:s4+s14], $0x80, s28, s14, $0xb8;
	[tilespmem:$0x10400] =	vst v63  }
0x89: {  	_ =	swait.ge [sflag:s23], $0x4000  }
0x8a: {  	[sflag:s23] =	ssyncset.done $0x0  }
0x8b: {  	s1 =	rddreg [dreg:$0x12];
	[sflag:s23] =	ssyncadd.s32 $0xFFFFC000  }
0x8c: {  	[hbm4b:s1+s2] =	stream.linear.scatter [tilespmem:s15], [sflag:$0x5], $0x4000, $0x38;
	[tilespmem:$0x10400] =	vst v63  }
0x8d: {  	_ =	swait.ge [sflag:s8], $0x4000  }
0x8e: {  	[sflag:s8] =	ssyncset.done $0x0  }
0x8f: {  	[sflag:s8] =	ssyncadd.s32 $0xFFFFC000  }
0x90: {  	[tilespmem:s15], [sflag:$0x1] =	stream.indirect.gather [hbm4b:s3+s14], $0x80, s26, s14, $0xb8;
	[tilespmem:$0x10400] =	vst v63  }
0x91: {  	_ =	swait.ge [sflag:s21], $0x4000  }
0x92: {  	[sflag:s21] =	ssyncset.done $0x0  }
0x93: {  	[sflag:s21] =	ssyncadd.s32 $0xFFFFC000  }
0x94: {  	[hbm4b:s22+s2] =	stream.linear.scatter [tilespmem:s13], [sflag:$0x5], $0x4000, $0x38;
	[tilespmem:$0x10400] =	vst v63  }
0x95: {  	_ =	swait.ge [sflag:s8], $0x4000  }
0x96: {  	[sflag:s8] =	ssyncset.done $0x0  }
0x97: {  	[sflag:s8] =	ssyncadd.s32 $0xFFFFC000  }
0x98: {  	[tilespmem:s13], [sflag:$0x2] =	stream.indirect.gather [hbm4b:s3+s14], $0x80, s25, s14, $0xb8;
	[tilespmem:$0x10400] =	vst v63  }
0x99: {  	_ =	swait.ge [sflag:s20], $0x4000  }
0x9a: {  	[sflag:s20] =	ssyncset.done $0x0  }
0x9b: {  	[sflag:s20] =	ssyncadd.s32 $0xFFFFC000  }
0x9c: {  	[hbm4b:s17+s2] =	stream.linear.scatter [tilespmem:s11], [sflag:$0x5], $0x4000, $0x38;
	[tilespmem:$0x10400] =	vst v63  }
0x9d: {  	_ =	swait.ge [sflag:s8], $0x4000  }
0x9e: {  	[sflag:s8] =	ssyncset.done $0x0  }
0x9f: {  	[sflag:s8] =	ssyncadd.s32 $0xFFFFC000  }
0xa0: {  	[tilespmem:s11], [sflag:$0x3] =	stream.indirect.gather [hbm4b:s3+s14], $0x80, s24, s14, $0xb8;
	[tilespmem:$0x10400] =	vst v63  }
0xa1: {  	_ =	swait.ge [sflag:s16], $0x4000  }
0xa2: {  	[sflag:s16] =	ssyncset.done $0x0  }
0xa3: {  	[sflag:s16] =	ssyncadd.s32 $0xFFFFC000  }
0xa4: {  	[hbm4b:s10+s2] =	stream.linear.scatter [tilespmem:s12], [sflag:$0x5], $0x4000, $0x38;
	[tilespmem:$0x10400] =	vst v63  }
0xa5: {  	_ =	swait.ge [sflag:s8], $0x4000  }
0xa6: {  	[sflag:s8] =	ssyncset.done $0x0  }
0xa7: {  	[sflag:s8] =	ssyncadd.s32 $0xFFFFC000  }
0xa8: {  	[tilespmem:s12], [sflag:$0x4] =	stream.indirect.gather [hbm4b:s3+s14], $0x80, s19, s14, $0xb8;
	[tilespmem:$0x10400] =	vst v63  }
0xa9: {  	_ =	swait.ge [sflag:s23], $0x4000  }
0xaa: {  	[sflag:s23] =	ssyncset.done $0x0  }
0xab: {  	[sflag:s23] =	ssyncadd.s32 $0xFFFFC000  }
0xac: {  	[hbm4b:s9+s2] =	stream.linear.scatter [tilespmem:s15], [sflag:$0x5], $0x4000, $0x38;
	[tilespmem:$0x10400] =	vst v63  }
0xad: {  	_ =	swait.ge [sflag:s21], $0x4000  }
0xae: {  	[sflag:s21] =	ssyncset.done $0x0  }
0xaf: {  	[sflag:s21] =	ssyncadd.s32 $0xFFFFC000  }
0xb0: {  	[hbm4b:s7+s2] =	stream.linear.scatter [tilespmem:s13], [sflag:$0x5], $0x4000, $0x38;
	[tilespmem:$0x10400] =	vst v63  }
0xb1: {  	_ =	swait.ge [sflag:s20], $0x4000  }
0xb2: {  	[sflag:s20] =	ssyncset.done $0x0  }
0xb3: {  	[sflag:s20] =	ssyncadd.s32 $0xFFFFC000  }
0xb4: {  	[hbm4b:s6+s2] =	stream.linear.scatter [tilespmem:s11], [sflag:$0x5], $0x4000, $0x38;
	[tilespmem:$0x10400] =	vst v63  }
0xb5: {  	_ =	swait.ge [sflag:s16], $0x4000  }
0xb6: {  	[sflag:s16] =	ssyncset.done $0x0  }
0xb7: {  	[sflag:s16] =	ssyncadd.s32 $0xFFFFC000  }
0xb8: {  	[hbm4b:s5+s2] =	stream.linear.scatter [tilespmem:s12], [sflag:$0x5], $0x4000, $0x38;
	[tilespmem:$0x10400] =	vst v63  }
0xb9: {  	_ =	swait.ge [sflag:s8], $0x4000  }
0xba: {  	[sflag:s8] =	ssyncset.done $0x0  }
0xbb: {  	[sflag:s8] =	ssyncadd.s32 $0xFFFFC000  }
0xbc: {  	_ =	swait.ge [sflag:s8], $0x4000  }
0xbd: {  	[sflag:s8] =	ssyncset.done $0x0  }
0xbe: {  	p1 =	sne.s32 s0, $0x1;
	[sflag:s8] =	ssyncadd.s32 $0xFFFFC000  }
.Ltmp1:
0xbf: {  	_ =	swait.ge [sflag:s8], $0x4000;
	(pc) =	sbr.rel @!p1 .LBB2_3-.Ltmp1, $4  }
0xc0: {  	[sflag:s8] =	ssyncset.done $0x0  }
0xc1: {  	[sflag:s8] =	ssyncadd.s32 $0xFFFFC000  }
0xc2: {  	s0 =	sadd.s32 $0xFFFFFFFF, s0;
	_ =	swait.ge [sflag:s8], $0x4000  }
0xc3: {  	p0 =	por $0x1, $0x1;
	s1 =	rddreg [dreg:$0x2];
	[sflag:s8] =	ssyncset.done $0x0  }
.LBB2_2:
0xc4: {  	[sflag:s8] =	ssyncadd.s32 $0xFFFFC000  }
0xc5: {  	[tilespmem:s2], [sflag:$0x6] =	stream.linear.gather [hbm4b:s1+s2], $0x80, $0x38;
	[tilespmem:$0x10400] =	vst v63  }
0xc6: {  	_ =	swait.ge [sflag:s31], $0x80  }
0xc7: {  	[sflag:s31] =	ssyncset.done $0x0  }
0xc8: {  	s1 =	rddreg [dreg:$0x3];
	[sflag:s31] =	ssyncadd.s32 $0xFFFFFF80  }
0xc9: {  	[tilespmem:s26], [sflag:$0x6] =	stream.linear.gather [hbm4b:s1+s2], $0x80, $0x38;
	[tilespmem:$0x10400] =	vst v63  }
0xca: {  	_ =	swait.ge [sflag:s31], $0x80  }
0xcb: {  	[sflag:s31] =	ssyncset.done $0x0  }
0xcc: {  	s1 =	rddreg [dreg:$0x4];
	[sflag:s31] =	ssyncadd.s32 $0xFFFFFF80  }
0xcd: {  	[tilespmem:s14], [sflag:$0x6] =	stream.linear.gather [hbm4b:s1+s2], $0x80, $0x38;
	[tilespmem:$0x10400] =	vst v63  }
0xce: {  	_ =	swait.ge [sflag:s31], $0x80  }
0xcf: {  	[sflag:s31] =	ssyncset.done $0x0  }
0xd0: {  	s1 =	rddreg [dreg:$0x5];
	[sflag:s31] =	ssyncadd.s32 $0xFFFFFF80  }
0xd1: {  	[tilespmem:s25], [sflag:$0x6] =	stream.linear.gather [hbm4b:s1+s2], $0x80, $0x38;
	[tilespmem:$0x10400] =	vst v63  }
0xd2: {  	_ =	swait.ge [sflag:s31], $0x80  }
0xd3: {  	[sflag:s31] =	ssyncset.done $0x0  }
0xd4: {  	s1 =	rddreg [dreg:$0x6];
	[sflag:s31] =	ssyncadd.s32 $0xFFFFFF80  }
0xd5: {  	[tilespmem:s30], [sflag:$0x6] =	stream.linear.gather [hbm4b:s1+s2], $0x80, $0x38;
	[tilespmem:$0x10400] =	vst v63  }
0xd6: {  	_ =	swait.ge [sflag:s31], $0x80  }
0xd7: {  	[sflag:s31] =	ssyncset.done $0x0  }
0xd8: {  	s1 =	rddreg [dreg:$0x7];
	[sflag:s31] =	ssyncadd.s32 $0xFFFFFF80  }
0xd9: {  	[tilespmem:s24], [sflag:$0x6] =	stream.linear.gather [hbm4b:s1+s2], $0x80, $0x38;
	[tilespmem:$0x10400] =	vst v63  }
0xda: {  	_ =	swait.ge [sflag:s31], $0x80  }
0xdb: {  	[sflag:s31] =	ssyncset.done $0x0  }
0xdc: {  	s1 =	rddreg [dreg:$0x8];
	[sflag:s31] =	ssyncadd.s32 $0xFFFFFF80  }
0xdd: {  	[tilespmem:s28], [sflag:$0x6] =	stream.linear.gather [hbm4b:s1+s2], $0x80, $0x38;
	[tilespmem:$0x10400] =	vst v63  }
0xde: {  	_ =	swait.ge [sflag:s31], $0x80  }
0xdf: {  	[sflag:s31] =	ssyncset.done $0x0  }
0xe0: {  	s1 =	rddreg [dreg:$0x9];
	[sflag:s31] =	ssyncadd.s32 $0xFFFFFF80  }
0xe1: {  	[tilespmem:s19], [sflag:$0x6] =	stream.linear.gather [hbm4b:s1+s2], $0x80, $0x38;
	[tilespmem:$0x10400] =	vst v63  }
0xe2: {  	_ =	swait.ge [sflag:s31], $0x80  }
0xe3: {  	[sflag:s31] =	ssyncset.done $0x0  }
0xe4: {  	[sflag:s31] =	ssyncadd.s32 $0xFFFFFF80  }
0xe5: {  	[tilespmem:s15], [sflag:$0x1] =	stream.indirect.gather [hbm4b:s29+s14], $0x80, s2, s14, $0xb8;
	[tilespmem:$0x10400] =	vst v63  }
0xe6: {  	_ = 	snop  }
0xe7: {  	[tilespmem:s13], [sflag:$0x2] =	stream.indirect.gather [hbm4b:s29+s14], $0x80, s14, s14, $0xb8;
	[tilespmem:$0x10400] =	vst v63  }
0xe8: {  	_ = 	snop  }
0xe9: {  	[tilespmem:s11], [sflag:$0x3] =	stream.indirect.gather [hbm4b:s29+s14], $0x80, s30, s14, $0xb8;
	[tilespmem:$0x10400] =	vst v63  }
0xea: {  	_ = 	snop  }
0xeb: {  	[tilespmem:s12], [sflag:$0x4] =	stream.indirect.gather [hbm4b:s29+s14], $0x80, s28, s14, $0xb8;
	[tilespmem:$0x10400] =	vst v63  }
0xec: {  	_ =	swait.ge [sflag:s23], $0x4000  }
0xed: {  	[sflag:s23] =	ssyncset.done $0x0  }
0xee: {  	s1 =	rddreg [dreg:$0xa];
	[sflag:s23] =	ssyncadd.s32 $0xFFFFC000  }
0xef: {  	[hbm4b:s1+s2] =	stream.linear.scatter [tilespmem:s15], [sflag:$0x5], $0x4000, $0x38;
	[tilespmem:$0x10400] =	vst v63  }
0xf0: {  	_ =	swait.ge [sflag:s8], $0x4000  }
0xf1: {  	[sflag:s8] =	ssyncset.done $0x0  }
0xf2: {  	[sflag:s8] =	ssyncadd.s32 $0xFFFFC000  }
0xf3: {  	[tilespmem:s15], [sflag:$0x1] =	stream.indirect.gather [hbm4b:s18+s14], $0x80, s26, s14, $0xb8;
	[tilespmem:$0x10400] =	vst v63  }
0xf4: {  	_ =	swait.ge [sflag:s21], $0x4000  }
0xf5: {  	[sflag:s21] =	ssyncset.done $0x0  }
0xf6: {  	s1 =	rddreg [dreg:$0xb];
	[sflag:s21] =	ssyncadd.s32 $0xFFFFC000  }
0xf7: {  	[hbm4b:s1+s2] =	stream.linear.scatter [tilespmem:s13], [sflag:$0x5], $0x4000, $0x38;
	[tilespmem:$0x10400] =	vst v63  }
0xf8: {  	_ =	swait.ge [sflag:s8], $0x4000  }
0xf9: {  	[sflag:s8] =	ssyncset.done $0x0  }
0xfa: {  	[sflag:s8] =	ssyncadd.s32 $0xFFFFC000  }
0xfb: {  	[tilespmem:s13], [sflag:$0x2] =	stream.indirect.gather [hbm4b:s18+s14], $0x80, s25, s14, $0xb8;
	[tilespmem:$0x10400] =	vst v63  }
0xfc: {  	_ =	swait.ge [sflag:s20], $0x4000  }
0xfd: {  	[sflag:s20] =	ssyncset.done $0x0  }
0xfe: {  	s1 =	rddreg [dreg:$0xc];
	[sflag:s20] =	ssyncadd.s32 $0xFFFFC000  }
0xff: {  	[hbm4b:s1+s2] =	stream.linear.scatter [tilespmem:s11], [sflag:$0x5], $0x4000, $0x38;
	[tilespmem:$0x10400] =	vst v63  }
0x100: {  	_ =	swait.ge [sflag:s8], $0x4000  }
0x101: {  	[sflag:s8] =	ssyncset.done $0x0  }
0x102: {  	[sflag:s8] =	ssyncadd.s32 $0xFFFFC000  }
0x103: {  	[tilespmem:s11], [sflag:$0x3] =	stream.indirect.gather [hbm4b:s18+s14], $0x80, s24, s14, $0xb8;
	[tilespmem:$0x10400] =	vst v63  }
0x104: {  	_ =	swait.ge [sflag:s16], $0x4000  }
0x105: {  	[sflag:s16] =	ssyncset.done $0x0  }
0x106: {  	s1 =	rddreg [dreg:$0xd];
	[sflag:s16] =	ssyncadd.s32 $0xFFFFC000  }
0x107: {  	[hbm4b:s1+s2] =	stream.linear.scatter [tilespmem:s12], [sflag:$0x5], $0x4000, $0x38;
	[tilespmem:$0x10400] =	vst v63  }
0x108: {  	_ =	swait.ge [sflag:s8], $0x4000  }
0x109: {  	[sflag:s8] =	ssyncset.done $0x0  }
0x10a: {  	[sflag:s8] =	ssyncadd.s32 $0xFFFFC000  }
0x10b: {  	[tilespmem:s12], [sflag:$0x4] =	stream.indirect.gather [hbm4b:s18+s14], $0x80, s19, s14, $0xb8;
	[tilespmem:$0x10400] =	vst v63  }
0x10c: {  	_ =	swait.ge [sflag:s23], $0x4000  }
0x10d: {  	[sflag:s23] =	ssyncset.done $0x0  }
0x10e: {  	s1 =	rddreg [dreg:$0xe];
	[sflag:s23] =	ssyncadd.s32 $0xFFFFC000  }
0x10f: {  	[hbm4b:s1+s2] =	stream.linear.scatter [tilespmem:s15], [sflag:$0x5], $0x4000, $0x38;
	[tilespmem:$0x10400] =	vst v63  }
0x110: {  	_ =	swait.ge [sflag:s8], $0x4000  }
0x111: {  	[sflag:s8] =	ssyncset.done $0x0  }
0x112: {  	[sflag:s8] =	ssyncadd.s32 $0xFFFFC000  }
0x113: {  	[tilespmem:s15], [sflag:$0x1] =	stream.indirect.gather [hbm4b:s4+s14], $0x80, s2, s14, $0xb8;
	[tilespmem:$0x10400] =	vst v63  }
0x114: {  	_ =	swait.ge [sflag:s21], $0x4000  }
0x115: {  	[sflag:s21] =	ssyncset.done $0x0  }
0x116: {  	s1 =	rddreg [dreg:$0xf];
	[sflag:s21] =	ssyncadd.s32 $0xFFFFC000  }
0x117: {  	[hbm4b:s1+s2] =	stream.linear.scatter [tilespmem:s13], [sflag:$0x5], $0x4000, $0x38;
	[tilespmem:$0x10400] =	vst v63  }
0x118: {  	_ =	swait.ge [sflag:s8], $0x4000  }
0x119: {  	[sflag:s8] =	ssyncset.done $0x0  }
0x11a: {  	[sflag:s8] =	ssyncadd.s32 $0xFFFFC000  }
0x11b: {  	[tilespmem:s13], [sflag:$0x2] =	stream.indirect.gather [hbm4b:s4+s14], $0x80, s14, s14, $0xb8;
	[tilespmem:$0x10400] =	vst v63  }
0x11c: {  	_ =	swait.ge [sflag:s20], $0x4000  }
0x11d: {  	[sflag:s20] =	ssyncset.done $0x0  }
0x11e: {  	s1 =	rddreg [dreg:$0x10];
	[sflag:s20] =	ssyncadd.s32 $0xFFFFC000  }
0x11f: {  	[hbm4b:s1+s2] =	stream.linear.scatter [tilespmem:s11], [sflag:$0x5], $0x4000, $0x38;
	[tilespmem:$0x10400] =	vst v63  }
0x120: {  	_ =	swait.ge [sflag:s8], $0x4000  }
0x121: {  	[sflag:s8] =	ssyncset.done $0x0  }
0x122: {  	[sflag:s8] =	ssyncadd.s32 $0xFFFFC000  }
0x123: {  	[tilespmem:s11], [sflag:$0x3] =	stream.indirect.gather [hbm4b:s4+s14], $0x80, s30, s14, $0xb8;
	[tilespmem:$0x10400] =	vst v63  }
0x124: {  	_ =	swait.ge [sflag:s16], $0x4000  }
0x125: {  	[sflag:s16] =	ssyncset.done $0x0  }
0x126: {  	s1 =	rddreg [dreg:$0x11];
	[sflag:s16] =	ssyncadd.s32 $0xFFFFC000  }
0x127: {  	[hbm4b:s1+s2] =	stream.linear.scatter [tilespmem:s12], [sflag:$0x5], $0x4000, $0x38;
	[tilespmem:$0x10400] =	vst v63  }
0x128: {  	_ =	swait.ge [sflag:s8], $0x4000  }
0x129: {  	[sflag:s8] =	ssyncset.done $0x0  }
0x12a: {  	[sflag:s8] =	ssyncadd.s32 $0xFFFFC000  }
0x12b: {  	[tilespmem:s12], [sflag:$0x4] =	stream.indirect.gather [hbm4b:s4+s14], $0x80, s28, s14, $0xb8;
	[tilespmem:$0x10400] =	vst v63  }
0x12c: {  	_ =	swait.ge [sflag:s23], $0x4000  }
0x12d: {  	[sflag:s23] =	ssyncset.done $0x0  }
0x12e: {  	s1 =	rddreg [dreg:$0x12];
	[sflag:s23] =	ssyncadd.s32 $0xFFFFC000  }
0x12f: {  	[hbm4b:s1+s2] =	stream.linear.scatter [tilespmem:s15], [sflag:$0x5], $0x4000, $0x38;
	[tilespmem:$0x10400] =	vst v63  }
0x130: {  	_ =	swait.ge [sflag:s8], $0x4000  }
0x131: {  	[sflag:s8] =	ssyncset.done $0x0  }
0x132: {  	[sflag:s8] =	ssyncadd.s32 $0xFFFFC000  }
0x133: {  	[tilespmem:s15], [sflag:$0x1] =	stream.indirect.gather [hbm4b:s3+s14], $0x80, s26, s14, $0xb8;
	[tilespmem:$0x10400] =	vst v63  }
0x134: {  	_ =	swait.ge [sflag:s21], $0x4000  }
0x135: {  	[sflag:s21] =	ssyncset.done $0x0  }
0x136: {  	[sflag:s21] =	ssyncadd.s32 $0xFFFFC000  }
0x137: {  	[hbm4b:s22+s2] =	stream.linear.scatter [tilespmem:s13], [sflag:$0x5], $0x4000, $0x38;
	[tilespmem:$0x10400] =	vst v63  }
0x138: {  	_ =	swait.ge [sflag:s8], $0x4000  }
0x139: {  	[sflag:s8] =	ssyncset.done $0x0  }
0x13a: {  	[sflag:s8] =	ssyncadd.s32 $0xFFFFC000  }
0x13b: {  	[tilespmem:s13], [sflag:$0x2] =	stream.indirect.gather [hbm4b:s3+s14], $0x80, s25, s14, $0xb8;
	[tilespmem:$0x10400] =	vst v63  }
0x13c: {  	_ =	swait.ge [sflag:s20], $0x4000  }
0x13d: {  	[sflag:s20] =	ssyncset.done $0x0  }
0x13e: {  	[sflag:s20] =	ssyncadd.s32 $0xFFFFC000  }
0x13f: {  	[hbm4b:s17+s2] =	stream.linear.scatter [tilespmem:s11], [sflag:$0x5], $0x4000, $0x38;
	[tilespmem:$0x10400] =	vst v63  }
0x140: {  	_ =	swait.ge [sflag:s8], $0x4000  }
0x141: {  	[sflag:s8] =	ssyncset.done $0x0  }
0x142: {  	[sflag:s8] =	ssyncadd.s32 $0xFFFFC000  }
0x143: {  	[tilespmem:s11], [sflag:$0x3] =	stream.indirect.gather [hbm4b:s3+s14], $0x80, s24, s14, $0xb8;
	[tilespmem:$0x10400] =	vst v63  }
0x144: {  	_ =	swait.ge [sflag:s16], $0x4000  }
0x145: {  	[sflag:s16] =	ssyncset.done $0x0  }
0x146: {  	[sflag:s16] =	ssyncadd.s32 $0xFFFFC000  }
0x147: {  	[hbm4b:s10+s2] =	stream.linear.scatter [tilespmem:s12], [sflag:$0x5], $0x4000, $0x38;
	[tilespmem:$0x10400] =	vst v63  }
0x148: {  	_ =	swait.ge [sflag:s8], $0x4000  }
0x149: {  	[sflag:s8] =	ssyncset.done $0x0  }
0x14a: {  	[sflag:s8] =	ssyncadd.s32 $0xFFFFC000  }
0x14b: {  	[tilespmem:s12], [sflag:$0x4] =	stream.indirect.gather [hbm4b:s3+s14], $0x80, s19, s14, $0xb8;
	[tilespmem:$0x10400] =	vst v63  }
0x14c: {  	_ =	swait.ge [sflag:s23], $0x4000  }
0x14d: {  	[sflag:s23] =	ssyncset.done $0x0  }
0x14e: {  	[sflag:s23] =	ssyncadd.s32 $0xFFFFC000  }
0x14f: {  	[hbm4b:s9+s2] =	stream.linear.scatter [tilespmem:s15], [sflag:$0x5], $0x4000, $0x38;
	[tilespmem:$0x10400] =	vst v63  }
0x150: {  	_ =	swait.ge [sflag:s21], $0x4000  }
0x151: {  	[sflag:s21] =	ssyncset.done $0x0  }
0x152: {  	[sflag:s21] =	ssyncadd.s32 $0xFFFFC000  }
0x153: {  	[hbm4b:s7+s2] =	stream.linear.scatter [tilespmem:s13], [sflag:$0x5], $0x4000, $0x38;
	[tilespmem:$0x10400] =	vst v63  }
0x154: {  	_ =	swait.ge [sflag:s20], $0x4000  }
0x155: {  	[sflag:s20] =	ssyncset.done $0x0  }
0x156: {  	[sflag:s20] =	ssyncadd.s32 $0xFFFFC000  }
0x157: {  	[hbm4b:s6+s2] =	stream.linear.scatter [tilespmem:s11], [sflag:$0x5], $0x4000, $0x38;
	[tilespmem:$0x10400] =	vst v63  }
0x158: {  	_ =	swait.ge [sflag:s16], $0x4000  }
0x159: {  	[sflag:s16] =	ssyncset.done $0x0  }
0x15a: {  	[sflag:s16] =	ssyncadd.s32 $0xFFFFC000  }
0x15b: {  	[hbm4b:s5+s2] =	stream.linear.scatter [tilespmem:s12], [sflag:$0x5], $0x4000, $0x38;
	[tilespmem:$0x10400] =	vst v63  }
0x15c: {  	_ =	swait.ge [sflag:s8], $0x4000  }
0x15d: {  	[sflag:s8] =	ssyncset.done $0x0  }
0x15e: {  	[sflag:s8] =	ssyncadd.s32 $0xFFFFC000  }
0x15f: {  	_ =	swait.ge [sflag:s8], $0x4000  }
0x160: {  	[sflag:s8] =	ssyncset.done $0x0  }
0x161: {  	p1 =	sne.s32 s0, $0x1;
	[sflag:s8] =	ssyncadd.s32 $0xFFFFC000  }
.Ltmp2:
0x162: {  	_ =	swait.ge [sflag:s8], $0x4000;
	(pc) =	sbr.rel @p1 .LBB2_2-.Ltmp2, $4  }
0x163: {  	[sflag:s8] =	ssyncset.done $0x0  }
0x164: {  	[sflag:s8] =	ssyncadd.s32 $0xFFFFC000  }
0x165: {  	_ =	swait.ge [sflag:s8], $0x4000  }
0x166: {  	s0 =	sadd.s32 $0xFFFFFFFF, s0;
	s1 =	rddreg [dreg:$0x2];
	[sflag:s8] =	ssyncset.done $0x0  }
.LBB2_3:
0x167: {  	[sflag:s8] =	ssyncadd.s32 @p0 $0xFFFFC000  }
0x168: {  	[tilespmem:s2], [sflag:$0x6] =	stream.linear.gather [hbm4b:s1+s2], $0x80, $0x38;
	[tilespmem:$0x10400] =	vst v63  }
0x169: {  	_ =	swait.ge [sflag:s31], $0x80  }
0x16a: {  	[sflag:s31] =	ssyncset.done $0x0  }
0x16b: {  	s0 =	rddreg [dreg:$0x3];
	[sflag:s31] =	ssyncadd.s32 $0xFFFFFF80  }
0x16c: {  	[tilespmem:s26], [sflag:$0x6] =	stream.linear.gather [hbm4b:s0+s2], $0x80, $0x38;
	[tilespmem:$0x10400] =	vst v63  }
0x16d: {  	_ =	swait.ge [sflag:s31], $0x80  }
0x16e: {  	[sflag:s31] =	ssyncset.done $0x0  }
0x16f: {  	s1 =	rddreg [dreg:$0x4];
	[sflag:s31] =	ssyncadd.s32 $0xFFFFFF80  }
0x170: {  	[tilespmem:s14], [sflag:$0x6] =	stream.linear.gather [hbm4b:s1+s2], $0x80, $0x38;
	[tilespmem:$0x10400] =	vst v63  }
0x171: {  	_ =	swait.ge [sflag:s31], $0x80  }
0x172: {  	[sflag:s31] =	ssyncset.done $0x0  }
0x173: {  	s1 =	rddreg [dreg:$0x5];
	[sflag:s31] =	ssyncadd.s32 $0xFFFFFF80  }
0x174: {  	[tilespmem:s25], [sflag:$0x6] =	stream.linear.gather [hbm4b:s1+s2], $0x80, $0x38;
	[tilespmem:$0x10400] =	vst v63  }
0x175: {  	_ =	swait.ge [sflag:s31], $0x80  }
0x176: {  	[sflag:s31] =	ssyncset.done $0x0  }
0x177: {  	s1 =	rddreg [dreg:$0x6];
	[sflag:s31] =	ssyncadd.s32 $0xFFFFFF80  }
0x178: {  	[tilespmem:s30], [sflag:$0x6] =	stream.linear.gather [hbm4b:s1+s2], $0x80, $0x38;
	[tilespmem:$0x10400] =	vst v63  }
0x179: {  	_ =	swait.ge [sflag:s31], $0x80  }
0x17a: {  	[sflag:s31] =	ssyncset.done $0x0  }
0x17b: {  	s1 =	rddreg [dreg:$0x7];
	[sflag:s31] =	ssyncadd.s32 $0xFFFFFF80  }
0x17c: {  	[tilespmem:s24], [sflag:$0x6] =	stream.linear.gather [hbm4b:s1+s2], $0x80, $0x38;
	[tilespmem:$0x10400] =	vst v63  }
0x17d: {  	_ =	swait.ge [sflag:s31], $0x80  }
0x17e: {  	[sflag:s31] =	ssyncset.done $0x0  }
0x17f: {  	s1 =	rddreg [dreg:$0x8];
	[sflag:s31] =	ssyncadd.s32 $0xFFFFFF80  }
0x180: {  	[tilespmem:s28], [sflag:$0x6] =	stream.linear.gather [hbm4b:s1+s2], $0x80, $0x38;
	[tilespmem:$0x10400] =	vst v63  }
0x181: {  	_ =	swait.ge [sflag:s31], $0x80  }
0x182: {  	[sflag:s31] =	ssyncset.done $0x0  }
0x183: {  	s1 =	rddreg [dreg:$0x9];
	[sflag:s31] =	ssyncadd.s32 $0xFFFFFF80  }
0x184: {  	[tilespmem:s19], [sflag:$0x6] =	stream.linear.gather [hbm4b:s1+s2], $0x80, $0x38;
	[tilespmem:$0x10400] =	vst v63  }
0x185: {  	_ =	swait.ge [sflag:s31], $0x80  }
0x186: {  	[sflag:s31] =	ssyncset.done $0x0  }
0x187: {  	[sflag:s31] =	ssyncadd.s32 $0xFFFFFF80  }
0x188: {  	[tilespmem:s15], [sflag:$0x1] =	stream.indirect.gather [hbm4b:s29+s14], $0x80, s2, s14, $0xb8;
	[tilespmem:$0x10400] =	vst v63  }
0x189: {  	_ = 	snop  }
0x18a: {  	[tilespmem:s13], [sflag:$0x2] =	stream.indirect.gather [hbm4b:s29+s14], $0x80, s14, s14, $0xb8;
	[tilespmem:$0x10400] =	vst v63  }
0x18b: {  	_ = 	snop  }
0x18c: {  	[tilespmem:s11], [sflag:$0x3] =	stream.indirect.gather [hbm4b:s29+s14], $0x80, s30, s14, $0xb8;
	[tilespmem:$0x10400] =	vst v63  }
0x18d: {  	_ = 	snop  }
0x18e: {  	[tilespmem:s12], [sflag:$0x4] =	stream.indirect.gather [hbm4b:s29+s14], $0x80, s28, s14, $0xb8;
	[tilespmem:$0x10400] =	vst v63  }
0x18f: {  	_ =	swait.ge [sflag:s23], $0x4000  }
0x190: {  	[sflag:s23] =	ssyncset.done $0x0  }
0x191: {  	s29 =	rddreg [dreg:$0xa];
	[sflag:s23] =	ssyncadd.s32 $0xFFFFC000  }
0x192: {  	[hbm4b:s29+s2] =	stream.linear.scatter [tilespmem:s15], [sflag:$0x5], $0x4000, $0x38;
	[tilespmem:$0x10400] =	vst v63  }
0x193: {  	_ =	swait.ge [sflag:s8], $0x4000  }
0x194: {  	[sflag:s8] =	ssyncset.done $0x0  }
0x195: {  	[sflag:s8] =	ssyncadd.s32 $0xFFFFC000  }
0x196: {  	[tilespmem:s15], [sflag:$0x1] =	stream.indirect.gather [hbm4b:s18+s14], $0x80, s26, s14, $0xb8;
	[tilespmem:$0x10400] =	vst v63  }
0x197: {  	_ =	swait.ge [sflag:s21], $0x4000  }
0x198: {  	[sflag:s21] =	ssyncset.done $0x0  }
0x199: {  	s31 =	rddreg [dreg:$0xb];
	[sflag:s21] =	ssyncadd.s32 $0xFFFFC000  }
0x19a: {  	[hbm4b:s31+s2] =	stream.linear.scatter [tilespmem:s13], [sflag:$0x5], $0x4000, $0x38;
	[tilespmem:$0x10400] =	vst v63  }
0x19b: {  	_ =	swait.ge [sflag:s8], $0x4000  }
0x19c: {  	[sflag:s8] =	ssyncset.done $0x0  }
0x19d: {  	[sflag:s8] =	ssyncadd.s32 $0xFFFFC000  }
0x19e: {  	[tilespmem:s13], [sflag:$0x2] =	stream.indirect.gather [hbm4b:s18+s14], $0x80, s25, s14, $0xb8;
	[tilespmem:$0x10400] =	vst v63  }
0x19f: {  	_ =	swait.ge [sflag:s20], $0x4000  }
0x1a0: {  	[sflag:s20] =	ssyncset.done $0x0  }
0x1a1: {  	s1 =	rddreg [dreg:$0xc];
	[sflag:s20] =	ssyncadd.s32 $0xFFFFC000  }
0x1a2: {  	[hbm4b:s1+s2] =	stream.linear.scatter [tilespmem:s11], [sflag:$0x5], $0x4000, $0x38;
	[tilespmem:$0x10400] =	vst v63  }
0x1a3: {  	_ =	swait.ge [sflag:s8], $0x4000  }
0x1a4: {  	[sflag:s8] =	ssyncset.done $0x0  }
0x1a5: {  	[sflag:s8] =	ssyncadd.s32 $0xFFFFC000  }
0x1a6: {  	[tilespmem:s11], [sflag:$0x3] =	stream.indirect.gather [hbm4b:s18+s14], $0x80, s24, s14, $0xb8;
	[tilespmem:$0x10400] =	vst v63  }
0x1a7: {  	_ =	swait.ge [sflag:s16], $0x4000  }
0x1a8: {  	[sflag:s16] =	ssyncset.done $0x0  }
0x1a9: {  	s29 =	rddreg [dreg:$0xd];
	[sflag:s16] =	ssyncadd.s32 $0xFFFFC000  }
0x1aa: {  	[hbm4b:s29+s2] =	stream.linear.scatter [tilespmem:s12], [sflag:$0x5], $0x4000, $0x38;
	[tilespmem:$0x10400] =	vst v63  }
0x1ab: {  	_ =	swait.ge [sflag:s8], $0x4000  }
0x1ac: {  	[sflag:s8] =	ssyncset.done $0x0  }
0x1ad: {  	[sflag:s8] =	ssyncadd.s32 $0xFFFFC000  }
0x1ae: {  	[tilespmem:s12], [sflag:$0x4] =	stream.indirect.gather [hbm4b:s18+s14], $0x80, s19, s14, $0xb8;
	[tilespmem:$0x10400] =	vst v63  }
0x1af: {  	_ =	swait.ge [sflag:s23], $0x4000  }
0x1b0: {  	[sflag:s23] =	ssyncset.done $0x0  }
0x1b1: {  	s31 =	rddreg [dreg:$0xe];
	[sflag:s23] =	ssyncadd.s32 $0xFFFFC000  }
0x1b2: {  	[hbm4b:s31+s2] =	stream.linear.scatter [tilespmem:s15], [sflag:$0x5], $0x4000, $0x38;
	[tilespmem:$0x10400] =	vst v63  }
0x1b3: {  	_ =	swait.ge [sflag:s8], $0x4000  }
0x1b4: {  	[sflag:s8] =	ssyncset.done $0x0  }
0x1b5: {  	[sflag:s8] =	ssyncadd.s32 $0xFFFFC000  }
0x1b6: {  	[tilespmem:s15], [sflag:$0x1] =	stream.indirect.gather [hbm4b:s4+s14], $0x80, s2, s14, $0xb8;
	[tilespmem:$0x10400] =	vst v63  }
0x1b7: {  	_ =	swait.ge [sflag:s21], $0x4000  }
0x1b8: {  	[sflag:s21] =	ssyncset.done $0x0  }
0x1b9: {  	s1 =	rddreg [dreg:$0xf];
	[sflag:s21] =	ssyncadd.s32 $0xFFFFC000  }
0x1ba: {  	[hbm4b:s1+s2] =	stream.linear.scatter [tilespmem:s13], [sflag:$0x5], $0x4000, $0x38;
	[tilespmem:$0x10400] =	vst v63  }
0x1bb: {  	_ =	swait.ge [sflag:s8], $0x4000  }
0x1bc: {  	[sflag:s8] =	ssyncset.done $0x0  }
0x1bd: {  	[sflag:s8] =	ssyncadd.s32 $0xFFFFC000  }
0x1be: {  	[tilespmem:s13], [sflag:$0x2] =	stream.indirect.gather [hbm4b:s4+s14], $0x80, s14, s14, $0xb8;
	[tilespmem:$0x10400] =	vst v63  }
0x1bf: {  	_ =	swait.ge [sflag:s20], $0x4000  }
0x1c0: {  	[sflag:s20] =	ssyncset.done $0x0  }
0x1c1: {  	s18 =	rddreg [dreg:$0x10];
	[sflag:s20] =	ssyncadd.s32 $0xFFFFC000  }
0x1c2: {  	[hbm4b:s18+s2] =	stream.linear.scatter [tilespmem:s11], [sflag:$0x5], $0x4000, $0x38;
	[tilespmem:$0x10400] =	vst v63  }
0x1c3: {  	_ =	swait.ge [sflag:s8], $0x4000  }
0x1c4: {  	[sflag:s8] =	ssyncset.done $0x0  }
0x1c5: {  	[sflag:s8] =	ssyncadd.s32 $0xFFFFC000  }
0x1c6: {  	[tilespmem:s11], [sflag:$0x3] =	stream.indirect.gather [hbm4b:s4+s14], $0x80, s30, s14, $0xb8;
	[tilespmem:$0x10400] =	vst v63  }
0x1c7: {  	_ =	swait.ge [sflag:s16], $0x4000  }
0x1c8: {  	[sflag:s16] =	ssyncset.done $0x0  }
0x1c9: {  	s29 =	rddreg [dreg:$0x11];
	[sflag:s16] =	ssyncadd.s32 $0xFFFFC000  }
0x1ca: {  	[hbm4b:s29+s2] =	stream.linear.scatter [tilespmem:s12], [sflag:$0x5], $0x4000, $0x38;
	[tilespmem:$0x10400] =	vst v63  }
0x1cb: {  	_ =	swait.ge [sflag:s8], $0x4000  }
0x1cc: {  	[sflag:s8] =	ssyncset.done $0x0  }
0x1cd: {  	[sflag:s8] =	ssyncadd.s32 $0xFFFFC000  }
0x1ce: {  	[tilespmem:s12], [sflag:$0x4] =	stream.indirect.gather [hbm4b:s4+s14], $0x80, s28, s14, $0xb8;
	[tilespmem:$0x10400] =	vst v63  }
0x1cf: {  	_ =	swait.ge [sflag:s23], $0x4000  }
0x1d0: {  	[sflag:s23] =	ssyncset.done $0x0  }
0x1d1: {  	s30 =	rddreg [dreg:$0x12];
	[sflag:s23] =	ssyncadd.s32 $0xFFFFC000  }
0x1d2: {  	[hbm4b:s30+s2] =	stream.linear.scatter [tilespmem:s15], [sflag:$0x5], $0x4000, $0x38;
	[tilespmem:$0x10400] =	vst v63  }
0x1d3: {  	_ =	swait.ge [sflag:s8], $0x4000  }
0x1d4: {  	[sflag:s8] =	ssyncset.done $0x0  }
0x1d5: {  	[sflag:s8] =	ssyncadd.s32 $0xFFFFC000  }
0x1d6: {  	[tilespmem:s15], [sflag:$0x1] =	stream.indirect.gather [hbm4b:s3+s14], $0x80, s26, s14, $0xb8;
	[tilespmem:$0x10400] =	vst v63  }
0x1d7: {  	_ =	swait.ge [sflag:s21], $0x4000  }
0x1d8: {  	[sflag:s21] =	ssyncset.done $0x0  }
0x1d9: {  	[sflag:s21] =	ssyncadd.s32 $0xFFFFC000  }
0x1da: {  	[hbm4b:s22+s2] =	stream.linear.scatter [tilespmem:s13], [sflag:$0x5], $0x4000, $0x38;
	[tilespmem:$0x10400] =	vst v63  }
0x1db: {  	_ =	swait.ge [sflag:s8], $0x4000  }
0x1dc: {  	[sflag:s8] =	ssyncset.done $0x0  }
0x1dd: {  	[sflag:s8] =	ssyncadd.s32 $0xFFFFC000  }
0x1de: {  	[tilespmem:s13], [sflag:$0x2] =	stream.indirect.gather [hbm4b:s3+s14], $0x80, s25, s14, $0xb8;
	[tilespmem:$0x10400] =	vst v63  }
0x1df: {  	_ =	swait.ge [sflag:s20], $0x4000  }
0x1e0: {  	[sflag:s20] =	ssyncset.done $0x0  }
0x1e1: {  	[sflag:s20] =	ssyncadd.s32 $0xFFFFC000  }
0x1e2: {  	[hbm4b:s17+s2] =	stream.linear.scatter [tilespmem:s11], [sflag:$0x5], $0x4000, $0x38;
	[tilespmem:$0x10400] =	vst v63  }
0x1e3: {  	_ =	swait.ge [sflag:s8], $0x4000  }
0x1e4: {  	[sflag:s8] =	ssyncset.done $0x0  }
0x1e5: {  	[sflag:s8] =	ssyncadd.s32 $0xFFFFC000  }
0x1e6: {  	[tilespmem:s11], [sflag:$0x3] =	stream.indirect.gather [hbm4b:s3+s14], $0x80, s24, s14, $0xb8;
	[tilespmem:$0x10400] =	vst v63  }
0x1e7: {  	_ =	swait.ge [sflag:s16], $0x4000  }
0x1e8: {  	[sflag:s16] =	ssyncset.done $0x0  }
0x1e9: {  	[sflag:s16] =	ssyncadd.s32 $0xFFFFC000  }
0x1ea: {  	[hbm4b:s10+s2] =	stream.linear.scatter [tilespmem:s12], [sflag:$0x5], $0x4000, $0x38;
	[tilespmem:$0x10400] =	vst v63  }
0x1eb: {  	_ =	swait.ge [sflag:s8], $0x4000  }
0x1ec: {  	[sflag:s8] =	ssyncset.done $0x0  }
0x1ed: {  	[sflag:s8] =	ssyncadd.s32 $0xFFFFC000  }
0x1ee: {  	[tilespmem:s12], [sflag:$0x4] =	stream.indirect.gather [hbm4b:s3+s14], $0x80, s19, s14, $0xb8;
	[tilespmem:$0x10400] =	vst v63  }
0x1ef: {  	_ =	swait.ge [sflag:s23], $0x4000  }
0x1f0: {  	[sflag:s23] =	ssyncset.done $0x0  }
0x1f1: {  	[sflag:s23] =	ssyncadd.s32 $0xFFFFC000  }
0x1f2: {  	[hbm4b:s9+s2] =	stream.linear.scatter [tilespmem:s15], [sflag:$0x5], $0x4000, $0x38;
	[tilespmem:$0x10400] =	vst v63  }
0x1f3: {  	_ =	swait.ge [sflag:s21], $0x4000  }
0x1f4: {  	[sflag:s21] =	ssyncset.done $0x0  }
0x1f5: {  	[sflag:s21] =	ssyncadd.s32 $0xFFFFC000  }
0x1f6: {  	[hbm4b:s7+s2] =	stream.linear.scatter [tilespmem:s13], [sflag:$0x5], $0x4000, $0x38;
	[tilespmem:$0x10400] =	vst v63  }
0x1f7: {  	_ =	swait.ge [sflag:s20], $0x4000  }
0x1f8: {  	[sflag:s20] =	ssyncset.done $0x0  }
0x1f9: {  	[sflag:s20] =	ssyncadd.s32 $0xFFFFC000  }
0x1fa: {  	[hbm4b:s6+s2] =	stream.linear.scatter [tilespmem:s11], [sflag:$0x5], $0x4000, $0x38;
	[tilespmem:$0x10400] =	vst v63  }
0x1fb: {  	_ =	swait.ge [sflag:s16], $0x4000  }
0x1fc: {  	[sflag:s16] =	ssyncset.done $0x0  }
0x1fd: {  	[sflag:s16] =	ssyncadd.s32 $0xFFFFC000  }
0x1fe: {  	[hbm4b:s5+s2] =	stream.linear.scatter [tilespmem:s12], [sflag:$0x5], $0x4000, $0x38;
	[tilespmem:$0x10400] =	vst v63  }
0x1ff: {  	_ =	swait.ge [sflag:s8], $0x4000  }
0x200: {  	[sflag:s8] =	ssyncset.done $0x0  }
0x201: {  	[sflag:s8] =	ssyncadd.s32 $0xFFFFC000  }
0x202: {  	_ =	swait.ge [sflag:s8], $0x4000  }
0x203: {  	[sflag:s8] =	ssyncset.done $0x0  }
0x204: {  	[sflag:s8] =	ssyncadd.s32 $0xFFFFC000  }
0x205: {  	_ =	swait.ge [sflag:s8], $0x4000  }
0x206: {  	[sflag:s8] =	ssyncset.done $0x0  }
0x207: {  	[sflag:s8] =	ssyncadd.s32 $0xFFFFC000  }
0x208: {  	_ =	swait.ge [sflag:s8], $0x4000  }
0x209: {  	[sflag:s8] =	ssyncset.done $0x0  }
0x20a: {  	[sflag:s8] =	ssyncadd.s32 $0xFFFFC000  }
0x20b: {  	_ =	sfence.sel $0x180000  }
0x20c: {  	[bflag:$0x0] =	sbarrier.arrive $0xFFFF  }
0x20d: {  	_ =	strace $0x90000053  }
0x20e: {  	s31 =	stileid.u32;
	[bflag:$0x2] =	sbarrier.arrive $0xFFFF  }
0x20f: {  	p0 =	sne.s32 s31, $0x0;
	s0 =	rddreg [dreg:$0x1]  }
0x210: {  	s0 =	sadd.s32 @!p0 $0x100000, s0  }
0x211: {  	[sflag:s0] =	ssyncadd.tile.s32 @!p0 $0x1;
	_ =	shalt  }
.Lfunc_end2:
_tile_overlayer_lowered:
.L_overlay_start_2:
0x212: {  	(tag) =	ssettag $0x2  }
0x213: {  	s0 =	rddreg [dreg:$0x0];
	s2 =	stileid.u32  }
0x214: {  	s1 =	rddreg [dreg:$0x1];
	p0 =	sne.s32 s2, $0x0  }
0x215: {  	s3 =	rddreg [dreg:$0x2];
	[bflag:$0x3] =	sbarrier.arrive $0xFFFF;
	s2 =	simm.s32 @!p0 $0x1C06  }
0x216: {  	[timem:s3], [sflag:s2] =	dma.local @!p0 [hbm:s0], s1  }
0x217: {  	s0 =	simm.s32 @!p0 $0x6  }
0x218: {  	_ =	swait.ge @!p0 [sflag:s0], s1  }
0x219: {  	s1 =	ssub.s32 @!p0 $0x0, s1;
	[sflag:s0] =	ssyncset.done @!p0 $0x0  }
0x21a: {  	[sflag:s0] =	ssyncadd.s32 @!p0 s1  }
0x21b: {  	[bflag:$0x3] =	sbarrier.arrive $0xFFFF  }
0x21c: {  	_ =	shalt  }

// kernel: sparse-core-data-format-call.1.cloned.1.call-start
scs
called_computation.1_lowered:
.L_overlay_start_0:
0x0: {  	s2 =	sld [smem:$0x3FD9]  }
0x1: {  	s3 =	sld [smem:$0x3FFE];
	_ =	sdelay $0x1  }
0x2: {  	s1 =	srdreg.scid  }
0x3: {  	s0 =	sand.u32 $0x1, s1  }
0x4: {  	s18 =	sshll.u32 s0, $0xA;
	s2 =	sadd.s32 s3, s2  }
0x5: {  	s2 =	sadd.s32 s2, s18  }
0x6: {  	[smem:$0x3FB4] =	sst s2  }
0x7: {  	_ = 	snop  }
0x8: {  	s19 =	sld [smem:$0x3FB8];
	(tm) =	ssettm $0x1  }
0x9: {  	s20 =	sld [smem:$0x3FFB];
	_ =	sdelay $0x3  }
0xa: {  	_ =	strace s20  }
0xb: {  	s2 =	sld [smem:$0x3FFC];
	_ =	sdelay $0x3  }
0xc: {  	_ =	strace s2  }
0xd: {  	s2 =	sld [smem:$0x3FFD];
	_ =	sdelay $0x3  }
0xe: {  	_ =	strace s2  }
0xf: {  	_ =	strace $0x8FFFFFFF  }
0x10: {  	s21 =	sld [smem:$0x3FDB];
	_ =	sdelay $0x1  }
0x11: {  	s4 =	simm.s32 $_scs_section_size  }
0x12: {  	s5 =	simm.s32 $_size__tile_overlayer_lowered;
	s6 =	simm.s32 $_tile_overlayer_lowered  }
0x13: {  	s7 =	simm.s32 $0x1BFF;
	s22 =	sshll.u32 s6, $0x1;
	s4 =	sadd.s32 s4, s21  }
0x14: {  	s23 =	simm.s32 $0x0;
	s5 =	sshll.u32 s5, $0x1;
	s6 =	sadd.s32 s22, s4  }
0x15: {  	[timem:s23], [sflag:s7] =	dma.local [hbm:s6], s5  }
0x16: {  	_ =	swait.ge [sflag:s7], s5  }
0x17: {  	s5 =	ssub.s32 $0x0, s5;
	[sflag:s7] =	ssyncset.done $0x0  }
0x18: {  	[sflag:s7] =	ssyncadd.s32 s5;
	_ =	sdelay $0x1  }
0x19: {  	s24 =	simm.s32 $0x1B8B  }
0x1a: {  	_ =	swait.ge [sflag:s24], $0x1  }
0x1b: {  	[sflag:s24] =	ssyncset.done $0x0  }
0x1c: {  	[sflag:s24] =	ssyncadd.s32 $0xFFFFFFFF  }
0x1d: {  	s5 =	sld [smem:$0x0]  }
0x1e: {  	s6 =	sand.u32 $0xFFFFFFFE, s1  }
0x1f: {  	p0 =	sne.s32 s1, s6  }
0x20: {  	s6 =	sshll.u32 @p0 s6, $0xE  }
0x21: {  	s6 =	sadd.s32 @p0 $0x11B8D, s6;
	s7 =	sshll.u32 @p0 s5, $0x11  }
0x22: {  	s6 =	sor.u32 @p0 s7, s6  }
0x23: {  	[sflag:s6] =	ssyncadd.remote.s32 @p0 $0x1;
	_ =	sdelay $0x1  }
0x24: {  	s6 =	simm.s32 @p0 $0x1B8D  }
0x25: {  	_ =	swait.eq @p0 [sflag:s6], $0x1  }
0x26: {  	[sflag:s6] =	ssyncadd.s32 @p0 $0xFFFFFFFF  }
0x27: {  	s7 =	sshll.u32 @!p0 s1, $0xE  }
0x28: {  	s7 =	sor.u32 @!p0 $0x4000, s7;
	s6 =	simm.s32 @!p0 $0x1B8D  }
0x29: {  	s5 =	sshll.u32 @!p0 s5, $0x11;
	s7 =	sadd.s32 @!p0 $0x11B8D, s7;
	_ =	swait.eq @!p0 [sflag:s6], $0x1  }
0x2a: {  	s5 =	sor.u32 @!p0 s5, s7;
	[sflag:s6] =	ssyncadd.s32 @!p0 $0xFFFFFFFF  }
0x2b: {  	s26 =	simm.s32 $0x1B8E;
	s25 =	sld [smem:$0x3FFE];
	[sflag:s5] =	ssyncadd.remote.s32 @!p0 $0x1  }
0x2c: {  	s27 =	simm.s32 $execute0_lowered;
	[smem:$0x3FD2] =	sst s26  }
0x2d: {  	s6 =	sshll.u32 s27, $0x1;
	_ =	strace $0x8000004F;
	[dreg:$0x1] =	wrdreg $0xFFFFFFFF  }
0x2e: {  	s28 =	simm.s32 $_size_execute0_lowered;
	s4 =	sadd.s32 s4, s6;
	[dreg:$0x0] =	wrdreg $0x0  }
0x2f: {  	s6 =	sshll.u32 s28, $0x1;
	[dreg:$0x2] =	wrdreg s4  }
0x30: {  	[dreg:$0x3] =	wrdreg s6  }
0x31: {  	[dreg:$0x4] =	wrdreg $0xC0  }
0x32: {  	_ =	task [dreg:s23], $0x5FFFF  }
0x33: {  	[dreg:$0x1] =	wrdreg $0xFFFFFFFF  }
0x34: {  	[dreg:$0x0] =	wrdreg $0x60  }
0x35: {  	[dreg:$0x2] =	wrdreg s19  }
0x36: {  	[dreg:$0x3] =	wrdreg s25  }
0x37: {  	[dreg:$0x4] =	wrdreg $0xA  }
0x38: {  	_ =	task.clear_ibuf [dreg:s23], $0x5FFFF;
	_ =	strace $0x9000004F  }
0x39: {  	s29 =	simm.s32 $0xA;
	_ =	strace $0x80000051  }
0x3a: {  	_ =	swait.ge [sflag:s29], $0x1  }
0x3b: {  	[sflag:s29] =	ssyncadd.s32 $0xFFFFFFFF  }
0x3c: {  	_ =	strace $0x90000051  }
0x3d: {  	_ =	sfence  }
0x3e: {  	s30 =	sld [smem:$0x0];
	_ =	sdelay $0x2  }
0x3f: {  	s31 =	sshll.u32 s1, $0xD;
	s1 =	sshrl.u32 s1, $0x2  }
0x40: {  	s4 =	sand.u32 $0x4000, s31;
	s1 =	sadd.s32 s1, s30  }
0x41: {  	s0 =	sor.u32 s4, s0;
	s1 =	sshll.u32 s1, $0x11  }
0x42: {  	s0 =	sor.u32 s1, s0  }
0x43: {  	s0 =	sadd.s32 $0x8F2B, s0  }
0x44: {  	[sflag:s0] =	ssyncadd.remote.s32 $0x1  }
0x45: {  	_ =	sfence.sel $0xFFFF  }
0x46: {  	[dreg:$0x0] =	wrdreg $0xFFFFFFFF;
	(pc) =	sbr.abs _section_cstart, $3  }
0x47: {  	[dreg:$0x1] =	wrdreg $0xFFFFFFFF  }
0x48: {  	_ =	task.clear_ibuf [dreg:s23], $0x2FFFF;
	_ =	strace $0x9FFFFFFF  }
0x49: {  	(tm) =	ssettm $0x7FFFFFFF  }
tec
execute0_lowered:
.L_overlay_start_1:
0x0: {  	(tag) =	ssettag $0x1  }
0x1: {  	s0 =	srdreg.scid;
	s2 =	rddreg [dreg:$0x0]  }
0x2: {  	s5 =	rddreg [dreg:$0x1];
	s1 =	stileid.u32  }
0x3: {  	s4 =	simm.s32 $0x1;
	s6 =	simm.s32 $0x2;
	s15 =	simm.s32 $0x0  }
0x4: {  	p0 =	por $0x0, $0x0;
	s8 =	simm.s32 $0x80;
	s0 =	sshll.u32 s0, $0x4  }
0x5: {  	s14 =	simm.s32 $0x0;
	s9 =	simm.s32 $0x0;
	s3 =	sand.u32 $0x10, s0  }
.Ltmp0:
0x6: {  	s10 =	simm.s32 $0x0;
	s3 =	sor.u32 s1, s3;
	(pc) =	sbr.rel .LBB1_1-.Ltmp0, $4  }
0x7: {  	s0 =	rddreg [dreg:$0x2];
	_ =	strace $0x80000050;
	s3 =	sshll.u32 s3, $0x7  }
0x8: {  	s12 =	simm.s32 $0x0;
	[sflag:s4] =	ssyncpa.u1 $0x0;
	s7 =	ssub.s32 $0xF4200, s3  }
0x9: {  	s13 =	simm.s32 $0x0;
	[sflag:s6] =	ssyncpa.u1 $0x0;
	s6 =	sshrl.u32 s7, $0xC  }
0xa: {  	s5 =	sadd.s32 $0x2DCB000, s5;
	s11 =	smov.u32 s3;
	s7 =	sadd.s32 $0x2, s6  }
.LBB1_5:
0xb: {  	p1 =	slt.u32 s13, $0x2  }
0xc: {  	s17 =	smov.u32 s15;
	p2 =	sgt.s32 @!p1 s15, $0xF41C0;
	s16 =	sshra.s32 @!p1 s15, $0x1F  }
0xd: {  	p3 =	sgt.s32 @!p1 s14, $0x40;
	s18 =	sshra.s32 @!p1 s14, $0x1F;
	p2 =	por !p2, p1  }
0xe: {  	s15 =	sand.u32 @!p1 s16, s15;
	p3 =	por !p3, p1;
	s16 =	smov.u32 s14  }
0xf: {  	s14 =	sand.u32 @!p1 s18, s14;
	s17 =	simm.s32 @p2 $0xF41C0;
	s16 =	simm.s32 @p3 $0x40  }
0x10: {  	s15 =	ssub.s32 @!p1 s17, s15;
	s14 =	ssub.s32 @!p1 s16, s14  }
0x11: {  	s18 =	smov.u32 s12;
	s16 =	sadd.s32 @!p1 $0xFFF0BE40, s15;
	s17 =	sadd.s32 @!p1 $0xFFFFFFC0, s14  }
0x12: {  	s15 =	ssub.s32 @!p1 $0xF4240, s15;
	p2 =	sgt.s32 @!p1 s16, $0x7F;
	p3 =	sgt.s32 @!p1 s17, $0x3F  }
0x13: {  	s14 =	ssub.s32 @!p1 $0x80, s14;
	p2 =	por !p2, p1;
	p3 =	por !p3, p1  }
0x14: {  	s16 =	sadd.s32 $0x1000, s11;
	s15 =	simm.s32 @!p2 $0x0;
	s14 =	simm.s32 @!p3 $0x0  }
0x15: {  	p2 =	sgt.s32 s16, $0xF423F;
	s14 =	smul.u32 @!p1 s14, s15;
	s15 =	sadd.s32 $0x40, s12  }
0x16: {  	s18 =	smov.u32 @p2 s15  }
0x17: {  	s16 =	smov.u32 @p2 s3;
	p2 =	sgt.s32 s18, $0x3F  }
0x18: {  	s18 =	simm.s32 @p2 $0x0;
	p2 =	sne.s32 s13, s7  }
.Ltmp1:
0x19: {  	p0 =	por !p0, !p0;
	s17 =	simm.s32 @!p1 $0x2;
	(pc) =	sbr.rel @!p2 .LBB1_6-.Ltmp1, $4  }
0x1a: {  	s15 =	smov.u32 s9;
	s9 =	smov.u32 s11;
	s14 =	sand.u32 @!p1 $0x3FFFFFFF, s14  }
0x1b: {  	s11 =	smov.u32 s16;
	_ =	swait.ge @!p1 [sflag:s17], s14;
	s19 =	ssub.s32 @!p1 $0x0, s14  }
0x1c: {  	s14 =	smov.u32 s10;
	s13 =	sadd.s32 $0x1, s13;
	[sflag:s17] =	ssyncset.done @!p1 $0x0  }
0x1d: {  	s10 =	smov.u32 s12;
	s12 =	smov.u32 s18;
	[sflag:s17] =	ssyncadd.s32 @!p1 s19  }
.LBB1_1:
0x1e: {  	p1 =	sgt.u32 s13, s6  }
0x1f: {  	s16 =	sshrl.u32 @!p1 s12, $0x3  }
0x20: {  	s17 =	sshll.u32 @!p1 s11, $0x3;
	s16 =	smul.u32 @!p1 $0x7A1400, s16  }
0x21: {  	s18 =	sshll.u32 @!p1 s12, $0x7;
	s17 =	sand.u32 @!p1 $0xFFFFFC00, s17  }
0x22: {  	s16 =	sadd.s32 @!p1 s16, s17;
	s17 =	sand.u32 @!p1 $0x380, s18  }
0x23: {  	s18 =	sand.u32 @!p1 $0x7F, s11;
	s16 =	sor.u32 @!p1 s17, s16  }
0x24: {  	s17 =	sor.u32 @!p1 s18, s16  }
0x25: {  	s18 =	smulhi.u32 @!p1 $0x218D6287, s17;
	_ =	sdelay $0x1  }
0x26: {  	s16 =	smulhi.u32 @!p1 $0x218D6287, s16;
	s18 =	sshrl.u32 @!p1 s18, $0x11  }
0x27: {  	s18 =	smul.u32 @!p1 $0xF4280, s18  }
0x28: {  	s19 =	sxor.u32 @!p1 $0xFFFFFFFF, s13;
	s16 =	sshrl.u32 @!p1 s16, $0x11  }
0x29: {  	s19 =	sshll.u32 @!p1 s19, $0xD;
	s16 =	sand.u32 @!p1 $0x3F, s16;
	s17 =	ssub.s32 @!p1 s17, s18  }
0x2a: {  	s16 =	smul.u32 @!p1 $0x1E850, s16;
	s18 =	sshrl.u32 @!p1 s17, $0x3;
	s17 =	sand.u32 @!p1 $0x7, s17  }
0x2b: {  	s19 =	sand.u32 @!p1 $0x2000, s19;
	s18 =	sadd.s32 @!p1 s2, s18;
	s17 =	sshll.u32 @!p1 s17, $0x12  }
0x2c: {  	s16 =	sadd.s32 @!p1 s16, s18;
	s17 =	sor.u32 @!p1 $0x400, s17;
	s18 =	simm.s32 @!p1 $0x7A1400  }
0x2d: {  	[tilespmem:s19], [sflag:$0x1] =	stream.strided.gather @!p1 [hbm4b:s16+s17], $0x2000, s18, s17, $0x38;
	[tilespmem:$0x8100] =	vst v63  }
0x2e: {  	p1 =	seq.s32 s13, $0x0  }
0x2f: {  	p2 =	sge.u32 @!p1 s13, s7  }
0x30: {  	p1 =	por p1, p2  }
.Ltmp2:
0x31: {  	_ = 	snop;
	(pc) =	sbr.rel @p1 .LBB1_5-.Ltmp2, $1  }
0x32: {  	_ =	sdelay $0x3  }
0x33: {  	s16 =	simm.s32 $0x1  }
0x34: {  	_ =	swait.ge [sflag:s4], $0x2000;
	s16 =	simm.s32 @!p0 $0x0  }
0x35: {  	[sflag:s4] =	ssyncset.done $0x0;
	s17 =	sshll.u32 s16, $0xD  }
0x36: {  	[sflag:s4] =	ssyncadd.s32 $0xFFFFE000;
	s17 =	sor.u32 $0x40, s17  }
0x37: {  	s16 =	smul.u32 $0x8200, s16;
	v0 =	vld [tilespmem:s17+$0x30]  }
0x38: {  	v1 =	vld [tilespmem:s17+$0xFFFFFFD0]  }
0x39: {  	s16 =	sshrl.u32 s16, $0x2;
	v5 =	vld [tilespmem:s17+$0xFFFFFFE0]  }
0x3a: {  	v6 =	vld [tilespmem:s17+$0xFFFFFFF0];
	s19 =	sor.u32 $0x4000, s16  }
0x3b: {  	s31 =	sand.u32 $0x1, s13;
	v4 =	vld [tilespmem:s17+$0x0];
	s18 =	sadd.s32 $0x0, s19  }
0x3c: {  	v3 =	vld [tilespmem:s17+$0x10];
	s16 =	smul.u32 $0x8200, s31;
	[tilespmem:s18+$0x1C70 ss:$0x41] =	vst.msk $0xffff, v0  }
0x3d: {  	v2 =	vld [tilespmem:s17+$0x20];
	[tilespmem:s18+$0x410 ss:$0x41] =	vst.msk $0xffff, v1  }
0x3e: {  	s16 =	sshrl.u32 s16, $0x2;
	v1 =	vld [tilespmem:s17+$0xFFFFFFC0];
	[tilespmem:s18+$0x820 ss:$0x41] =	vst.msk $0xffff, v5;
	s17 =	sadd.s32 $0x80, s17  }
0x3f: {  	s20 =	simm.s32 $0x4;
	s21 =	simm.s32 $0x8;
	s16 =	sor.u32 $0x4000, s16;
	[tilespmem:s18+$0xC30 ss:$0x41] =	vst.msk $0xffff, v6;
	v0 =	vld [tilespmem:s17+$0x30]  }
.LBB1_3:
0x40: {  	p1 =	sne.s32 s21, $0xFC;
	v5 =	vld [tilespmem:s17+$0xFFFFFFD0];
	[tilespmem:s18+$0x1040 ss:$0x41] =	vst.msk $0xffff, v4  }
0x41: {  	v6 =	vld [tilespmem:s17+$0xFFFFFFE0];
	[tilespmem:s18+$0x1450 ss:$0x41] =	vst.msk $0xffff, v3  }
0x42: {  	s22 =	sshra.s32 s20, $0x2;
	s20 =	smov.u32 s21;
	v7 =	vld [tilespmem:s17+$0xFFFFFFF0];
	[tilespmem:s18+$0x1860 ss:$0x41] =	vst.msk $0xffff, v2  }
.Ltmp3:
0x43: {  	v4 =	vld [tilespmem:s17+$0x0];
	[tilespmem:s18+$0x0 ss:$0x41] =	vst.msk $0xffff, v1;
	s18 =	sadd.s32 s22, s19;
	(pc) =	sbr.rel @p1 .LBB1_3-.Ltmp3, $4  }
0x44: {  	v3 =	vld [tilespmem:s17+$0x10];
	[tilespmem:s18+$0x1C70 ss:$0x41] =	vst.msk $0xffff, v0  }
0x45: {  	[tilespmem:s18+$0x410 ss:$0x41] =	vst.msk $0xffff, v5;
	v2 =	vld [tilespmem:s17+$0x20]  }
0x46: {  	v1 =	vld [tilespmem:s17+$0xFFFFFFC0];
	[tilespmem:s18+$0x820 ss:$0x41] =	vst.msk $0xffff, v6;
	s17 =	sadd.s32 $0x80, s17  }
0x47: {  	s21 =	sadd.s32 $0x4, s21;
	v0 =	vld [tilespmem:s17+$0x30];
	[tilespmem:s18+$0xC30 ss:$0x41] =	vst.msk $0xffff, v7  }
0x48: {  	s21 =	sshll.u32 s9, $0x7;
	s22 =	sshll.u32 s10, $0x3;
	s20 =	sshra.s32 s20, $0x2  }
0x49: {  	p1 =	sgt.s32 s9, $0xF41C0;
	s30 =	sshra.s32 s9, $0x1F;
	s25 =	sshra.s32 s10, $0x1F  }
0x4a: {  	v5 =	vld [tilespmem:s17+$0xFFFFFFD0];
	s28 =	sshrl.u32 s10, $0x3;
	s23 =	sand.u32 $0xFFFFFC00, s21;
	s22 =	sand.u32 $0xFFFFFC00, s22  }
0x4b: {  	[tilespmem:s18+$0x1040 ss:$0x41] =	vst.msk $0xffff, v4;
	v58 =	vld [tilespmem:s17+$0xFFFFFFE0];
	s21 =	sand.u32 $0x380, s21;
	s19 =	sadd.s32 s20, s19;
	s22 =	sadd.s32 s22, s23  }
0x4c: {  	v59 =	vld [tilespmem:s17+$0xFFFFFFF0];
	[tilespmem:s18+$0x1450 ss:$0x41] =	vst.msk $0xffff, v3;
	s29 =	sor.u32 s21, s22;
	s21 =	smov.u32 s9;
	s22 =	sand.u32 s30, s9  }
0x4d: {  	v60 =	vld [tilespmem:s17+$0x0];
	[tilespmem:s18+$0x1860 ss:$0x41] =	vst.msk $0xffff, v2;
	s30 =	sand.u32 $0x7, s10;
	s20 =	sshrl.u32 s29, $0x7;
	s21 =	simm.s32 @!p1 $0xF41C0  }
0x4e: {  	v61 =	vld [tilespmem:s17+$0x10];
	[tilespmem:s18+$0x0 ss:$0x41] =	vst.msk $0xffff, v1;
	p1 =	sgt.s32 s10, $0x40;
	s24 =	ssub.s32 s21, s22;
	s21 =	smov.u32 s10  }
0x4f: {  	v62 =	vld [tilespmem:s17+$0x20];
	[tilespmem:s19+$0x1C70 ss:$0x41] =	vst.msk $0xffff, v0;
	s31 =	smulhi.u32 $0x218DEF5, s20;
	s22 =	sand.u32 s25, s10;
	s21 =	simm.s32 @!p1 $0x40  }
0x50: {  	v63 =	vld [tilespmem:s17+$0xFFFFFFC0];
	[tilespmem:s19+$0x410 ss:$0x41] =	vst.msk $0xffff, v5;
	s26 =	sadd.s32 $0xFFF0BE40, s24;
	s17 =	ssub.s32 $0xF4240, s24;
	s21 =	ssub.s32 s21, s22  }
0x51: {  	[tilespmem:s19+$0x820 ss:$0x41] =	vst.msk $0xffff, v58;
	s23 =	sshrl.u32 s31, $0xD;
	p1 =	sgt.s32 s26, $0x7F;
	s27 =	sadd.s32 $0xFFFFFFC0, s21  }
0x52: {  	[tilespmem:s19+$0xC30 ss:$0x41] =	vst.msk $0xffff, v59;
	s23 =	smul.u32 $0xF4240, s23;
	s18 =	ssub.s32 $0x80, s21;
	p2 =	sgt.s32 s27, $0x3F  }
.Ltmp4:
0x53: {  	[tilespmem:s19+$0x1040 ss:$0x41] =	vst.msk $0xffff, v60;
	s17 =	simm.s32 @p1 $0x0;
	s18 =	simm.s32 @p2 $0x0;
	(pc) =	sbr.rel .LBB1_5-.Ltmp4, $4  }
0x54: {  	s29 =	sand.u32 $0xF, s28;
	[tilespmem:s19+$0x1450 ss:$0x41] =	vst.msk $0xffff, v61;
	s20 =	ssub.s32 s20, s23;
	s17 =	smul.u32 s18, s17  }
0x55: {  	[tilespmem:s19+$0x1860 ss:$0x41] =	vst.msk $0xffff, v62;
	s21 =	sshll.u32 s30, $0x12;
	s20 =	sshll.u32 s20, $0x4;
	s18 =	sadd.s32 s5, s29  }
0x56: {  	[tilespmem:s19+$0x0 ss:$0x41] =	vst.msk $0xffff, v63;
	s31 =	sor.u32 $0x40, s21;
	s18 =	sadd.s32 s20, s18;
	s17 =	sand.u32 $0x3FFFFFFF, s17  }
0x57: {  	[hbm4b:s18+s31] =	stream.strided.scatter [tilespmem:s16], [sflag:$0x2], s17, s8, s31, $0x18;
	[tilespmem:$0x8100] =	vst v63  }
.LBB1_6:
0x58: {  	_ =	sfence.sel $0x180000  }
0x59: {  	s2 =	simm.s32 $0x1;
	[bflag:$0x0] =	sbarrier.arrive $0xFFFF  }
0x5a: {  	s31 =	simm.s32 $0x2;
	[sflag:s2] =	ssyncpa.u1 $0x1  }
0x5b: {  	[sflag:s31] =	ssyncpa.u1 $0x1  }
0x5c: {  	p0 =	sne.s32 s1, $0x0;
	_ =	strace $0x90000050  }
0x5d: {  	s0 =	sadd.s32 @!p0 $0x100000, s0;
	[bflag:$0x2] =	sbarrier.arrive $0xFFFF  }
0x5e: {  	[sflag:s0] =	ssyncadd.tile.s32 @!p0 $0x1;
	_ =	shalt  }
.Lfunc_end1:
_tile_overlayer_lowered:
.L_overlay_start_2:
0x5f: {  	(tag) =	ssettag $0x2  }
0x60: {  	s0 =	rddreg [dreg:$0x0];
	s2 =	stileid.u32  }
0x61: {  	s1 =	rddreg [dreg:$0x1];
	p0 =	sne.s32 s2, $0x0  }
0x62: {  	s3 =	rddreg [dreg:$0x2];
	[bflag:$0x3] =	sbarrier.arrive $0xFFFF;
	s2 =	simm.s32 @!p0 $0x1C01  }
0x63: {  	[timem:s3], [sflag:s2] =	dma.local @!p0 [hbm:s0], s1  }
0x64: {  	s0 =	simm.s32 @!p0 $0x1  }
0x65: {  	_ =	swait.ge @!p0 [sflag:s0], s1  }
0x66: {  	s1 =	ssub.s32 @!p0 $0x0, s1;
	[sflag:s0] =	ssyncset.done @!p0 $0x0  }
0x67: {  	[sflag:s0] =	ssyncadd.s32 @!p0 s1  }
0x68: {  	[bflag:$0x3] =	sbarrier.arrive $0xFFFF  }
0x69: {  	_ =	shalt  }

// kernel: sparse-core-data-format-call.2.cloned.1.call-start
scs
called_computation.2_lowered:
.L_overlay_start_0:
0x0: {  	s2 =	sld [smem:$0x3FD9]  }
0x1: {  	s3 =	sld [smem:$0x3FFE];
	_ =	sdelay $0x1  }
0x2: {  	s1 =	srdreg.scid  }
0x3: {  	s0 =	sand.u32 $0x1, s1  }
0x4: {  	s18 =	sshll.u32 s0, $0xA;
	s2 =	sadd.s32 s3, s2  }
0x5: {  	s2 =	sadd.s32 s2, s18  }
0x6: {  	[smem:$0x3FB4] =	sst s2  }
0x7: {  	_ = 	snop  }
0x8: {  	s19 =	sld [smem:$0x3FC7];
	(tm) =	ssettm $0x1  }
0x9: {  	s20 =	sld [smem:$0x3FFB];
	_ =	sdelay $0x3  }
0xa: {  	_ =	strace s20  }
0xb: {  	s2 =	sld [smem:$0x3FFC];
	_ =	sdelay $0x3  }
0xc: {  	_ =	strace s2  }
0xd: {  	s2 =	sld [smem:$0x3FFD];
	_ =	sdelay $0x3  }
0xe: {  	_ =	strace s2  }
0xf: {  	_ =	strace $0x8FFFFFFF  }
0x10: {  	s21 =	sld [smem:$0x3FDB];
	_ =	sdelay $0x1  }
0x11: {  	s4 =	simm.s32 $_scs_section_size  }
0x12: {  	s5 =	simm.s32 $_size__tile_overlayer_lowered;
	s6 =	simm.s32 $_tile_overlayer_lowered  }
0x13: {  	s7 =	simm.s32 $0x1BFF;
	s22 =	sshll.u32 s6, $0x1;
	s4 =	sadd.s32 s4, s21  }
0x14: {  	s23 =	simm.s32 $0x0;
	s5 =	sshll.u32 s5, $0x1;
	s6 =	sadd.s32 s22, s4  }
0x15: {  	[timem:s23], [sflag:s7] =	dma.local [hbm:s6], s5  }
0x16: {  	_ =	swait.ge [sflag:s7], s5  }
0x17: {  	s5 =	ssub.s32 $0x0, s5;
	[sflag:s7] =	ssyncset.done $0x0  }
0x18: {  	[sflag:s7] =	ssyncadd.s32 s5;
	_ =	sdelay $0x1  }
0x19: {  	s24 =	simm.s32 $0x1B8B  }
0x1a: {  	_ =	swait.ge [sflag:s24], $0x1  }
0x1b: {  	[sflag:s24] =	ssyncset.done $0x0  }
0x1c: {  	[sflag:s24] =	ssyncadd.s32 $0xFFFFFFFF  }
0x1d: {  	s5 =	sld [smem:$0x0]  }
0x1e: {  	s6 =	sand.u32 $0xFFFFFFFE, s1  }
0x1f: {  	p0 =	sne.s32 s1, s6  }
0x20: {  	s6 =	sshll.u32 @p0 s6, $0xE  }
0x21: {  	s6 =	sadd.s32 @p0 $0x11B8D, s6;
	s7 =	sshll.u32 @p0 s5, $0x11  }
0x22: {  	s6 =	sor.u32 @p0 s7, s6  }
0x23: {  	[sflag:s6] =	ssyncadd.remote.s32 @p0 $0x1;
	_ =	sdelay $0x1  }
0x24: {  	s6 =	simm.s32 @p0 $0x1B8D  }
0x25: {  	_ =	swait.eq @p0 [sflag:s6], $0x1  }
0x26: {  	[sflag:s6] =	ssyncadd.s32 @p0 $0xFFFFFFFF  }
0x27: {  	s7 =	sshll.u32 @!p0 s1, $0xE  }
0x28: {  	s7 =	sor.u32 @!p0 $0x4000, s7;
	s6 =	simm.s32 @!p0 $0x1B8D  }
0x29: {  	s5 =	sshll.u32 @!p0 s5, $0x11;
	s7 =	sadd.s32 @!p0 $0x11B8D, s7;
	_ =	swait.eq @!p0 [sflag:s6], $0x1  }
0x2a: {  	s5 =	sor.u32 @!p0 s5, s7;
	[sflag:s6] =	ssyncadd.s32 @!p0 $0xFFFFFFFF  }
0x2b: {  	s26 =	simm.s32 $0x1B8E;
	s25 =	sld [smem:$0x3FFE];
	[sflag:s5] =	ssyncadd.remote.s32 @!p0 $0x1  }
0x2c: {  	s27 =	simm.s32 $execute0_lowered;
	[smem:$0x3FD2] =	sst s26  }
0x2d: {  	s6 =	sshll.u32 s27, $0x1;
	_ =	strace $0x8000004C;
	[dreg:$0x1] =	wrdreg $0xFFFFFFFF  }
0x2e: {  	s28 =	simm.s32 $_size_execute0_lowered;
	s4 =	sadd.s32 s4, s6;
	[dreg:$0x0] =	wrdreg $0x0  }
0x2f: {  	s6 =	sshll.u32 s28, $0x1;
	[dreg:$0x2] =	wrdreg s4  }
0x30: {  	[dreg:$0x3] =	wrdreg s6  }
0x31: {  	[dreg:$0x4] =	wrdreg $0xC0  }
0x32: {  	_ =	task [dreg:s23], $0x5FFFF  }
0x33: {  	[dreg:$0x1] =	wrdreg $0xFFFFFFFF  }
0x34: {  	[dreg:$0x0] =	wrdreg $0x60  }
0x35: {  	[dreg:$0x2] =	wrdreg s19  }
0x36: {  	[dreg:$0x3] =	wrdreg s25  }
0x37: {  	[dreg:$0x4] =	wrdreg $0xB  }
0x38: {  	_ =	task.clear_ibuf [dreg:s23], $0x5FFFF;
	_ =	strace $0x9000004C  }
0x39: {  	s29 =	simm.s32 $0xB;
	_ =	strace $0x8000004E  }
0x3a: {  	_ =	swait.ge [sflag:s29], $0x1  }
0x3b: {  	[sflag:s29] =	ssyncadd.s32 $0xFFFFFFFF  }
0x3c: {  	_ =	strace $0x9000004E  }
0x3d: {  	_ =	sfence  }
0x3e: {  	s30 =	sld [smem:$0x0];
	_ =	sdelay $0x2  }
0x3f: {  	s31 =	sshll.u32 s1, $0xD;
	s1 =	sshrl.u32 s1, $0x2  }
0x40: {  	s4 =	sand.u32 $0x4000, s31;
	s1 =	sadd.s32 s1, s30  }
0x41: {  	s0 =	sor.u32 s4, s0;
	s1 =	sshll.u32 s1, $0x11  }
0x42: {  	s0 =	sor.u32 s1, s0  }
0x43: {  	s0 =	sadd.s32 $0x8F2B, s0  }
0x44: {  	[sflag:s0] =	ssyncadd.remote.s32 $0x1  }
0x45: {  	_ =	sfence.sel $0xFFFF  }
0x46: {  	[dreg:$0x0] =	wrdreg $0xFFFFFFFF;
	(pc) =	sbr.abs _section_cstart, $3  }
0x47: {  	[dreg:$0x1] =	wrdreg $0xFFFFFFFF  }
0x48: {  	_ =	task.clear_ibuf [dreg:s23], $0x2FFFF;
	_ =	strace $0x9FFFFFFF  }
0x49: {  	(tm) =	ssettm $0x7FFFFFFF  }
tec
execute0_lowered:
.L_overlay_start_1:
0x0: {  	(tag) =	ssettag $0x1  }
0x1: {  	s0 =	srdreg.scid;
	s2 =	rddreg [dreg:$0x0]  }
0x2: {  	s5 =	rddreg [dreg:$0x1];
	s1 =	stileid.u32  }
0x3: {  	s4 =	simm.s32 $0x1;
	s6 =	simm.s32 $0x2;
	s15 =	simm.s32 $0x0  }
0x4: {  	p0 =	por $0x0, $0x0;
	s8 =	simm.s32 $0x80;
	s0 =	sshll.u32 s0, $0x4  }
0x5: {  	s14 =	simm.s32 $0x0;
	s9 =	simm.s32 $0x0;
	s3 =	sand.u32 $0x10, s0  }
.Ltmp0:
0x6: {  	s10 =	simm.s32 $0x0;
	s3 =	sor.u32 s1, s3;
	(pc) =	sbr.rel .LBB1_1-.Ltmp0, $4  }
0x7: {  	s0 =	rddreg [dreg:$0x2];
	_ =	strace $0x8000004D;
	s3 =	sshll.u32 s3, $0x7  }
0x8: {  	s12 =	simm.s32 $0x0;
	[sflag:s4] =	ssyncpa.u1 $0x0;
	s7 =	ssub.s32 $0xF4200, s3  }
0x9: {  	s13 =	simm.s32 $0x0;
	[sflag:s6] =	ssyncpa.u1 $0x0;
	s6 =	sshrl.u32 s7, $0xC  }
0xa: {  	s5 =	sadd.s32 $0x1E88C00, s5;
	s11 =	smov.u32 s3;
	s7 =	sadd.s32 $0x2, s6  }
.LBB1_5:
0xb: {  	p1 =	slt.u32 s13, $0x2  }
0xc: {  	s17 =	smov.u32 s15;
	p2 =	sgt.s32 @!p1 s15, $0xF41C0;
	s16 =	sshra.s32 @!p1 s15, $0x1F  }
0xd: {  	p3 =	sgt.s32 @!p1 s14, $0x40;
	s18 =	sshra.s32 @!p1 s14, $0x1F;
	p2 =	por !p2, p1  }
0xe: {  	s15 =	sand.u32 @!p1 s16, s15;
	p3 =	por !p3, p1;
	s16 =	smov.u32 s14  }
0xf: {  	s14 =	sand.u32 @!p1 s18, s14;
	s17 =	simm.s32 @p2 $0xF41C0;
	s16 =	simm.s32 @p3 $0x40  }
0x10: {  	s15 =	ssub.s32 @!p1 s17, s15;
	s14 =	ssub.s32 @!p1 s16, s14  }
0x11: {  	s18 =	smov.u32 s12;
	s16 =	sadd.s32 @!p1 $0xFFF0BE40, s15;
	s17 =	sadd.s32 @!p1 $0xFFFFFFC0, s14  }
0x12: {  	s15 =	ssub.s32 @!p1 $0xF4240, s15;
	p2 =	sgt.s32 @!p1 s16, $0x7F;
	p3 =	sgt.s32 @!p1 s17, $0x3F  }
0x13: {  	s14 =	ssub.s32 @!p1 $0x80, s14;
	p2 =	por !p2, p1;
	p3 =	por !p3, p1  }
0x14: {  	s16 =	sadd.s32 $0x1000, s11;
	s15 =	simm.s32 @!p2 $0x0;
	s14 =	simm.s32 @!p3 $0x0  }
0x15: {  	p2 =	sgt.s32 s16, $0xF423F;
	s14 =	smul.u32 @!p1 s14, s15;
	s15 =	sadd.s32 $0x40, s12  }
0x16: {  	s18 =	smov.u32 @p2 s15  }
0x17: {  	s16 =	smov.u32 @p2 s3;
	p2 =	sgt.s32 s18, $0x3F  }
0x18: {  	s18 =	simm.s32 @p2 $0x0;
	p2 =	sne.s32 s13, s7  }
.Ltmp1:
0x19: {  	p0 =	por !p0, !p0;
	s17 =	simm.s32 @!p1 $0x2;
	(pc) =	sbr.rel @!p2 .LBB1_6-.Ltmp1, $4  }
0x1a: {  	s15 =	smov.u32 s9;
	s9 =	smov.u32 s11;
	s14 =	sand.u32 @!p1 $0x3FFFFFFF, s14  }
0x1b: {  	s11 =	smov.u32 s16;
	_ =	swait.ge @!p1 [sflag:s17], s14;
	s19 =	ssub.s32 @!p1 $0x0, s14  }
0x1c: {  	s14 =	smov.u32 s10;
	s13 =	sadd.s32 $0x1, s13;
	[sflag:s17] =	ssyncset.done @!p1 $0x0  }
0x1d: {  	s10 =	smov.u32 s12;
	s12 =	smov.u32 s18;
	[sflag:s17] =	ssyncadd.s32 @!p1 s19  }
.LBB1_1:
0x1e: {  	p1 =	sgt.u32 s13, s6  }
0x1f: {  	s16 =	sshrl.u32 @!p1 s12, $0x3  }
0x20: {  	s17 =	sshll.u32 @!p1 s11, $0x3;
	s16 =	smul.u32 @!p1 $0x7A1400, s16  }
0x21: {  	s18 =	sshll.u32 @!p1 s12, $0x7;
	s17 =	sand.u32 @!p1 $0xFFFFFC00, s17  }
0x22: {  	s16 =	sadd.s32 @!p1 s16, s17;
	s17 =	sand.u32 @!p1 $0x380, s18  }
0x23: {  	s18 =	sand.u32 @!p1 $0x7F, s11;
	s16 =	sor.u32 @!p1 s17, s16  }
0x24: {  	s17 =	sor.u32 @!p1 s18, s16  }
0x25: {  	s18 =	smulhi.u32 @!p1 $0x218D6287, s17;
	_ =	sdelay $0x1  }
0x26: {  	s16 =	smulhi.u32 @!p1 $0x218D6287, s16;
	s18 =	sshrl.u32 @!p1 s18, $0x11  }
0x27: {  	s18 =	smul.u32 @!p1 $0xF4280, s18  }
0x28: {  	s19 =	sxor.u32 @!p1 $0xFFFFFFFF, s13;
	s16 =	sshrl.u32 @!p1 s16, $0x11  }
0x29: {  	s19 =	sshll.u32 @!p1 s19, $0xD;
	s16 =	sand.u32 @!p1 $0x3F, s16;
	s17 =	ssub.s32 @!p1 s17, s18  }
0x2a: {  	s16 =	smul.u32 @!p1 $0x1E850, s16;
	s18 =	sshrl.u32 @!p1 s17, $0x3;
	s17 =	sand.u32 @!p1 $0x7, s17  }
0x2b: {  	s19 =	sand.u32 @!p1 $0x2000, s19;
	s18 =	sadd.s32 @!p1 s2, s18;
	s17 =	sshll.u32 @!p1 s17, $0x12  }
0x2c: {  	s16 =	sadd.s32 @!p1 s16, s18;
	s17 =	sor.u32 @!p1 $0x400, s17;
	s18 =	simm.s32 @!p1 $0x7A1400  }
0x2d: {  	[tilespmem:s19], [sflag:$0x1] =	stream.strided.gather @!p1 [hbm4b:s16+s17], $0x2000, s18, s17, $0x38;
	[tilespmem:$0x8100] =	vst v63  }
0x2e: {  	p1 =	seq.s32 s13, $0x0  }
0x2f: {  	p2 =	sge.u32 @!p1 s13, s7  }
0x30: {  	p1 =	por p1, p2  }
.Ltmp2:
0x31: {  	_ = 	snop;
	(pc) =	sbr.rel @p1 .LBB1_5-.Ltmp2, $1  }
0x32: {  	_ =	sdelay $0x3  }
0x33: {  	s16 =	simm.s32 $0x1  }
0x34: {  	_ =	swait.ge [sflag:s4], $0x2000;
	s16 =	simm.s32 @!p0 $0x0  }
0x35: {  	[sflag:s4] =	ssyncset.done $0x0;
	s17 =	sshll.u32 s16, $0xD  }
0x36: {  	[sflag:s4] =	ssyncadd.s32 $0xFFFFE000;
	s17 =	sor.u32 $0x40, s17  }
0x37: {  	s16 =	smul.u32 $0x8200, s16;
	v0 =	vld [tilespmem:s17+$0x30]  }
0x38: {  	v1 =	vld [tilespmem:s17+$0xFFFFFFD0]  }
0x39: {  	s16 =	sshrl.u32 s16, $0x2;
	v5 =	vld [tilespmem:s17+$0xFFFFFFE0]  }
0x3a: {  	v6 =	vld [tilespmem:s17+$0xFFFFFFF0];
	s19 =	sor.u32 $0x4000, s16  }
0x3b: {  	s31 =	sand.u32 $0x1, s13;
	v4 =	vld [tilespmem:s17+$0x0];
	s18 =	sadd.s32 $0x0, s19  }
0x3c: {  	v3 =	vld [tilespmem:s17+$0x10];
	s16 =	smul.u32 $0x8200, s31;
	[tilespmem:s18+$0x1C70 ss:$0x41] =	vst.msk $0xffff, v0  }
0x3d: {  	v2 =	vld [tilespmem:s17+$0x20];
	[tilespmem:s18+$0x410 ss:$0x41] =	vst.msk $0xffff, v1  }
0x3e: {  	s16 =	sshrl.u32 s16, $0x2;
	v1 =	vld [tilespmem:s17+$0xFFFFFFC0];
	[tilespmem:s18+$0x820 ss:$0x41] =	vst.msk $0xffff, v5;
	s17 =	sadd.s32 $0x80, s17  }
0x3f: {  	s20 =	simm.s32 $0x4;
	s21 =	simm.s32 $0x8;
	s16 =	sor.u32 $0x4000, s16;
	[tilespmem:s18+$0xC30 ss:$0x41] =	vst.msk $0xffff, v6;
	v0 =	vld [tilespmem:s17+$0x30]  }
.LBB1_3:
0x40: {  	p1 =	sne.s32 s21, $0xFC;
	v5 =	vld [tilespmem:s17+$0xFFFFFFD0];
	[tilespmem:s18+$0x1040 ss:$0x41] =	vst.msk $0xffff, v4  }
0x41: {  	v6 =	vld [tilespmem:s17+$0xFFFFFFE0];
	[tilespmem:s18+$0x1450 ss:$0x41] =	vst.msk $0xffff, v3  }
0x42: {  	s22 =	sshra.s32 s20, $0x2;
	s20 =	smov.u32 s21;
	v7 =	vld [tilespmem:s17+$0xFFFFFFF0];
	[tilespmem:s18+$0x1860 ss:$0x41] =	vst.msk $0xffff, v2  }
.Ltmp3:
0x43: {  	v4 =	vld [tilespmem:s17+$0x0];
	[tilespmem:s18+$0x0 ss:$0x41] =	vst.msk $0xffff, v1;
	s18 =	sadd.s32 s22, s19;
	(pc) =	sbr.rel @p1 .LBB1_3-.Ltmp3, $4  }
0x44: {  	v3 =	vld [tilespmem:s17+$0x10];
	[tilespmem:s18+$0x1C70 ss:$0x41] =	vst.msk $0xffff, v0  }
0x45: {  	[tilespmem:s18+$0x410 ss:$0x41] =	vst.msk $0xffff, v5;
	v2 =	vld [tilespmem:s17+$0x20]  }
0x46: {  	v1 =	vld [tilespmem:s17+$0xFFFFFFC0];
	[tilespmem:s18+$0x820 ss:$0x41] =	vst.msk $0xffff, v6;
	s17 =	sadd.s32 $0x80, s17  }
0x47: {  	s21 =	sadd.s32 $0x4, s21;
	v0 =	vld [tilespmem:s17+$0x30];
	[tilespmem:s18+$0xC30 ss:$0x41] =	vst.msk $0xffff, v7  }
0x48: {  	s21 =	sshll.u32 s9, $0x7;
	s22 =	sshll.u32 s10, $0x3;
	s20 =	sshra.s32 s20, $0x2  }
0x49: {  	p1 =	sgt.s32 s9, $0xF41C0;
	s30 =	sshra.s32 s9, $0x1F;
	s25 =	sshra.s32 s10, $0x1F  }
0x4a: {  	v5 =	vld [tilespmem:s17+$0xFFFFFFD0];
	s28 =	sshrl.u32 s10, $0x3;
	s23 =	sand.u32 $0xFFFFFC00, s21;
	s22 =	sand.u32 $0xFFFFFC00, s22  }
0x4b: {  	[tilespmem:s18+$0x1040 ss:$0x41] =	vst.msk $0xffff, v4;
	v58 =	vld [tilespmem:s17+$0xFFFFFFE0];
	s21 =	sand.u32 $0x380, s21;
	s19 =	sadd.s32 s20, s19;
	s22 =	sadd.s32 s22, s23  }
0x4c: {  	v59 =	vld [tilespmem:s17+$0xFFFFFFF0];
	[tilespmem:s18+$0x1450 ss:$0x41] =	vst.msk $0xffff, v3;
	s29 =	sor.u32 s21, s22;
	s21 =	smov.u32 s9;
	s22 =	sand.u32 s30, s9  }
0x4d: {  	v60 =	vld [tilespmem:s17+$0x0];
	[tilespmem:s18+$0x1860 ss:$0x41] =	vst.msk $0xffff, v2;
	s30 =	sand.u32 $0x7, s10;
	s20 =	sshrl.u32 s29, $0x7;
	s21 =	simm.s32 @!p1 $0xF41C0  }
0x4e: {  	v61 =	vld [tilespmem:s17+$0x10];
	[tilespmem:s18+$0x0 ss:$0x41] =	vst.msk $0xffff, v1;
	p1 =	sgt.s32 s10, $0x40;
	s24 =	ssub.s32 s21, s22;
	s21 =	smov.u32 s10  }
0x4f: {  	v62 =	vld [tilespmem:s17+$0x20];
	[tilespmem:s19+$0x1C70 ss:$0x41] =	vst.msk $0xffff, v0;
	s31 =	smulhi.u32 $0x218DEF5, s20;
	s22 =	sand.u32 s25, s10;
	s21 =	simm.s32 @!p1 $0x40  }
0x50: {  	v63 =	vld [tilespmem:s17+$0xFFFFFFC0];
	[tilespmem:s19+$0x410 ss:$0x41] =	vst.msk $0xffff, v5;
	s26 =	sadd.s32 $0xFFF0BE40, s24;
	s17 =	ssub.s32 $0xF4240, s24;
	s21 =	ssub.s32 s21, s22  }
0x51: {  	[tilespmem:s19+$0x820 ss:$0x41] =	vst.msk $0xffff, v58;
	s23 =	sshrl.u32 s31, $0xD;
	p1 =	sgt.s32 s26, $0x7F;
	s27 =	sadd.s32 $0xFFFFFFC0, s21  }
0x52: {  	[tilespmem:s19+$0xC30 ss:$0x41] =	vst.msk $0xffff, v59;
	s23 =	smul.u32 $0xF4240, s23;
	s18 =	ssub.s32 $0x80, s21;
	p2 =	sgt.s32 s27, $0x3F  }
.Ltmp4:
0x53: {  	[tilespmem:s19+$0x1040 ss:$0x41] =	vst.msk $0xffff, v60;
	s17 =	simm.s32 @p1 $0x0;
	s18 =	simm.s32 @p2 $0x0;
	(pc) =	sbr.rel .LBB1_5-.Ltmp4, $4  }
0x54: {  	s29 =	sand.u32 $0xF, s28;
	[tilespmem:s19+$0x1450 ss:$0x41] =	vst.msk $0xffff, v61;
	s20 =	ssub.s32 s20, s23;
	s17 =	smul.u32 s18, s17  }
0x55: {  	[tilespmem:s19+$0x1860 ss:$0x41] =	vst.msk $0xffff, v62;
	s21 =	sshll.u32 s30, $0x12;
	s20 =	sshll.u32 s20, $0x4;
	s18 =	sadd.s32 s5, s29  }
0x56: {  	[tilespmem:s19+$0x0 ss:$0x41] =	vst.msk $0xffff, v63;
	s31 =	sor.u32 $0x40, s21;
	s18 =	sadd.s32 s20, s18;
	s17 =	sand.u32 $0x3FFFFFFF, s17  }
0x57: {  	[hbm4b:s18+s31] =	stream.strided.scatter [tilespmem:s16], [sflag:$0x2], s17, s8, s31, $0x18;
	[tilespmem:$0x8100] =	vst v63  }
.LBB1_6:
0x58: {  	_ =	sfence.sel $0x180000  }
0x59: {  	s2 =	simm.s32 $0x1;
	[bflag:$0x0] =	sbarrier.arrive $0xFFFF  }
0x5a: {  	s31 =	simm.s32 $0x2;
	[sflag:s2] =	ssyncpa.u1 $0x1  }
0x5b: {  	[sflag:s31] =	ssyncpa.u1 $0x1  }
0x5c: {  	p0 =	sne.s32 s1, $0x0;
	_ =	strace $0x9000004D  }
0x5d: {  	s0 =	sadd.s32 @!p0 $0x100000, s0;
	[bflag:$0x2] =	sbarrier.arrive $0xFFFF  }
0x5e: {  	[sflag:s0] =	ssyncadd.tile.s32 @!p0 $0x1;
	_ =	shalt  }
.Lfunc_end1:
_tile_overlayer_lowered:
.L_overlay_start_2:
0x5f: {  	(tag) =	ssettag $0x2  }
0x60: {  	s0 =	rddreg [dreg:$0x0];
	s2 =	stileid.u32  }
0x61: {  	s1 =	rddreg [dreg:$0x1];
	p0 =	sne.s32 s2, $0x0  }
0x62: {  	s3 =	rddreg [dreg:$0x2];
	[bflag:$0x3] =	sbarrier.arrive $0xFFFF;
	s2 =	simm.s32 @!p0 $0x1C01  }
0x63: {  	[timem:s3], [sflag:s2] =	dma.local @!p0 [hbm:s0], s1  }
0x64: {  	s0 =	simm.s32 @!p0 $0x1  }
0x65: {  	_ =	swait.ge @!p0 [sflag:s0], s1  }
0x66: {  	s1 =	ssub.s32 @!p0 $0x0, s1;
	[sflag:s0] =	ssyncset.done @!p0 $0x0  }
0x67: {  	[sflag:s0] =	ssyncadd.s32 @!p0 s1  }
0x68: {  	[bflag:$0x3] =	sbarrier.arrive $0xFFFF  }
0x69: {  	_ =	shalt  }

// kernel: sparse-core-data-format-call.3.cloned.1.call-start
scs
called_computation.3_lowered:
.L_overlay_start_0:
0x0: {  	s2 =	sld [smem:$0x3FD9]  }
0x1: {  	s3 =	sld [smem:$0x3FFE];
	_ =	sdelay $0x1  }
0x2: {  	s1 =	srdreg.scid  }
0x3: {  	s0 =	sand.u32 $0x1, s1  }
0x4: {  	s18 =	sshll.u32 s0, $0xA;
	s2 =	sadd.s32 s3, s2  }
0x5: {  	s2 =	sadd.s32 s2, s18  }
0x6: {  	[smem:$0x3FB4] =	sst s2  }
0x7: {  	_ = 	snop  }
0x8: {  	s19 =	sld [smem:$0x3FC6];
	(tm) =	ssettm $0x1  }
0x9: {  	s20 =	sld [smem:$0x3FFB];
	_ =	sdelay $0x3  }
0xa: {  	_ =	strace s20  }
0xb: {  	s2 =	sld [smem:$0x3FFC];
	_ =	sdelay $0x3  }
0xc: {  	_ =	strace s2  }
0xd: {  	s2 =	sld [smem:$0x3FFD];
	_ =	sdelay $0x3  }
0xe: {  	_ =	strace s2  }
0xf: {  	_ =	strace $0x8FFFFFFF  }
0x10: {  	s21 =	sld [smem:$0x3FDB];
	_ =	sdelay $0x1  }
0x11: {  	s4 =	simm.s32 $_scs_section_size  }
0x12: {  	s5 =	simm.s32 $_size__tile_overlayer_lowered;
	s6 =	simm.s32 $_tile_overlayer_lowered  }
0x13: {  	s7 =	simm.s32 $0x1BFF;
	s22 =	sshll.u32 s6, $0x1;
	s4 =	sadd.s32 s4, s21  }
0x14: {  	s23 =	simm.s32 $0x0;
	s5 =	sshll.u32 s5, $0x1;
	s6 =	sadd.s32 s22, s4  }
0x15: {  	[timem:s23], [sflag:s7] =	dma.local [hbm:s6], s5  }
0x16: {  	_ =	swait.ge [sflag:s7], s5  }
0x17: {  	s5 =	ssub.s32 $0x0, s5;
	[sflag:s7] =	ssyncset.done $0x0  }
0x18: {  	[sflag:s7] =	ssyncadd.s32 s5;
	_ =	sdelay $0x1  }
0x19: {  	s24 =	simm.s32 $0x1B8B  }
0x1a: {  	_ =	swait.ge [sflag:s24], $0x1  }
0x1b: {  	[sflag:s24] =	ssyncset.done $0x0  }
0x1c: {  	[sflag:s24] =	ssyncadd.s32 $0xFFFFFFFF  }
0x1d: {  	s5 =	sld [smem:$0x0]  }
0x1e: {  	s6 =	sand.u32 $0xFFFFFFFE, s1  }
0x1f: {  	p0 =	sne.s32 s1, s6  }
0x20: {  	s6 =	sshll.u32 @p0 s6, $0xE  }
0x21: {  	s6 =	sadd.s32 @p0 $0x11B8D, s6;
	s7 =	sshll.u32 @p0 s5, $0x11  }
0x22: {  	s6 =	sor.u32 @p0 s7, s6  }
0x23: {  	[sflag:s6] =	ssyncadd.remote.s32 @p0 $0x1;
	_ =	sdelay $0x1  }
0x24: {  	s6 =	simm.s32 @p0 $0x1B8D  }
0x25: {  	_ =	swait.eq @p0 [sflag:s6], $0x1  }
0x26: {  	[sflag:s6] =	ssyncadd.s32 @p0 $0xFFFFFFFF  }
0x27: {  	s7 =	sshll.u32 @!p0 s1, $0xE  }
0x28: {  	s7 =	sor.u32 @!p0 $0x4000, s7;
	s6 =	simm.s32 @!p0 $0x1B8D  }
0x29: {  	s5 =	sshll.u32 @!p0 s5, $0x11;
	s7 =	sadd.s32 @!p0 $0x11B8D, s7;
	_ =	swait.eq @!p0 [sflag:s6], $0x1  }
0x2a: {  	s5 =	sor.u32 @!p0 s5, s7;
	[sflag:s6] =	ssyncadd.s32 @!p0 $0xFFFFFFFF  }
0x2b: {  	s26 =	simm.s32 $0x1B8E;
	s25 =	sld [smem:$0x3FFE];
	[sflag:s5] =	ssyncadd.remote.s32 @!p0 $0x1  }
0x2c: {  	s27 =	simm.s32 $execute0_lowered;
	[smem:$0x3FD2] =	sst s26  }
0x2d: {  	s6 =	sshll.u32 s27, $0x1;
	_ =	strace $0x80000049;
	[dreg:$0x1] =	wrdreg $0xFFFFFFFF  }
0x2e: {  	s28 =	simm.s32 $_size_execute0_lowered;
	s4 =	sadd.s32 s4, s6;
	[dreg:$0x0] =	wrdreg $0x0  }
0x2f: {  	s6 =	sshll.u32 s28, $0x1;
	[dreg:$0x2] =	wrdreg s4  }
0x30: {  	[dreg:$0x3] =	wrdreg s6  }
0x31: {  	[dreg:$0x4] =	wrdreg $0xC0  }
0x32: {  	_ =	task [dreg:s23], $0x5FFFF  }
0x33: {  	[dreg:$0x1] =	wrdreg $0xFFFFFFFF  }
0x34: {  	[dreg:$0x0] =	wrdreg $0x60  }
0x35: {  	[dreg:$0x2] =	wrdreg s19  }
0x36: {  	[dreg:$0x3] =	wrdreg s25  }
0x37: {  	[dreg:$0x4] =	wrdreg $0xC  }
0x38: {  	_ =	task.clear_ibuf [dreg:s23], $0x5FFFF;
	_ =	strace $0x90000049  }
0x39: {  	s29 =	simm.s32 $0xC;
	_ =	strace $0x8000004B  }
0x3a: {  	_ =	swait.ge [sflag:s29], $0x1  }
0x3b: {  	[sflag:s29] =	ssyncadd.s32 $0xFFFFFFFF  }
0x3c: {  	_ =	strace $0x9000004B  }
0x3d: {  	_ =	sfence  }
0x3e: {  	s30 =	sld [smem:$0x0];
	_ =	sdelay $0x2  }
0x3f: {  	s31 =	sshll.u32 s1, $0xD;
	s1 =	sshrl.u32 s1, $0x2  }
0x40: {  	s4 =	sand.u32 $0x4000, s31;
	s1 =	sadd.s32 s1, s30  }
0x41: {  	s0 =	sor.u32 s4, s0;
	s1 =	sshll.u32 s1, $0x11  }
0x42: {  	s0 =	sor.u32 s1, s0  }
0x43: {  	s0 =	sadd.s32 $0x8F2B, s0  }
0x44: {  	[sflag:s0] =	ssyncadd.remote.s32 $0x1  }
0x45: {  	_ =	sfence.sel $0xFFFF  }
0x46: {  	[dreg:$0x0] =	wrdreg $0xFFFFFFFF;
	(pc) =	sbr.abs _section_cstart, $3  }
0x47: {  	[dreg:$0x1] =	wrdreg $0xFFFFFFFF  }
0x48: {  	_ =	task.clear_ibuf [dreg:s23], $0x2FFFF;
	_ =	strace $0x9FFFFFFF  }
0x49: {  	(tm) =	ssettm $0x7FFFFFFF  }
tec
execute0_lowered:
.L_overlay_start_1:
0x0: {  	(tag) =	ssettag $0x1  }
0x1: {  	s0 =	srdreg.scid;
	s2 =	rddreg [dreg:$0x0]  }
0x2: {  	s5 =	rddreg [dreg:$0x1];
	s1 =	stileid.u32  }
0x3: {  	s4 =	simm.s32 $0x1;
	s6 =	simm.s32 $0x2;
	s15 =	simm.s32 $0x0  }
0x4: {  	p0 =	por $0x0, $0x0;
	s8 =	simm.s32 $0x80;
	s0 =	sshll.u32 s0, $0x4  }
0x5: {  	s14 =	simm.s32 $0x0;
	s9 =	simm.s32 $0x0;
	s3 =	sand.u32 $0x10, s0  }
.Ltmp0:
0x6: {  	s10 =	simm.s32 $0x0;
	s3 =	sor.u32 s1, s3;
	(pc) =	sbr.rel .LBB1_1-.Ltmp0, $4  }
0x7: {  	s0 =	rddreg [dreg:$0x2];
	_ =	strace $0x8000004A;
	s3 =	sshll.u32 s3, $0x7  }
0x8: {  	s12 =	simm.s32 $0x0;
	[sflag:s4] =	ssyncpa.u1 $0x0;
	s7 =	ssub.s32 $0xF4200, s3  }
0x9: {  	s13 =	simm.s32 $0x0;
	[sflag:s6] =	ssyncpa.u1 $0x0;
	s6 =	sshrl.u32 s7, $0xC  }
0xa: {  	s5 =	sadd.s32 $0xF46800, s5;
	s11 =	smov.u32 s3;
	s7 =	sadd.s32 $0x2, s6  }
.LBB1_5:
0xb: {  	p1 =	slt.u32 s13, $0x2  }
0xc: {  	s17 =	smov.u32 s15;
	p2 =	sgt.s32 @!p1 s15, $0xF41C0;
	s16 =	sshra.s32 @!p1 s15, $0x1F  }
0xd: {  	p3 =	sgt.s32 @!p1 s14, $0x40;
	s18 =	sshra.s32 @!p1 s14, $0x1F;
	p2 =	por !p2, p1  }
0xe: {  	s15 =	sand.u32 @!p1 s16, s15;
	p3 =	por !p3, p1;
	s16 =	smov.u32 s14  }
0xf: {  	s14 =	sand.u32 @!p1 s18, s14;
	s17 =	simm.s32 @p2 $0xF41C0;
	s16 =	simm.s32 @p3 $0x40  }
0x10: {  	s15 =	ssub.s32 @!p1 s17, s15;
	s14 =	ssub.s32 @!p1 s16, s14  }
0x11: {  	s18 =	smov.u32 s12;
	s16 =	sadd.s32 @!p1 $0xFFF0BE40, s15;
	s17 =	sadd.s32 @!p1 $0xFFFFFFC0, s14  }
0x12: {  	s15 =	ssub.s32 @!p1 $0xF4240, s15;
	p2 =	sgt.s32 @!p1 s16, $0x7F;
	p3 =	sgt.s32 @!p1 s17, $0x3F  }
0x13: {  	s14 =	ssub.s32 @!p1 $0x80, s14;
	p2 =	por !p2, p1;
	p3 =	por !p3, p1  }
0x14: {  	s16 =	sadd.s32 $0x1000, s11;
	s15 =	simm.s32 @!p2 $0x0;
	s14 =	simm.s32 @!p3 $0x0  }
0x15: {  	p2 =	sgt.s32 s16, $0xF423F;
	s14 =	smul.u32 @!p1 s14, s15;
	s15 =	sadd.s32 $0x40, s12  }
0x16: {  	s18 =	smov.u32 @p2 s15  }
0x17: {  	s16 =	smov.u32 @p2 s3;
	p2 =	sgt.s32 s18, $0x3F  }
0x18: {  	s18 =	simm.s32 @p2 $0x0;
	p2 =	sne.s32 s13, s7  }
.Ltmp1:
0x19: {  	p0 =	por !p0, !p0;
	s17 =	simm.s32 @!p1 $0x2;
	(pc) =	sbr.rel @!p2 .LBB1_6-.Ltmp1, $4  }
0x1a: {  	s15 =	smov.u32 s9;
	s9 =	smov.u32 s11;
	s14 =	sand.u32 @!p1 $0x3FFFFFFF, s14  }
0x1b: {  	s11 =	smov.u32 s16;
	_ =	swait.ge @!p1 [sflag:s17], s14;
	s19 =	ssub.s32 @!p1 $0x0, s14  }
0x1c: {  	s14 =	smov.u32 s10;
	s13 =	sadd.s32 $0x1, s13;
	[sflag:s17] =	ssyncset.done @!p1 $0x0  }
0x1d: {  	s10 =	smov.u32 s12;
	s12 =	smov.u32 s18;
	[sflag:s17] =	ssyncadd.s32 @!p1 s19  }
.LBB1_1:
0x1e: {  	p1 =	sgt.u32 s13, s6  }
0x1f: {  	s16 =	sshrl.u32 @!p1 s12, $0x3  }
0x20: {  	s17 =	sshll.u32 @!p1 s11, $0x3;
	s16 =	smul.u32 @!p1 $0x7A1400, s16  }
0x21: {  	s18 =	sshll.u32 @!p1 s12, $0x7;
	s17 =	sand.u32 @!p1 $0xFFFFFC00, s17  }
0x22: {  	s16 =	sadd.s32 @!p1 s16, s17;
	s17 =	sand.u32 @!p1 $0x380, s18  }
0x23: {  	s18 =	sand.u32 @!p1 $0x7F, s11;
	s16 =	sor.u32 @!p1 s17, s16  }
0x24: {  	s17 =	sor.u32 @!p1 s18, s16  }
0x25: {  	s18 =	smulhi.u32 @!p1 $0x218D6287, s17;
	_ =	sdelay $0x1  }
0x26: {  	s16 =	smulhi.u32 @!p1 $0x218D6287, s16;
	s18 =	sshrl.u32 @!p1 s18, $0x11  }
0x27: {  	s18 =	smul.u32 @!p1 $0xF4280, s18  }
0x28: {  	s19 =	sxor.u32 @!p1 $0xFFFFFFFF, s13;
	s16 =	sshrl.u32 @!p1 s16, $0x11  }
0x29: {  	s19 =	sshll.u32 @!p1 s19, $0xD;
	s16 =	sand.u32 @!p1 $0x3F, s16;
	s17 =	ssub.s32 @!p1 s17, s18  }
0x2a: {  	s16 =	smul.u32 @!p1 $0x1E850, s16;
	s18 =	sshrl.u32 @!p1 s17, $0x3;
	s17 =	sand.u32 @!p1 $0x7, s17  }
0x2b: {  	s19 =	sand.u32 @!p1 $0x2000, s19;
	s18 =	sadd.s32 @!p1 s2, s18;
	s17 =	sshll.u32 @!p1 s17, $0x12  }
0x2c: {  	s16 =	sadd.s32 @!p1 s16, s18;
	s17 =	sor.u32 @!p1 $0x400, s17;
	s18 =	simm.s32 @!p1 $0x7A1400  }
0x2d: {  	[tilespmem:s19], [sflag:$0x1] =	stream.strided.gather @!p1 [hbm4b:s16+s17], $0x2000, s18, s17, $0x38;
	[tilespmem:$0x8100] =	vst v63  }
0x2e: {  	p1 =	seq.s32 s13, $0x0  }
0x2f: {  	p2 =	sge.u32 @!p1 s13, s7  }
0x30: {  	p1 =	por p1, p2  }
.Ltmp2:
0x31: {  	_ = 	snop;
	(pc) =	sbr.rel @p1 .LBB1_5-.Ltmp2, $1  }
0x32: {  	_ =	sdelay $0x3  }
0x33: {  	s16 =	simm.s32 $0x1  }
0x34: {  	_ =	swait.ge [sflag:s4], $0x2000;
	s16 =	simm.s32 @!p0 $0x0  }
0x35: {  	[sflag:s4] =	ssyncset.done $0x0;
	s17 =	sshll.u32 s16, $0xD  }
0x36: {  	[sflag:s4] =	ssyncadd.s32 $0xFFFFE000;
	s17 =	sor.u32 $0x40, s17  }
0x37: {  	s16 =	smul.u32 $0x8200, s16;
	v0 =	vld [tilespmem:s17+$0x30]  }
0x38: {  	v1 =	vld [tilespmem:s17+$0xFFFFFFD0]  }
0x39: {  	s16 =	sshrl.u32 s16, $0x2;
	v5 =	vld [tilespmem:s17+$0xFFFFFFE0]  }
0x3a: {  	v6 =	vld [tilespmem:s17+$0xFFFFFFF0];
	s19 =	sor.u32 $0x4000, s16  }
0x3b: {  	s31 =	sand.u32 $0x1, s13;
	v4 =	vld [tilespmem:s17+$0x0];
	s18 =	sadd.s32 $0x0, s19  }
0x3c: {  	v3 =	vld [tilespmem:s17+$0x10];
	s16 =	smul.u32 $0x8200, s31;
	[tilespmem:s18+$0x1C70 ss:$0x41] =	vst.msk $0xffff, v0  }
0x3d: {  	v2 =	vld [tilespmem:s17+$0x20];
	[tilespmem:s18+$0x410 ss:$0x41] =	vst.msk $0xffff, v1  }
0x3e: {  	s16 =	sshrl.u32 s16, $0x2;
	v1 =	vld [tilespmem:s17+$0xFFFFFFC0];
	[tilespmem:s18+$0x820 ss:$0x41] =	vst.msk $0xffff, v5;
	s17 =	sadd.s32 $0x80, s17  }
0x3f: {  	s20 =	simm.s32 $0x4;
	s21 =	simm.s32 $0x8;
	s16 =	sor.u32 $0x4000, s16;
	[tilespmem:s18+$0xC30 ss:$0x41] =	vst.msk $0xffff, v6;
	v0 =	vld [tilespmem:s17+$0x30]  }
.LBB1_3:
0x40: {  	p1 =	sne.s32 s21, $0xFC;
	v5 =	vld [tilespmem:s17+$0xFFFFFFD0];
	[tilespmem:s18+$0x1040 ss:$0x41] =	vst.msk $0xffff, v4  }
0x41: {  	v6 =	vld [tilespmem:s17+$0xFFFFFFE0];
	[tilespmem:s18+$0x1450 ss:$0x41] =	vst.msk $0xffff, v3  }
0x42: {  	s22 =	sshra.s32 s20, $0x2;
	s20 =	smov.u32 s21;
	v7 =	vld [tilespmem:s17+$0xFFFFFFF0];
	[tilespmem:s18+$0x1860 ss:$0x41] =	vst.msk $0xffff, v2  }
.Ltmp3:
0x43: {  	v4 =	vld [tilespmem:s17+$0x0];
	[tilespmem:s18+$0x0 ss:$0x41] =	vst.msk $0xffff, v1;
	s18 =	sadd.s32 s22, s19;
	(pc) =	sbr.rel @p1 .LBB1_3-.Ltmp3, $4  }
0x44: {  	v3 =	vld [tilespmem:s17+$0x10];
	[tilespmem:s18+$0x1C70 ss:$0x41] =	vst.msk $0xffff, v0  }
0x45: {  	[tilespmem:s18+$0x410 ss:$0x41] =	vst.msk $0xffff, v5;
	v2 =	vld [tilespmem:s17+$0x20]  }
0x46: {  	v1 =	vld [tilespmem:s17+$0xFFFFFFC0];
	[tilespmem:s18+$0x820 ss:$0x41] =	vst.msk $0xffff, v6;
	s17 =	sadd.s32 $0x80, s17  }
0x47: {  	s21 =	sadd.s32 $0x4, s21;
	v0 =	vld [tilespmem:s17+$0x30];
	[tilespmem:s18+$0xC30 ss:$0x41] =	vst.msk $0xffff, v7  }
0x48: {  	s21 =	sshll.u32 s9, $0x7;
	s22 =	sshll.u32 s10, $0x3;
	s20 =	sshra.s32 s20, $0x2  }
0x49: {  	p1 =	sgt.s32 s9, $0xF41C0;
	s30 =	sshra.s32 s9, $0x1F;
	s25 =	sshra.s32 s10, $0x1F  }
0x4a: {  	v5 =	vld [tilespmem:s17+$0xFFFFFFD0];
	s28 =	sshrl.u32 s10, $0x3;
	s23 =	sand.u32 $0xFFFFFC00, s21;
	s22 =	sand.u32 $0xFFFFFC00, s22  }
0x4b: {  	[tilespmem:s18+$0x1040 ss:$0x41] =	vst.msk $0xffff, v4;
	v58 =	vld [tilespmem:s17+$0xFFFFFFE0];
	s21 =	sand.u32 $0x380, s21;
	s19 =	sadd.s32 s20, s19;
	s22 =	sadd.s32 s22, s23  }
0x4c: {  	v59 =	vld [tilespmem:s17+$0xFFFFFFF0];
	[tilespmem:s18+$0x1450 ss:$0x41] =	vst.msk $0xffff, v3;
	s29 =	sor.u32 s21, s22;
	s21 =	smov.u32 s9;
	s22 =	sand.u32 s30, s9  }
0x4d: {  	v60 =	vld [tilespmem:s17+$0x0];
	[tilespmem:s18+$0x1860 ss:$0x41] =	vst.msk $0xffff, v2;
	s30 =	sand.u32 $0x7, s10;
	s20 =	sshrl.u32 s29, $0x7;
	s21 =	simm.s32 @!p1 $0xF41C0  }
0x4e: {  	v61 =	vld [tilespmem:s17+$0x10];
	[tilespmem:s18+$0x0 ss:$0x41] =	vst.msk $0xffff, v1;
	p1 =	sgt.s32 s10, $0x40;
	s24 =	ssub.s32 s21, s22;
	s21 =	smov.u32 s10  }
0x4f: {  	v62 =	vld [tilespmem:s17+$0x20];
	[tilespmem:s19+$0x1C70 ss:$0x41] =	vst.msk $0xffff, v0;
	s31 =	smulhi.u32 $0x218DEF5, s20;
	s22 =	sand.u32 s25, s10;
	s21 =	simm.s32 @!p1 $0x40  }
0x50: {  	v63 =	vld [tilespmem:s17+$0xFFFFFFC0];
	[tilespmem:s19+$0x410 ss:$0x41] =	vst.msk $0xffff, v5;
	s26 =	sadd.s32 $0xFFF0BE40, s24;
	s17 =	ssub.s32 $0xF4240, s24;
	s21 =	ssub.s32 s21, s22  }
0x51: {  	[tilespmem:s19+$0x820 ss:$0x41] =	vst.msk $0xffff, v58;
	s23 =	sshrl.u32 s31, $0xD;
	p1 =	sgt.s32 s26, $0x7F;
	s27 =	sadd.s32 $0xFFFFFFC0, s21  }
0x52: {  	[tilespmem:s19+$0xC30 ss:$0x41] =	vst.msk $0xffff, v59;
	s23 =	smul.u32 $0xF4240, s23;
	s18 =	ssub.s32 $0x80, s21;
	p2 =	sgt.s32 s27, $0x3F  }
.Ltmp4:
0x53: {  	[tilespmem:s19+$0x1040 ss:$0x41] =	vst.msk $0xffff, v60;
	s17 =	simm.s32 @p1 $0x0;
	s18 =	simm.s32 @p2 $0x0;
	(pc) =	sbr.rel .LBB1_5-.Ltmp4, $4  }
0x54: {  	s29 =	sand.u32 $0xF, s28;
	[tilespmem:s19+$0x1450 ss:$0x41] =	vst.msk $0xffff, v61;
	s20 =	ssub.s32 s20, s23;
	s17 =	smul.u32 s18, s17  }
0x55: {  	[tilespmem:s19+$0x1860 ss:$0x41] =	vst.msk $0xffff, v62;
	s21 =	sshll.u32 s30, $0x12;
	s20 =	sshll.u32 s20, $0x4;
	s18 =	sadd.s32 s5, s29  }
0x56: {  	[tilespmem:s19+$0x0 ss:$0x41] =	vst.msk $0xffff, v63;
	s31 =	sor.u32 $0x40, s21;
	s18 =	sadd.s32 s20, s18;
	s17 =	sand.u32 $0x3FFFFFFF, s17  }
0x57: {  	[hbm4b:s18+s31] =	stream.strided.scatter [tilespmem:s16], [sflag:$0x2], s17, s8, s31, $0x18;
	[tilespmem:$0x8100] =	vst v63  }
.LBB1_6:
0x58: {  	_ =	sfence.sel $0x180000  }
0x59: {  	s2 =	simm.s32 $0x1;
	[bflag:$0x0] =	sbarrier.arrive $0xFFFF  }
0x5a: {  	s31 =	simm.s32 $0x2;
	[sflag:s2] =	ssyncpa.u1 $0x1  }
0x5b: {  	[sflag:s31] =	ssyncpa.u1 $0x1  }
0x5c: {  	p0 =	sne.s32 s1, $0x0;
	_ =	strace $0x9000004A  }
0x5d: {  	s0 =	sadd.s32 @!p0 $0x100000, s0;
	[bflag:$0x2] =	sbarrier.arrive $0xFFFF  }
0x5e: {  	[sflag:s0] =	ssyncadd.tile.s32 @!p0 $0x1;
	_ =	shalt  }
.Lfunc_end1:
_tile_overlayer_lowered:
.L_overlay_start_2:
0x5f: {  	(tag) =	ssettag $0x2  }
0x60: {  	s0 =	rddreg [dreg:$0x0];
	s2 =	stileid.u32  }
0x61: {  	s1 =	rddreg [dreg:$0x1];
	p0 =	sne.s32 s2, $0x0  }
0x62: {  	s3 =	rddreg [dreg:$0x2];
	[bflag:$0x3] =	sbarrier.arrive $0xFFFF;
	s2 =	simm.s32 @!p0 $0x1C01  }
0x63: {  	[timem:s3], [sflag:s2] =	dma.local @!p0 [hbm:s0], s1  }
0x64: {  	s0 =	simm.s32 @!p0 $0x1  }
0x65: {  	_ =	swait.ge @!p0 [sflag:s0], s1  }
0x66: {  	s1 =	ssub.s32 @!p0 $0x0, s1;
	[sflag:s0] =	ssyncset.done @!p0 $0x0  }
0x67: {  	[sflag:s0] =	ssyncadd.s32 @!p0 s1  }
0x68: {  	[bflag:$0x3] =	sbarrier.arrive $0xFFFF  }
0x69: {  	_ =	shalt  }

// kernel: sparse-core-data-format-call.cloned.1.call-start
scs
called_computation_lowered:
.L_overlay_start_0:
0x0: {  	s2 =	sld [smem:$0x3FD9]  }
0x1: {  	s3 =	sld [smem:$0x3FFE];
	_ =	sdelay $0x1  }
0x2: {  	s1 =	srdreg.scid  }
0x3: {  	s0 =	sand.u32 $0x1, s1  }
0x4: {  	s18 =	sshll.u32 s0, $0xA;
	s2 =	sadd.s32 s3, s2  }
0x5: {  	s2 =	sadd.s32 s2, s18  }
0x6: {  	[smem:$0x3FB4] =	sst s2  }
0x7: {  	_ = 	snop  }
0x8: {  	s2 =	sld [smem:$0x3FB9];
	(tm) =	ssettm $0x1  }
0x9: {  	s19 =	sld [smem:$0x3FFB];
	_ =	sdelay $0x3  }
0xa: {  	_ =	strace s19  }
0xb: {  	s3 =	sld [smem:$0x3FFC];
	_ =	sdelay $0x3  }
0xc: {  	_ =	strace s3  }
0xd: {  	s3 =	sld [smem:$0x3FFD];
	_ =	sdelay $0x3  }
0xe: {  	_ =	strace s3  }
0xf: {  	_ =	strace $0x8FFFFFFF  }
0x10: {  	s20 =	sld [smem:$0x3FDB];
	_ =	sdelay $0x1  }
0x11: {  	s4 =	simm.s32 $_scs_section_size  }
0x12: {  	s5 =	simm.s32 $_size__tile_overlayer_lowered;
	s6 =	simm.s32 $_tile_overlayer_lowered  }
0x13: {  	s23 =	simm.s32 $0x1BFF;
	s22 =	sshll.u32 s6, $0x1;
	s3 =	sadd.s32 s4, s20  }
0x14: {  	s7 =	simm.s32 $0x0;
	s21 =	sshll.u32 s5, $0x1;
	s5 =	sadd.s32 s22, s3  }
0x15: {  	[timem:s7], [sflag:s23] =	dma.local [hbm:s5], s21  }
0x16: {  	_ =	swait.ge [sflag:s23], s21  }
0x17: {  	s4 =	ssub.s32 $0x0, s21;
	[sflag:s23] =	ssyncset.done $0x0  }
0x18: {  	[sflag:s23] =	ssyncadd.s32 s4;
	_ =	sdelay $0x1  }
0x19: {  	s24 =	simm.s32 $0x1B8B  }
0x1a: {  	_ =	swait.ge [sflag:s24], $0x1  }
0x1b: {  	[sflag:s24] =	ssyncset.done $0x0  }
0x1c: {  	s26 =	simm.s32 $0x1B8E;
	s25 =	sld [smem:$0x3FFE];
	[sflag:s24] =	ssyncadd.s32 $0xFFFFFFFF  }
0x1d: {  	s27 =	simm.s32 $execute0_lowered;
	[smem:$0x3FD2] =	sst s26  }
0x1e: {  	s5 =	sshll.u32 s27, $0x1;
	_ =	strace $0x80000046;
	[dreg:$0x1] =	wrdreg $0xFFFFFFFF  }
0x1f: {  	s28 =	simm.s32 $_size_execute0_lowered;
	s3 =	sadd.s32 s3, s5;
	[dreg:$0x0] =	wrdreg $0x0  }
0x20: {  	s5 =	sshll.u32 s28, $0x1;
	[dreg:$0x2] =	wrdreg s3  }
0x21: {  	[dreg:$0x3] =	wrdreg s5  }
0x22: {  	[dreg:$0x4] =	wrdreg $0xC0  }
0x23: {  	_ =	task [dreg:s7], $0x5FFFF  }
0x24: {  	[dreg:$0x1] =	wrdreg $0xFFFFFFFF  }
0x25: {  	[dreg:$0x0] =	wrdreg $0x60  }
0x26: {  	[dreg:$0x2] =	wrdreg s2  }
0x27: {  	[dreg:$0x3] =	wrdreg s25  }
0x28: {  	[dreg:$0x4] =	wrdreg $0x9  }
0x29: {  	_ =	task.clear_ibuf [dreg:s7], $0x5FFFF;
	_ =	strace $0x90000046  }
0x2a: {  	s29 =	simm.s32 $0x9;
	_ =	strace $0x80000048  }
0x2b: {  	_ =	swait.ge [sflag:s29], $0x1  }
0x2c: {  	[sflag:s29] =	ssyncadd.s32 $0xFFFFFFFF  }
0x2d: {  	_ =	strace $0x90000048  }
0x2e: {  	_ =	sfence  }
0x2f: {  	s30 =	sld [smem:$0x0];
	_ =	sdelay $0x2  }
0x30: {  	s31 =	sshll.u32 s1, $0xD;
	s1 =	sshrl.u32 s1, $0x2  }
0x31: {  	s3 =	sand.u32 $0x4000, s31;
	s1 =	sadd.s32 s1, s30  }
0x32: {  	s0 =	sor.u32 s3, s0;
	s1 =	sshll.u32 s1, $0x11  }
0x33: {  	s0 =	sor.u32 s1, s0  }
0x34: {  	s0 =	sadd.s32 $0x8F2B, s0  }
0x35: {  	[sflag:s0] =	ssyncadd.remote.s32 $0x1  }
0x36: {  	_ =	sfence.sel $0xFFFF  }
0x37: {  	[dreg:$0x0] =	wrdreg $0xFFFFFFFF;
	(pc) =	sbr.abs _section_cstart, $3  }
0x38: {  	[dreg:$0x1] =	wrdreg $0xFFFFFFFF  }
0x39: {  	_ =	task.clear_ibuf [dreg:s7], $0x2FFFF;
	_ =	strace $0x9FFFFFFF  }
0x3a: {  	(tm) =	ssettm $0x7FFFFFFF  }
0x3b: {  	_ =	shalt  }
tec
execute0_lowered:
.L_overlay_start_1:
0x0: {  	(tag) =	ssettag $0x1  }
0x1: {  	s0 =	srdreg.scid;
	s2 =	rddreg [dreg:$0x0]  }
0x2: {  	s5 =	rddreg [dreg:$0x1];
	s1 =	stileid.u32  }
0x3: {  	s4 =	simm.s32 $0x1;
	s6 =	simm.s32 $0x2;
	s15 =	simm.s32 $0x0  }
0x4: {  	p0 =	por $0x0, $0x0;
	s8 =	simm.s32 $0x80;
	s0 =	sshll.u32 s0, $0x4  }
0x5: {  	s14 =	simm.s32 $0x0;
	s9 =	simm.s32 $0x0;
	s3 =	sand.u32 $0x10, s0  }
.Ltmp0:
0x6: {  	s10 =	simm.s32 $0x0;
	s3 =	sor.u32 s1, s3;
	(pc) =	sbr.rel .LBB1_1-.Ltmp0, $4  }
0x7: {  	s0 =	rddreg [dreg:$0x2];
	_ =	strace $0x80000047;
	s3 =	sshll.u32 s3, $0x7  }
0x8: {  	s12 =	simm.s32 $0x0;
	[sflag:s4] =	ssyncpa.u1 $0x0;
	s7 =	ssub.s32 $0xF4200, s3  }
0x9: {  	s13 =	simm.s32 $0x0;
	[sflag:s6] =	ssyncpa.u1 $0x0;
	s6 =	sshrl.u32 s7, $0xC  }
0xa: {  	s5 =	sadd.s32 $0x4400, s5;
	s11 =	smov.u32 s3;
	s7 =	sadd.s32 $0x2, s6  }
.LBB1_5:
0xb: {  	p1 =	slt.u32 s13, $0x2  }
0xc: {  	s17 =	smov.u32 s15;
	p2 =	sgt.s32 @!p1 s15, $0xF41C0;
	s16 =	sshra.s32 @!p1 s15, $0x1F  }
0xd: {  	p3 =	sgt.s32 @!p1 s14, $0x40;
	s18 =	sshra.s32 @!p1 s14, $0x1F;
	p2 =	por !p2, p1  }
0xe: {  	s15 =	sand.u32 @!p1 s16, s15;
	p3 =	por !p3, p1;
	s16 =	smov.u32 s14  }
0xf: {  	s14 =	sand.u32 @!p1 s18, s14;
	s17 =	simm.s32 @p2 $0xF41C0;
	s16 =	simm.s32 @p3 $0x40  }
0x10: {  	s15 =	ssub.s32 @!p1 s17, s15;
	s14 =	ssub.s32 @!p1 s16, s14  }
0x11: {  	s18 =	smov.u32 s12;
	s16 =	sadd.s32 @!p1 $0xFFF0BE40, s15;
	s17 =	sadd.s32 @!p1 $0xFFFFFFC0, s14  }
0x12: {  	s15 =	ssub.s32 @!p1 $0xF4240, s15;
	p2 =	sgt.s32 @!p1 s16, $0x7F;
	p3 =	sgt.s32 @!p1 s17, $0x3F  }
0x13: {  	s14 =	ssub.s32 @!p1 $0x80, s14;
	p2 =	por !p2, p1;
	p3 =	por !p3, p1  }
0x14: {  	s16 =	sadd.s32 $0x1000, s11;
	s15 =	simm.s32 @!p2 $0x0;
	s14 =	simm.s32 @!p3 $0x0  }
0x15: {  	p2 =	sgt.s32 s16, $0xF423F;
	s14 =	smul.u32 @!p1 s14, s15;
	s15 =	sadd.s32 $0x40, s12  }
0x16: {  	s18 =	smov.u32 @p2 s15  }
0x17: {  	s16 =	smov.u32 @p2 s3;
	p2 =	sgt.s32 s18, $0x3F  }
0x18: {  	s18 =	simm.s32 @p2 $0x0;
	p2 =	sne.s32 s13, s7  }
.Ltmp1:
0x19: {  	p0 =	por !p0, !p0;
	s17 =	simm.s32 @!p1 $0x2;
	(pc) =	sbr.rel @!p2 .LBB1_6-.Ltmp1, $4  }
0x1a: {  	s15 =	smov.u32 s9;
	s9 =	smov.u32 s11;
	s14 =	sand.u32 @!p1 $0x3FFFFFFF, s14  }
0x1b: {  	s11 =	smov.u32 s16;
	_ =	swait.ge @!p1 [sflag:s17], s14;
	s19 =	ssub.s32 @!p1 $0x0, s14  }
0x1c: {  	s14 =	smov.u32 s10;
	s13 =	sadd.s32 $0x1, s13;
	[sflag:s17] =	ssyncset.done @!p1 $0x0  }
0x1d: {  	s10 =	smov.u32 s12;
	s12 =	smov.u32 s18;
	[sflag:s17] =	ssyncadd.s32 @!p1 s19  }
.LBB1_1:
0x1e: {  	p1 =	sgt.u32 s13, s6  }
0x1f: {  	s16 =	sshrl.u32 @!p1 s12, $0x3  }
0x20: {  	s17 =	sshll.u32 @!p1 s11, $0x3;
	s16 =	smul.u32 @!p1 $0x7A1400, s16  }
0x21: {  	s18 =	sshll.u32 @!p1 s12, $0x7;
	s17 =	sand.u32 @!p1 $0xFFFFFC00, s17  }
0x22: {  	s16 =	sadd.s32 @!p1 s16, s17;
	s17 =	sand.u32 @!p1 $0x380, s18  }
0x23: {  	s18 =	sand.u32 @!p1 $0x7F, s11;
	s16 =	sor.u32 @!p1 s17, s16  }
0x24: {  	s17 =	sor.u32 @!p1 s18, s16  }
0x25: {  	s18 =	smulhi.u32 @!p1 $0x218D6287, s17;
	_ =	sdelay $0x1  }
0x26: {  	s16 =	smulhi.u32 @!p1 $0x218D6287, s16;
	s18 =	sshrl.u32 @!p1 s18, $0x11  }
0x27: {  	s18 =	smul.u32 @!p1 $0xF4280, s18  }
0x28: {  	s19 =	sxor.u32 @!p1 $0xFFFFFFFF, s13;
	s16 =	sshrl.u32 @!p1 s16, $0x11  }
0x29: {  	s19 =	sshll.u32 @!p1 s19, $0xD;
	s16 =	sand.u32 @!p1 $0x3F, s16;
	s17 =	ssub.s32 @!p1 s17, s18  }
0x2a: {  	s16 =	smul.u32 @!p1 $0x1E850, s16;
	s18 =	sshrl.u32 @!p1 s17, $0x3;
	s17 =	sand.u32 @!p1 $0x7, s17  }
0x2b: {  	s19 =	sand.u32 @!p1 $0x2000, s19;
	s18 =	sadd.s32 @!p1 s2, s18;
	s17 =	sshll.u32 @!p1 s17, $0x12  }
0x2c: {  	s16 =	sadd.s32 @!p1 s16, s18;
	s17 =	sor.u32 @!p1 $0x400, s17;
	s18 =	simm.s32 @!p1 $0x7A1400  }
0x2d: {  	[tilespmem:s19], [sflag:$0x1] =	stream.strided.gather @!p1 [hbm4b:s16+s17], $0x2000, s18, s17, $0x38;
	[tilespmem:$0x8100] =	vst v63  }
0x2e: {  	p1 =	seq.s32 s13, $0x0  }
0x2f: {  	p2 =	sge.u32 @!p1 s13, s7  }
0x30: {  	p1 =	por p1, p2  }
.Ltmp2:
0x31: {  	_ = 	snop;
	(pc) =	sbr.rel @p1 .LBB1_5-.Ltmp2, $1  }
0x32: {  	_ =	sdelay $0x3  }
0x33: {  	s16 =	simm.s32 $0x1  }
0x34: {  	_ =	swait.ge [sflag:s4], $0x2000;
	s16 =	simm.s32 @!p0 $0x0  }
0x35: {  	[sflag:s4] =	ssyncset.done $0x0;
	s17 =	sshll.u32 s16, $0xD  }
0x36: {  	[sflag:s4] =	ssyncadd.s32 $0xFFFFE000;
	s17 =	sor.u32 $0x40, s17  }
0x37: {  	s16 =	smul.u32 $0x8200, s16;
	v0 =	vld [tilespmem:s17+$0x30]  }
0x38: {  	v1 =	vld [tilespmem:s17+$0xFFFFFFD0]  }
0x39: {  	s16 =	sshrl.u32 s16, $0x2;
	v5 =	vld [tilespmem:s17+$0xFFFFFFE0]  }
0x3a: {  	v6 =	vld [tilespmem:s17+$0xFFFFFFF0];
	s19 =	sor.u32 $0x4000, s16  }
0x3b: {  	s31 =	sand.u32 $0x1, s13;
	v4 =	vld [tilespmem:s17+$0x0];
	s18 =	sadd.s32 $0x0, s19  }
0x3c: {  	v3 =	vld [tilespmem:s17+$0x10];
	s16 =	smul.u32 $0x8200, s31;
	[tilespmem:s18+$0x1C70 ss:$0x41] =	vst.msk $0xffff, v0  }
0x3d: {  	v2 =	vld [tilespmem:s17+$0x20];
	[tilespmem:s18+$0x410 ss:$0x41] =	vst.msk $0xffff, v1  }
0x3e: {  	s16 =	sshrl.u32 s16, $0x2;
	v1 =	vld [tilespmem:s17+$0xFFFFFFC0];
	[tilespmem:s18+$0x820 ss:$0x41] =	vst.msk $0xffff, v5;
	s17 =	sadd.s32 $0x80, s17  }
0x3f: {  	s20 =	simm.s32 $0x4;
	s21 =	simm.s32 $0x8;
	s16 =	sor.u32 $0x4000, s16;
	[tilespmem:s18+$0xC30 ss:$0x41] =	vst.msk $0xffff, v6;
	v0 =	vld [tilespmem:s17+$0x30]  }
.LBB1_3:
0x40: {  	p1 =	sne.s32 s21, $0xFC;
	v5 =	vld [tilespmem:s17+$0xFFFFFFD0];
	[tilespmem:s18+$0x1040 ss:$0x41] =	vst.msk $0xffff, v4  }
0x41: {  	v6 =	vld [tilespmem:s17+$0xFFFFFFE0];
	[tilespmem:s18+$0x1450 ss:$0x41] =	vst.msk $0xffff, v3  }
0x42: {  	s22 =	sshra.s32 s20, $0x2;
	s20 =	smov.u32 s21;
	v7 =	vld [tilespmem:s17+$0xFFFFFFF0];
	[tilespmem:s18+$0x1860 ss:$0x41] =	vst.msk $0xffff, v2  }
.Ltmp3:
0x43: {  	v4 =	vld [tilespmem:s17+$0x0];
	[tilespmem:s18+$0x0 ss:$0x41] =	vst.msk $0xffff, v1;
	s18 =	sadd.s32 s22, s19;
	(pc) =	sbr.rel @p1 .LBB1_3-.Ltmp3, $4  }
0x44: {  	v3 =	vld [tilespmem:s17+$0x10];
	[tilespmem:s18+$0x1C70 ss:$0x41] =	vst.msk $0xffff, v0  }
0x45: {  	[tilespmem:s18+$0x410 ss:$0x41] =	vst.msk $0xffff, v5;
	v2 =	vld [tilespmem:s17+$0x20]  }
0x46: {  	v1 =	vld [tilespmem:s17+$0xFFFFFFC0];
	[tilespmem:s18+$0x820 ss:$0x41] =	vst.msk $0xffff, v6;
	s17 =	sadd.s32 $0x80, s17  }
0x47: {  	s21 =	sadd.s32 $0x4, s21;
	v0 =	vld [tilespmem:s17+$0x30];
	[tilespmem:s18+$0xC30 ss:$0x41] =	vst.msk $0xffff, v7  }
0x48: {  	s21 =	sshll.u32 s9, $0x7;
	s22 =	sshll.u32 s10, $0x3;
	s20 =	sshra.s32 s20, $0x2  }
0x49: {  	p1 =	sgt.s32 s9, $0xF41C0;
	s30 =	sshra.s32 s9, $0x1F;
	s25 =	sshra.s32 s10, $0x1F  }
0x4a: {  	v5 =	vld [tilespmem:s17+$0xFFFFFFD0];
	s28 =	sshrl.u32 s10, $0x3;
	s23 =	sand.u32 $0xFFFFFC00, s21;
	s22 =	sand.u32 $0xFFFFFC00, s22  }
0x4b: {  	[tilespmem:s18+$0x1040 ss:$0x41] =	vst.msk $0xffff, v4;
	v58 =	vld [tilespmem:s17+$0xFFFFFFE0];
	s21 =	sand.u32 $0x380, s21;
	s19 =	sadd.s32 s20, s19;
	s22 =	sadd.s32 s22, s23  }
0x4c: {  	v59 =	vld [tilespmem:s17+$0xFFFFFFF0];
	[tilespmem:s18+$0x1450 ss:$0x41] =	vst.msk $0xffff, v3;
	s29 =	sor.u32 s21, s22;
	s21 =	smov.u32 s9;
	s22 =	sand.u32 s30, s9  }
0x4d: {  	v60 =	vld [tilespmem:s17+$0x0];
	[tilespmem:s18+$0x1860 ss:$0x41] =	vst.msk $0xffff, v2;
	s30 =	sand.u32 $0x7, s10;
	s20 =	sshrl.u32 s29, $0x7;
	s21 =	simm.s32 @!p1 $0xF41C0  }
0x4e: {  	v61 =	vld [tilespmem:s17+$0x10];
	[tilespmem:s18+$0x0 ss:$0x41] =	vst.msk $0xffff, v1;
	p1 =	sgt.s32 s10, $0x40;
	s24 =	ssub.s32 s21, s22;
	s21 =	smov.u32 s10  }
0x4f: {  	v62 =	vld [tilespmem:s17+$0x20];
	[tilespmem:s19+$0x1C70 ss:$0x41] =	vst.msk $0xffff, v0;
	s31 =	smulhi.u32 $0x218DEF5, s20;
	s22 =	sand.u32 s25, s10;
	s21 =	simm.s32 @!p1 $0x40  }
0x50: {  	v63 =	vld [tilespmem:s17+$0xFFFFFFC0];
	[tilespmem:s19+$0x410 ss:$0x41] =	vst.msk $0xffff, v5;
	s26 =	sadd.s32 $0xFFF0BE40, s24;
	s17 =	ssub.s32 $0xF4240, s24;
	s21 =	ssub.s32 s21, s22  }
0x51: {  	[tilespmem:s19+$0x820 ss:$0x41] =	vst.msk $0xffff, v58;
	s23 =	sshrl.u32 s31, $0xD;
	p1 =	sgt.s32 s26, $0x7F;
	s27 =	sadd.s32 $0xFFFFFFC0, s21  }
0x52: {  	[tilespmem:s19+$0xC30 ss:$0x41] =	vst.msk $0xffff, v59;
	s23 =	smul.u32 $0xF4240, s23;
	s18 =	ssub.s32 $0x80, s21;
	p2 =	sgt.s32 s27, $0x3F  }
.Ltmp4:
0x53: {  	[tilespmem:s19+$0x1040 ss:$0x41] =	vst.msk $0xffff, v60;
	s17 =	simm.s32 @p1 $0x0;
	s18 =	simm.s32 @p2 $0x0;
	(pc) =	sbr.rel .LBB1_5-.Ltmp4, $4  }
0x54: {  	s29 =	sand.u32 $0xF, s28;
	[tilespmem:s19+$0x1450 ss:$0x41] =	vst.msk $0xffff, v61;
	s20 =	ssub.s32 s20, s23;
	s17 =	smul.u32 s18, s17  }
0x55: {  	[tilespmem:s19+$0x1860 ss:$0x41] =	vst.msk $0xffff, v62;
	s21 =	sshll.u32 s30, $0x12;
	s20 =	sshll.u32 s20, $0x4;
	s18 =	sadd.s32 s5, s29  }
0x56: {  	[tilespmem:s19+$0x0 ss:$0x41] =	vst.msk $0xffff, v63;
	s31 =	sor.u32 $0x40, s21;
	s18 =	sadd.s32 s20, s18;
	s17 =	sand.u32 $0x3FFFFFFF, s17  }
0x57: {  	[hbm4b:s18+s31] =	stream.strided.scatter [tilespmem:s16], [sflag:$0x2], s17, s8, s31, $0x18;
	[tilespmem:$0x8100] =	vst v63  }
.LBB1_6:
0x58: {  	_ =	sfence.sel $0x180000  }
0x59: {  	s2 =	simm.s32 $0x1;
	[bflag:$0x0] =	sbarrier.arrive $0xFFFF  }
0x5a: {  	s31 =	simm.s32 $0x2;
	[sflag:s2] =	ssyncpa.u1 $0x1  }
0x5b: {  	[sflag:s31] =	ssyncpa.u1 $0x1  }
0x5c: {  	p0 =	sne.s32 s1, $0x0;
	_ =	strace $0x90000047  }
0x5d: {  	s0 =	sadd.s32 @!p0 $0x100000, s0;
	[bflag:$0x2] =	sbarrier.arrive $0xFFFF  }
0x5e: {  	[sflag:s0] =	ssyncadd.tile.s32 @!p0 $0x1;
	_ =	shalt  }
.Lfunc_end1:
_tile_overlayer_lowered:
.L_overlay_start_2:
0x5f: {  	(tag) =	ssettag $0x2  }
0x60: {  	s0 =	rddreg [dreg:$0x0];
	s2 =	stileid.u32  }
0x61: {  	s1 =	rddreg [dreg:$0x1];
	p0 =	sne.s32 s2, $0x0  }
0x62: {  	s3 =	rddreg [dreg:$0x2];
	[bflag:$0x3] =	sbarrier.arrive $0xFFFF;
	s2 =	simm.s32 @!p0 $0x1C01  }
0x63: {  	[timem:s3], [sflag:s2] =	dma.local @!p0 [hbm:s0], s1  }
0x64: {  	s0 =	simm.s32 @!p0 $0x1  }
0x65: {  	_ =	swait.ge @!p0 [sflag:s0], s1  }
0x66: {  	s1 =	ssub.s32 @!p0 $0x0, s1;
	[sflag:s0] =	ssyncset.done @!p0 $0x0  }
0x67: {  	[sflag:s0] =	ssyncadd.s32 @!p0 s1  }
0x68: {  	[bflag:$0x3] =	sbarrier.arrive $0xFFFF  }
0x69: {  	_ =	shalt  }

</sc_bundles>
